<compile_context>
chip_gen: v7x
topology: tpu7x:2x2x1
jax: 0.10.2.dev20260603
libtpu: 0.0.44.dev20260713+nightly
codegen_flags: <defaults>
</compile_context>

<pallas_src>
import jax
import jax.numpy as jnp
from jax import lax
from jax.experimental import pallas as pl
from jax.experimental.pallas import tpu as pltpu
from jax.experimental.pallas import tpu_sc as plsc

_B, _T, _C = 4, 2048, 1024
_BSC = 1
_BTC = _B - _BSC
_NC, _NS = 2, 16
_NW = _NC * _NS
_RPW = _T // _NW
_CH = 8
_STEPS = _RPW // _CH
_NIN = 5
_NOUT = 5
_NPE = 5
_NCHUNK = _STEPS * _BSC
_BT = 2048


def _sc_body(x_hbm, pe_hbm, out_hbm, xin, xout, pev,
             ldsems, stsems, pesems):
    wid = lax.axis_index("s") * _NC + lax.axis_index("c")
    rbase = wid * _RPW

    ld_desc = {}
    st_desc = {}
    pe_desc = {}

    def rows(k):
        s, b = divmod(k, _BSC)
        return b, pl.ds(rbase + s * _CH, _CH)

    def issue_load(k):
        buf = k % _NIN
        b, sl = rows(k)
        ld_desc[buf] = pltpu.async_copy(x_hbm.at[b, sl], xin[buf],
                                        ldsems[buf])

    def issue_pe(k):
        buf = k % _NPE
        _, sl = rows(k)
        pe_desc[buf] = pltpu.async_copy(pe_hbm.at[sl], pev[buf],
                                        pesems[buf])

    for k in range(min(_NIN, _NCHUNK)):
        issue_load(k)
    for k in range(min(_NPE, _NCHUNK)):
        issue_pe(k)

    for k in range(_NCHUNK):
        ibuf = k % _NIN
        obuf = k % _NOUT
        pbuf = k % _NPE
        ld_desc[ibuf].wait()
        pe_desc[pbuf].wait()
        if k >= _NOUT:
            st_desc[obuf].wait()
        xi = xin[ibuf]
        xo = xout[obuf]
        pv = pev[pbuf]

        @plsc.parallel_loop(0, _C, step=16, unroll=2)
        def _(j):
            sl = pl.ds(j, 16)
            for r in range(_CH):
                xo[r, sl] = xi[r, sl] + pv[r, sl]

        b, osl = rows(k)
        st_desc[obuf] = pltpu.async_copy(xo, out_hbm.at[b, osl],
                                         stsems[obuf])
        if k + _NIN < _NCHUNK:
            issue_load(k + _NIN)
        if k + _NPE < _NCHUNK:
            issue_pe(k + _NPE)

    for k in range(max(0, _NCHUNK - _NOUT), _NCHUNK):
        st_desc[k % _NOUT].wait()


def _sc_part(x, pos_emb):
    mesh = plsc.VectorSubcoreMesh(core_axis_name="c", subcore_axis_name="s")
    f = pl.kernel(
        _sc_body,
        mesh=mesh,
        out_type=jax.ShapeDtypeStruct((_BSC, _T, _C), jnp.float32),
        scratch_types=[
            [pltpu.VMEM((_CH, _C), jnp.float32)] * _NIN,
            [pltpu.VMEM((_CH, _C), jnp.float32)] * _NOUT,
            [pltpu.VMEM((_CH, _C), jnp.float32)] * _NPE,
            [pltpu.SemaphoreType.DMA] * _NIN,
            [pltpu.SemaphoreType.DMA] * _NOUT,
            [pltpu.SemaphoreType.DMA] * _NPE,
        ],
    )
    return f(x, pos_emb)


def _tc_add_body(x_ref, pe_ref, o_ref):
    o_ref[...] = x_ref[...] + pe_ref[...][None]


def _tc_part(x, pos_emb):
    return pl.pallas_call(
        _tc_add_body,
        grid=(_T // _BT, _BTC),
        in_specs=[
            pl.BlockSpec((1, _BT, _C), lambda t, b: (b + _BSC, t, 0)),
            pl.BlockSpec((_BT, _C), lambda t, b: (t, 0)),
        ],
        out_specs=pl.BlockSpec((1, _BT, _C), lambda t, b: (b + _BSC, t, 0)),
        out_shape=jax.ShapeDtypeStruct((_B, _T, _C), jnp.float32),
    )(x, pos_emb)


def kernel(x, pos_emb):
    tc_out = _tc_part(x, pos_emb)
    sc_out = _sc_part(x, pos_emb)
    sc_out = lax.optimization_barrier(sc_out)
    return lax.dynamic_update_slice(tc_out, sc_out, (0, 0, 0))

# --- scband reference (transcript-rebuilt; emitter-appended) ---
"""Pipeline reference for scband-positional-encoding-56367150793032 (READ-ONLY COPY).

The authoritative reference and input builder live on the scoring server;
editing this copy changes nothing except your own understanding.
"""

import jax, jax.numpy as jnp
import numpy as np


def setup_inputs(seed: int = 0) -> dict:
    key = jax.random.key(seed)
    k1, k2 = jax.random.split(key)
    x = jax.random.normal(k1, (4, 2048, 1024), dtype=jnp.float32)
    # nn.Embedding weight: [max_position_embeddings, hidden_dim]
    pos_emb = jax.random.normal(k2, (2048, 1024), dtype=jnp.float32) * 0.02
    return {"x": x, "pos_emb": pos_emb}


def reference(x, pos_emb):
    # position_ids buffer: arange(max_position_embeddings), sliced to seq_length
    seq_length = x.shape[1]
    position_ids = jnp.arange(seq_length, dtype=jnp.int32)
    # embedding lookup -> gather rows of the table
    pe = jnp.take(pos_emb, position_ids, axis=0)  # (T, C)
    out = x + pe[None, :, :]
    # dropout is identity in eval mode
    return out

if __name__ == "__main__":
    import jax
    _d = setup_inputs()
    print(jax.jit(kernel)(*tuple(_d.values())))

</pallas_src>

<mosaic_0001>
#map = affine_map<(d0, d1) -> (0, 0, 0)>
#map1 = affine_map<(d0, d1) -> (0, 0)>
module attributes {stable_mosaic.version = 14 : i64} {
  func.func @_sc_body(%arg0: i32, %arg1: i32, %arg2: memref<4x2048x1024xf32, #tpu.memory_space<hbm>>, %arg3: memref<2048x1024xf32, #tpu.memory_space<hbm>>, %arg4: memref<1x2048x1024xf32, #tpu.memory_space<hbm>>, %arg5: memref<8x1024xf32, #tpu.memory_space<vmem>>, %arg6: memref<8x1024xf32, #tpu.memory_space<vmem>>, %arg7: memref<8x1024xf32, #tpu.memory_space<vmem>>, %arg8: memref<8x1024xf32, #tpu.memory_space<vmem>>, %arg9: memref<8x1024xf32, #tpu.memory_space<vmem>>, %arg10: memref<8x1024xf32, #tpu.memory_space<vmem>>, %arg11: memref<8x1024xf32, #tpu.memory_space<vmem>>, %arg12: memref<8x1024xf32, #tpu.memory_space<vmem>>, %arg13: memref<8x1024xf32, #tpu.memory_space<vmem>>, %arg14: memref<8x1024xf32, #tpu.memory_space<vmem>>, %arg15: memref<8x1024xf32, #tpu.memory_space<vmem>>, %arg16: memref<8x1024xf32, #tpu.memory_space<vmem>>, %arg17: memref<8x1024xf32, #tpu.memory_space<vmem>>, %arg18: memref<8x1024xf32, #tpu.memory_space<vmem>>, %arg19: memref<8x1024xf32, #tpu.memory_space<vmem>>, %arg20: memref<!tpu.dma_semaphore, #tpu.memory_space<semaphore_mem>>, %arg21: memref<!tpu.dma_semaphore, #tpu.memory_space<semaphore_mem>>, %arg22: memref<!tpu.dma_semaphore, #tpu.memory_space<semaphore_mem>>, %arg23: memref<!tpu.dma_semaphore, #tpu.memory_space<semaphore_mem>>, %arg24: memref<!tpu.dma_semaphore, #tpu.memory_space<semaphore_mem>>, %arg25: memref<!tpu.dma_semaphore, #tpu.memory_space<semaphore_mem>>, %arg26: memref<!tpu.dma_semaphore, #tpu.memory_space<semaphore_mem>>, %arg27: memref<!tpu.dma_semaphore, #tpu.memory_space<semaphore_mem>>, %arg28: memref<!tpu.dma_semaphore, #tpu.memory_space<semaphore_mem>>, %arg29: memref<!tpu.dma_semaphore, #tpu.memory_space<semaphore_mem>>, %arg30: memref<!tpu.dma_semaphore, #tpu.memory_space<semaphore_mem>>, %arg31: memref<!tpu.dma_semaphore, #tpu.memory_space<semaphore_mem>>, %arg32: memref<!tpu.dma_semaphore, #tpu.memory_space<semaphore_mem>>, %arg33: memref<!tpu.dma_semaphore, #tpu.memory_space<semaphore_mem>>, %arg34: memref<!tpu.dma_semaphore, #tpu.memory_space<semaphore_mem>>) attributes {dimension_semantics = [#tpu.dimension_semantics<core_parallel>, #tpu.dimension_semantics<subcore_parallel>], iteration_bounds = array<i64: 2, 16>, scalar_prefetch = 0 : i64, scratch_operands = 30 : i64, tpu.core_type = #tpu.core_type<sc_vector_subcore>, window_params = [{transform_indices = #map}, {transform_indices = #map1}, {transform_indices = #map}]} {
    %mul3A = arith.constant 2 : i32
    %mul3A_0 = arith.muli %arg1, %mul3A : i32
    %add3A = arith.addi %mul3A_0, %arg0 : i32
    %mul3A_1 = arith.constant 64 : i32
    %mul3A_2 = arith.muli %add3A, %mul3A_1 : i32
    %add3A_3 = arith.constant 0 : i32
    %add3A_4 = arith.addi %mul3A_2, %add3A_3 : i32
    %dma_start3A = arith.constant 0 : i32
    %dma_start3A_5 = arith.constant 0 : i32
    %dma_start3A_6 = tpu.memref_slice %arg2[%dma_start3A, %add3A_4, %dma_start3A_5] : memref<4x2048x1024xf32, #tpu.memory_space<hbm>> -> memref<1x8x1024xf32, #tpu.memory_space<hbm>>
    %dma_start3A_7 = tpu.memref_squeeze %dma_start3A_6 : memref<1x8x1024xf32, #tpu.memory_space<hbm>> -> memref<8x1024xf32, #tpu.memory_space<hbm>>
    %dma_start3A_8 = arith.constant 0 : i32
    %dma_start3A_9 = tpu.memref_slice %arg2[%dma_start3A, %add3A_4, %dma_start3A_8] : memref<4x2048x1024xf32, #tpu.memory_space<hbm>> -> memref<1x8x1024xf32, #tpu.memory_space<hbm>>
    %dma_start3A_10 = tpu.memref_squeeze %dma_start3A_9 : memref<1x8x1024xf32, #tpu.memory_space<hbm>> -> memref<8x1024xf32, #tpu.memory_space<hbm>>
    tpu.enqueue_dma source(%dma_start3A_10 : memref<8x1024xf32, #tpu.memory_space<hbm>>) target(%arg5 : memref<8x1024xf32, #tpu.memory_space<vmem>>) target_semaphore(%arg20 : memref<!tpu.dma_semaphore, #tpu.memory_space<semaphore_mem>>)
    %add3A_11 = arith.constant 8 : i32
    %add3A_12 = arith.addi %mul3A_2, %add3A_11 : i32
    %dma_start3A_13 = arith.constant 0 : i32
    %dma_start3A_14 = arith.constant 0 : i32
    %dma_start3A_15 = tpu.memref_slice %arg2[%dma_start3A_13, %add3A_12, %dma_start3A_14] : memref<4x2048x1024xf32, #tpu.memory_space<hbm>> -> memref<1x8x1024xf32, #tpu.memory_space<hbm>>
    %dma_start3A_16 = tpu.memref_squeeze %dma_start3A_15 : memref<1x8x1024xf32, #tpu.memory_space<hbm>> -> memref<8x1024xf32, #tpu.memory_space<hbm>>
    %dma_start3A_17 = arith.constant 0 : i32
    %dma_start3A_18 = tpu.memref_slice %arg2[%dma_start3A_13, %add3A_12, %dma_start3A_17] : memref<4x2048x1024xf32, #tpu.memory_space<hbm>> -> memref<1x8x1024xf32, #tpu.memory_space<hbm>>
    %dma_start3A_19 = tpu.memref_squeeze %dma_start3A_18 : memref<1x8x1024xf32, #tpu.memory_space<hbm>> -> memref<8x1024xf32, #tpu.memory_space<hbm>>
    tpu.enqueue_dma source(%dma_start3A_19 : memref<8x1024xf32, #tpu.memory_space<hbm>>) target(%arg6 : memref<8x1024xf32, #tpu.memory_space<vmem>>) target_semaphore(%arg21 : memref<!tpu.dma_semaphore, #tpu.memory_space<semaphore_mem>>)
    %add3A_20 = arith.constant 16 : i32
    %add3A_21 = arith.addi %mul3A_2, %add3A_20 : i32
    %dma_start3A_22 = arith.constant 0 : i32
    %dma_start3A_23 = arith.constant 0 : i32
    %dma_start3A_24 = tpu.memref_slice %arg2[%dma_start3A_22, %add3A_21, %dma_start3A_23] : memref<4x2048x1024xf32, #tpu.memory_space<hbm>> -> memref<1x8x1024xf32, #tpu.memory_space<hbm>>
    %dma_start3A_25 = tpu.memref_squeeze %dma_start3A_24 : memref<1x8x1024xf32, #tpu.memory_space<hbm>> -> memref<8x1024xf32, #tpu.memory_space<hbm>>
    %dma_start3A_26 = arith.constant 0 : i32
    %dma_start3A_27 = tpu.memref_slice %arg2[%dma_start3A_22, %add3A_21, %dma_start3A_26] : memref<4x2048x1024xf32, #tpu.memory_space<hbm>> -> memref<1x8x1024xf32, #tpu.memory_space<hbm>>
    %dma_start3A_28 = tpu.memref_squeeze %dma_start3A_27 : memref<1x8x1024xf32, #tpu.memory_space<hbm>> -> memref<8x1024xf32, #tpu.memory_space<hbm>>
    tpu.enqueue_dma source(%dma_start3A_28 : memref<8x1024xf32, #tpu.memory_space<hbm>>) target(%arg7 : memref<8x1024xf32, #tpu.memory_space<vmem>>) target_semaphore(%arg22 : memref<!tpu.dma_semaphore, #tpu.memory_space<semaphore_mem>>)
    %add3A_29 = arith.constant 24 : i32
    %add3A_30 = arith.addi %mul3A_2, %add3A_29 : i32
    %dma_start3A_31 = arith.constant 0 : i32
    %dma_start3A_32 = arith.constant 0 : i32
    %dma_start3A_33 = tpu.memref_slice %arg2[%dma_start3A_31, %add3A_30, %dma_start3A_32] : memref<4x2048x1024xf32, #tpu.memory_space<hbm>> -> memref<1x8x1024xf32, #tpu.memory_space<hbm>>
    %dma_start3A_34 = tpu.memref_squeeze %dma_start3A_33 : memref<1x8x1024xf32, #tpu.memory_space<hbm>> -> memref<8x1024xf32, #tpu.memory_space<hbm>>
    %dma_start3A_35 = arith.constant 0 : i32
    %dma_start3A_36 = tpu.memref_slice %arg2[%dma_start3A_31, %add3A_30, %dma_start3A_35] : memref<4x2048x1024xf32, #tpu.memory_space<hbm>> -> memref<1x8x1024xf32, #tpu.memory_space<hbm>>
    %dma_start3A_37 = tpu.memref_squeeze %dma_start3A_36 : memref<1x8x1024xf32, #tpu.memory_space<hbm>> -> memref<8x1024xf32, #tpu.memory_space<hbm>>
    tpu.enqueue_dma source(%dma_start3A_37 : memref<8x1024xf32, #tpu.memory_space<hbm>>) target(%arg8 : memref<8x1024xf32, #tpu.memory_space<vmem>>) target_semaphore(%arg23 : memref<!tpu.dma_semaphore, #tpu.memory_space<semaphore_mem>>)
    %add3A_38 = arith.constant 32 : i32
    %add3A_39 = arith.addi %mul3A_2, %add3A_38 : i32
    %dma_start3A_40 = arith.constant 0 : i32
    %dma_start3A_41 = arith.constant 0 : i32
    %dma_start3A_42 = tpu.memref_slice %arg2[%dma_start3A_40, %add3A_39, %dma_start3A_41] : memref<4x2048x1024xf32, #tpu.memory_space<hbm>> -> memref<1x8x1024xf32, #tpu.memory_space<hbm>>
    %dma_start3A_43 = tpu.memref_squeeze %dma_start3A_42 : memref<1x8x1024xf32, #tpu.memory_space<hbm>> -> memref<8x1024xf32, #tpu.memory_space<hbm>>
    %dma_start3A_44 = arith.constant 0 : i32
    %dma_start3A_45 = tpu.memref_slice %arg2[%dma_start3A_40, %add3A_39, %dma_start3A_44] : memref<4x2048x1024xf32, #tpu.memory_space<hbm>> -> memref<1x8x1024xf32, #tpu.memory_space<hbm>>
    %dma_start3A_46 = tpu.memref_squeeze %dma_start3A_45 : memref<1x8x1024xf32, #tpu.memory_space<hbm>> -> memref<8x1024xf32, #tpu.memory_space<hbm>>
    tpu.enqueue_dma source(%dma_start3A_46 : memref<8x1024xf32, #tpu.memory_space<hbm>>) target(%arg9 : memref<8x1024xf32, #tpu.memory_space<vmem>>) target_semaphore(%arg24 : memref<!tpu.dma_semaphore, #tpu.memory_space<semaphore_mem>>)
    %add3A_47 = arith.constant 0 : i32
    %add3A_48 = arith.addi %mul3A_2, %add3A_47 : i32
    %dma_start3A_49 = arith.constant 0 : i32
    %dma_start3A_50 = tpu.memref_slice %arg3[%add3A_48, %dma_start3A_49] : memref<2048x1024xf32, #tpu.memory_space<hbm>> -> memref<8x1024xf32, #tpu.memory_space<hbm>>
    %dma_start3A_51 = arith.constant 0 : i32
    %dma_start3A_52 = tpu.memref_slice %arg3[%add3A_48, %dma_start3A_51] : memref<2048x1024xf32, #tpu.memory_space<hbm>> -> memref<8x1024xf32, #tpu.memory_space<hbm>>
    tpu.enqueue_dma source(%dma_start3A_52 : memref<8x1024xf32, #tpu.memory_space<hbm>>) target(%arg15 : memref<8x1024xf32, #tpu.memory_space<vmem>>) target_semaphore(%arg30 : memref<!tpu.dma_semaphore, #tpu.memory_space<semaphore_mem>>)
    %add3A_53 = arith.constant 8 : i32
    %add3A_54 = arith.addi %mul3A_2, %add3A_53 : i32
    %dma_start3A_55 = arith.constant 0 : i32
    %dma_start3A_56 = tpu.memref_slice %arg3[%add3A_54, %dma_start3A_55] : memref<2048x1024xf32, #tpu.memory_space<hbm>> -> memref<8x1024xf32, #tpu.memory_space<hbm>>
    %dma_start3A_57 = arith.constant 0 : i32
    %dma_start3A_58 = tpu.memref_slice %arg3[%add3A_54, %dma_start3A_57] : memref<2048x1024xf32, #tpu.memory_space<hbm>> -> memref<8x1024xf32, #tpu.memory_space<hbm>>
    tpu.enqueue_dma source(%dma_start3A_58 : memref<8x1024xf32, #tpu.memory_space<hbm>>) target(%arg16 : memref<8x1024xf32, #tpu.memory_space<vmem>>) target_semaphore(%arg31 : memref<!tpu.dma_semaphore, #tpu.memory_space<semaphore_mem>>)
    %add3A_59 = arith.constant 16 : i32
    %add3A_60 = arith.addi %mul3A_2, %add3A_59 : i32
    %dma_start3A_61 = arith.constant 0 : i32
    %dma_start3A_62 = tpu.memref_slice %arg3[%add3A_60, %dma_start3A_61] : memref<2048x1024xf32, #tpu.memory_space<hbm>> -> memref<8x1024xf32, #tpu.memory_space<hbm>>
    %dma_start3A_63 = arith.constant 0 : i32
    %dma_start3A_64 = tpu.memref_slice %arg3[%add3A_60, %dma_start3A_63] : memref<2048x1024xf32, #tpu.memory_space<hbm>> -> memref<8x1024xf32, #tpu.memory_space<hbm>>
    tpu.enqueue_dma source(%dma_start3A_64 : memref<8x1024xf32, #tpu.memory_space<hbm>>) target(%arg17 : memref<8x1024xf32, #tpu.memory_space<vmem>>) target_semaphore(%arg32 : memref<!tpu.dma_semaphore, #tpu.memory_space<semaphore_mem>>)
    %add3A_65 = arith.constant 24 : i32
    %add3A_66 = arith.addi %mul3A_2, %add3A_65 : i32
    %dma_start3A_67 = arith.constant 0 : i32
    %dma_start3A_68 = tpu.memref_slice %arg3[%add3A_66, %dma_start3A_67] : memref<2048x1024xf32, #tpu.memory_space<hbm>> -> memref<8x1024xf32, #tpu.memory_space<hbm>>
    %dma_start3A_69 = arith.constant 0 : i32
    %dma_start3A_70 = tpu.memref_slice %arg3[%add3A_66, %dma_start3A_69] : memref<2048x1024xf32, #tpu.memory_space<hbm>> -> memref<8x1024xf32, #tpu.memory_space<hbm>>
    tpu.enqueue_dma source(%dma_start3A_70 : memref<8x1024xf32, #tpu.memory_space<hbm>>) target(%arg18 : memref<8x1024xf32, #tpu.memory_space<vmem>>) target_semaphore(%arg33 : memref<!tpu.dma_semaphore, #tpu.memory_space<semaphore_mem>>)
    %add3A_71 = arith.constant 32 : i32
    %add3A_72 = arith.addi %mul3A_2, %add3A_71 : i32
    %dma_start3A_73 = arith.constant 0 : i32
    %dma_start3A_74 = tpu.memref_slice %arg3[%add3A_72, %dma_start3A_73] : memref<2048x1024xf32, #tpu.memory_space<hbm>> -> memref<8x1024xf32, #tpu.memory_space<hbm>>
    %dma_start3A_75 = arith.constant 0 : i32
    %dma_start3A_76 = tpu.memref_slice %arg3[%add3A_72, %dma_start3A_75] : memref<2048x1024xf32, #tpu.memory_space<hbm>> -> memref<8x1024xf32, #tpu.memory_space<hbm>>
    tpu.enqueue_dma source(%dma_start3A_76 : memref<8x1024xf32, #tpu.memory_space<hbm>>) target(%arg19 : memref<8x1024xf32, #tpu.memory_space<vmem>>) target_semaphore(%arg34 : memref<!tpu.dma_semaphore, #tpu.memory_space<semaphore_mem>>)
    %dma_wait3A = arith.constant 0 : i32
    %dma_wait3A_77 = arith.constant 0 : i32
    %dma_wait3A_78 = tpu.memref_slice %arg2[%dma_wait3A, %add3A_4, %dma_wait3A_77] : memref<4x2048x1024xf32, #tpu.memory_space<hbm>> -> memref<1x8x1024xf32, #tpu.memory_space<hbm>>
    %dma_wait3A_79 = tpu.memref_squeeze %dma_wait3A_78 : memref<1x8x1024xf32, #tpu.memory_space<hbm>> -> memref<8x1024xf32, #tpu.memory_space<hbm>>
    %dma_wait3A_80 = arith.constant 0 : i32
    %dma_wait3A_81 = tpu.memref_slice %arg2[%dma_wait3A, %add3A_4, %dma_wait3A_80] : memref<4x2048x1024xf32, #tpu.memory_space<hbm>> -> memref<1x8x1024xf32, #tpu.memory_space<hbm>>
    %dma_wait3A_82 = tpu.memref_squeeze %dma_wait3A_81 : memref<1x8x1024xf32, #tpu.memory_space<hbm>> -> memref<8x1024xf32, #tpu.memory_space<hbm>>
    tpu.wait_dma2 semaphore(%arg20 : memref<!tpu.dma_semaphore, #tpu.memory_space<semaphore_mem>>) src(%dma_wait3A_82 : memref<8x1024xf32, #tpu.memory_space<hbm>>) dst(%arg5 : memref<8x1024xf32, #tpu.memory_space<vmem>>)
    %dma_wait3A_83 = arith.constant 0 : i32
    %dma_wait3A_84 = tpu.memref_slice %arg3[%add3A_48, %dma_wait3A_83] : memref<2048x1024xf32, #tpu.memory_space<hbm>> -> memref<8x1024xf32, #tpu.memory_space<hbm>>
    %dma_wait3A_85 = arith.constant 0 : i32
    %dma_wait3A_86 = tpu.memref_slice %arg3[%add3A_48, %dma_wait3A_85] : memref<2048x1024xf32, #tpu.memory_space<hbm>> -> memref<8x1024xf32, #tpu.memory_space<hbm>>
    tpu.wait_dma2 semaphore(%arg30 : memref<!tpu.dma_semaphore, #tpu.memory_space<semaphore_mem>>) src(%dma_wait3A_86 : memref<8x1024xf32, #tpu.memory_space<hbm>>) dst(%arg15 : memref<8x1024xf32, #tpu.memory_space<vmem>>)
    %parallel_loop3A = arith.constant 0 : i32
    %parallel_loop3A_87 = arith.constant 1024 : i32
    %parallel_loop3A_88 = arith.constant 16 : i32
    scf.for %parallel_loop3A_360 = %parallel_loop3A to %parallel_loop3A_87 step %parallel_loop3A_88  : i32 {
      %parallel_loop3A_361 = arith.constant 0 : i32
      %parallel_loop3A_362 = arith.index_cast %parallel_loop3A_361 : i32 to index
      %parallel_loop3A_363 = arith.index_cast %parallel_loop3A_360 : i32 to index
      %parallel_loop3A_364 = tpu.vector_load %arg5[%parallel_loop3A_362, %parallel_loop3A_363] {strides = array<i32>} : memref<8x1024xf32, #tpu.memory_space<vmem>>, vector<1x16xf32>,
      %parallel_loop3A_365 = vector.shape_cast %parallel_loop3A_364 : vector<1x16xf32> to vector<16xf32>
      %parallel_loop3A_366 = arith.constant 0 : i32
      %parallel_loop3A_367 = arith.index_cast %parallel_loop3A_366 : i32 to index
      %parallel_loop3A_368 = arith.index_cast %parallel_loop3A_360 : i32 to index
      %parallel_loop3A_369 = tpu.vector_load %arg15[%parallel_loop3A_367, %parallel_loop3A_368] {strides = array<i32>} : memref<8x1024xf32, #tpu.memory_space<vmem>>, vector<1x16xf32>,
      %parallel_loop3A_370 = vector.shape_cast %parallel_loop3A_369 : vector<1x16xf32> to vector<16xf32>
      %parallel_loop3A_371 = arith.addf %parallel_loop3A_365, %parallel_loop3A_370 : vector<16xf32>
      %parallel_loop3A_372 = arith.constant 0 : i32
      %parallel_loop3A_373 = arith.index_cast %parallel_loop3A_372 : i32 to index
      %parallel_loop3A_374 = arith.index_cast %parallel_loop3A_360 : i32 to index
      %parallel_loop3A_375 = tpu.vector_load %arg10[%parallel_loop3A_373, %parallel_loop3A_374] {strides = array<i32>} : memref<8x1024xf32, #tpu.memory_space<vmem>>, vector<1x16xf32>,
      %parallel_loop3A_376 = vector.shape_cast %parallel_loop3A_375 : vector<1x16xf32> to vector<16xf32>
      %parallel_loop3A_377 = vector.shape_cast %parallel_loop3A_371 : vector<16xf32> to vector<1x16xf32>
      tpu.vector_store %arg10[%parallel_loop3A_373, %parallel_loop3A_374], %parallel_loop3A_377 {strides = array<i32>} : memref<8x1024xf32, #tpu.memory_space<vmem>>, vector<1x16xf32>,
      %parallel_loop3A_378 = arith.constant 1 : i32
      %parallel_loop3A_379 = arith.index_cast %parallel_loop3A_378 : i32 to index
      %parallel_loop3A_380 = arith.index_cast %parallel_loop3A_360 : i32 to index
      %parallel_loop3A_381 = tpu.vector_load %arg5[%parallel_loop3A_379, %parallel_loop3A_380] {strides = array<i32>} : memref<8x1024xf32, #tpu.memory_space<vmem>>, vector<1x16xf32>,
      %parallel_loop3A_382 = vector.shape_cast %parallel_loop3A_381 : vector<1x16xf32> to vector<16xf32>
      %parallel_loop3A_383 = arith.constant 1 : i32
      %parallel_loop3A_384 = arith.index_cast %parallel_loop3A_383 : i32 to index
      %parallel_loop3A_385 = arith.index_cast %parallel_loop3A_360 : i32 to index
      %parallel_loop3A_386 = tpu.vector_load %arg15[%parallel_loop3A_384, %parallel_loop3A_385] {strides = array<i32>} : memref<8x1024xf32, #tpu.memory_space<vmem>>, vector<1x16xf32>,
      %parallel_loop3A_387 = vector.shape_cast %parallel_loop3A_386 : vector<1x16xf32> to vector<16xf32>
      %parallel_loop3A_388 = arith.addf %parallel_loop3A_382, %parallel_loop3A_387 : vector<16xf32>
      %parallel_loop3A_389 = arith.constant 1 : i32
      %parallel_loop3A_390 = arith.index_cast %parallel_loop3A_389 : i32 to index
      %parallel_loop3A_391 = arith.index_cast %parallel_loop3A_360 : i32 to index
      %parallel_loop3A_392 = tpu.vector_load %arg10[%parallel_loop3A_390, %parallel_loop3A_391] {strides = array<i32>} : memref<8x1024xf32, #tpu.memory_space<vmem>>, vector<1x16xf32>,
      %parallel_loop3A_393 = vector.shape_cast %parallel_loop3A_392 : vector<1x16xf32> to vector<16xf32>
      %parallel_loop3A_394 = vector.shape_cast %parallel_loop3A_388 : vector<16xf32> to vector<1x16xf32>
      tpu.vector_store %arg10[%parallel_loop3A_390, %parallel_loop3A_391], %parallel_loop3A_394 {strides = array<i32>} : memref<8x1024xf32, #tpu.memory_space<vmem>>, vector<1x16xf32>,
      %parallel_loop3A_395 = arith.constant 2 : i32
      %parallel_loop3A_396 = arith.index_cast %parallel_loop3A_395 : i32 to index
      %parallel_loop3A_397 = arith.index_cast %parallel_loop3A_360 : i32 to index
      %parallel_loop3A_398 = tpu.vector_load %arg5[%parallel_loop3A_396, %parallel_loop3A_397] {strides = array<i32>} : memref<8x1024xf32, #tpu.memory_space<vmem>>, vector<1x16xf32>,
      %parallel_loop3A_399 = vector.shape_cast %parallel_loop3A_398 : vector<1x16xf32> to vector<16xf32>
      %parallel_loop3A_400 = arith.constant 2 : i32
      %parallel_loop3A_401 = arith.index_cast %parallel_loop3A_400 : i32 to index
      %parallel_loop3A_402 = arith.index_cast %parallel_loop3A_360 : i32 to index
      %parallel_loop3A_403 = tpu.vector_load %arg15[%parallel_loop3A_401, %parallel_loop3A_402] {strides = array<i32>} : memref<8x1024xf32, #tpu.memory_space<vmem>>, vector<1x16xf32>,
      %parallel_loop3A_404 = vector.shape_cast %parallel_loop3A_403 : vector<1x16xf32> to vector<16xf32>
      %parallel_loop3A_405 = arith.addf %parallel_loop3A_399, %parallel_loop3A_404 : vector<16xf32>
      %parallel_loop3A_406 = arith.constant 2 : i32
      %parallel_loop3A_407 = arith.index_cast %parallel_loop3A_406 : i32 to index
      %parallel_loop3A_408 = arith.index_cast %parallel_loop3A_360 : i32 to index
      %parallel_loop3A_409 = tpu.vector_load %arg10[%parallel_loop3A_407, %parallel_loop3A_408] {strides = array<i32>} : memref<8x1024xf32, #tpu.memory_space<vmem>>, vector<1x16xf32>,
      %parallel_loop3A_410 = vector.shape_cast %parallel_loop3A_409 : vector<1x16xf32> to vector<16xf32>
      %parallel_loop3A_411 = vector.shape_cast %parallel_loop3A_405 : vector<16xf32> to vector<1x16xf32>
      tpu.vector_store %arg10[%parallel_loop3A_407, %parallel_loop3A_408], %parallel_loop3A_411 {strides = array<i32>} : memref<8x1024xf32, #tpu.memory_space<vmem>>, vector<1x16xf32>,
      %parallel_loop3A_412 = arith.constant 3 : i32
      %parallel_loop3A_413 = arith.index_cast %parallel_loop3A_412 : i32 to index
      %parallel_loop3A_414 = arith.index_cast %parallel_loop3A_360 : i32 to index
      %parallel_loop3A_415 = tpu.vector_load %arg5[%parallel_loop3A_413, %parallel_loop3A_414] {strides = array<i32>} : memref<8x1024xf32, #tpu.memory_space<vmem>>, vector<1x16xf32>,
      %parallel_loop3A_416 = vector.shape_cast %parallel_loop3A_415 : vector<1x16xf32> to vector<16xf32>
      %parallel_loop3A_417 = arith.constant 3 : i32
      %parallel_loop3A_418 = arith.index_cast %parallel_loop3A_417 : i32 to index
      %parallel_loop3A_419 = arith.index_cast %parallel_loop3A_360 : i32 to index
      %parallel_loop3A_420 = tpu.vector_load %arg15[%parallel_loop3A_418, %parallel_loop3A_419] {strides = array<i32>} : memref<8x1024xf32, #tpu.memory_space<vmem>>, vector<1x16xf32>,
      %parallel_loop3A_421 = vector.shape_cast %parallel_loop3A_420 : vector<1x16xf32> to vector<16xf32>
      %parallel_loop3A_422 = arith.addf %parallel_loop3A_416, %parallel_loop3A_421 : vector<16xf32>
      %parallel_loop3A_423 = arith.constant 3 : i32
      %parallel_loop3A_424 = arith.index_cast %parallel_loop3A_423 : i32 to index
      %parallel_loop3A_425 = arith.index_cast %parallel_loop3A_360 : i32 to index
      %parallel_loop3A_426 = tpu.vector_load %arg10[%parallel_loop3A_424, %parallel_loop3A_425] {strides = array<i32>} : memref<8x1024xf32, #tpu.memory_space<vmem>>, vector<1x16xf32>,
      %parallel_loop3A_427 = vector.shape_cast %parallel_loop3A_426 : vector<1x16xf32> to vector<16xf32>
      %parallel_loop3A_428 = vector.shape_cast %parallel_loop3A_422 : vector<16xf32> to vector<1x16xf32>
      tpu.vector_store %arg10[%parallel_loop3A_424, %parallel_loop3A_425], %parallel_loop3A_428 {strides = array<i32>} : memref<8x1024xf32, #tpu.memory_space<vmem>>, vector<1x16xf32>,
      %parallel_loop3A_429 = arith.constant 4 : i32
      %parallel_loop3A_430 = arith.index_cast %parallel_loop3A_429 : i32 to index
      %parallel_loop3A_431 = arith.index_cast %parallel_loop3A_360 : i32 to index
      %parallel_loop3A_432 = tpu.vector_load %arg5[%parallel_loop3A_430, %parallel_loop3A_431] {strides = array<i32>} : memref<8x1024xf32, #tpu.memory_space<vmem>>, vector<1x16xf32>,
      %parallel_loop3A_433 = vector.shape_cast %parallel_loop3A_432 : vector<1x16xf32> to vector<16xf32>
      %parallel_loop3A_434 = arith.constant 4 : i32
      %parallel_loop3A_435 = arith.index_cast %parallel_loop3A_434 : i32 to index
      %parallel_loop3A_436 = arith.index_cast %parallel_loop3A_360 : i32 to index
      %parallel_loop3A_437 = tpu.vector_load %arg15[%parallel_loop3A_435, %parallel_loop3A_436] {strides = array<i32>} : memref<8x1024xf32, #tpu.memory_space<vmem>>, vector<1x16xf32>,
      %parallel_loop3A_438 = vector.shape_cast %parallel_loop3A_437 : vector<1x16xf32> to vector<16xf32>
      %parallel_loop3A_439 = arith.addf %parallel_loop3A_433, %parallel_loop3A_438 : vector<16xf32>
      %parallel_loop3A_440 = arith.constant 4 : i32
      %parallel_loop3A_441 = arith.index_cast %parallel_loop3A_440 : i32 to index
      %parallel_loop3A_442 = arith.index_cast %parallel_loop3A_360 : i32 to index
      %parallel_loop3A_443 = tpu.vector_load %arg10[%parallel_loop3A_441, %parallel_loop3A_442] {strides = array<i32>} : memref<8x1024xf32, #tpu.memory_space<vmem>>, vector<1x16xf32>,
      %parallel_loop3A_444 = vector.shape_cast %parallel_loop3A_443 : vector<1x16xf32> to vector<16xf32>
      %parallel_loop3A_445 = vector.shape_cast %parallel_loop3A_439 : vector<16xf32> to vector<1x16xf32>
      tpu.vector_store %arg10[%parallel_loop3A_441, %parallel_loop3A_442], %parallel_loop3A_445 {strides = array<i32>} : memref<8x1024xf32, #tpu.memory_space<vmem>>, vector<1x16xf32>,
      %parallel_loop3A_446 = arith.constant 5 : i32
      %parallel_loop3A_447 = arith.index_cast %parallel_loop3A_446 : i32 to index
      %parallel_loop3A_448 = arith.index_cast %parallel_loop3A_360 : i32 to index
      %parallel_loop3A_449 = tpu.vector_load %arg5[%parallel_loop3A_447, %parallel_loop3A_448] {strides = array<i32>} : memref<8x1024xf32, #tpu.memory_space<vmem>>, vector<1x16xf32>,
      %parallel_loop3A_450 = vector.shape_cast %parallel_loop3A_449 : vector<1x16xf32> to vector<16xf32>
      %parallel_loop3A_451 = arith.constant 5 : i32
      %parallel_loop3A_452 = arith.index_cast %parallel_loop3A_451 : i32 to index
      %parallel_loop3A_453 = arith.index_cast %parallel_loop3A_360 : i32 to index
      %parallel_loop3A_454 = tpu.vector_load %arg15[%parallel_loop3A_452, %parallel_loop3A_453] {strides = array<i32>} : memref<8x1024xf32, #tpu.memory_space<vmem>>, vector<1x16xf32>,
      %parallel_loop3A_455 = vector.shape_cast %parallel_loop3A_454 : vector<1x16xf32> to vector<16xf32>
      %parallel_loop3A_456 = arith.addf %parallel_loop3A_450, %parallel_loop3A_455 : vector<16xf32>
      %parallel_loop3A_457 = arith.constant 5 : i32
      %parallel_loop3A_458 = arith.index_cast %parallel_loop3A_457 : i32 to index
      %parallel_loop3A_459 = arith.index_cast %parallel_loop3A_360 : i32 to index
      %parallel_loop3A_460 = tpu.vector_load %arg10[%parallel_loop3A_458, %parallel_loop3A_459] {strides = array<i32>} : memref<8x1024xf32, #tpu.memory_space<vmem>>, vector<1x16xf32>,
      %parallel_loop3A_461 = vector.shape_cast %parallel_loop3A_460 : vector<1x16xf32> to vector<16xf32>
      %parallel_loop3A_462 = vector.shape_cast %parallel_loop3A_456 : vector<16xf32> to vector<1x16xf32>
      tpu.vector_store %arg10[%parallel_loop3A_458, %parallel_loop3A_459], %parallel_loop3A_462 {strides = array<i32>} : memref<8x1024xf32, #tpu.memory_space<vmem>>, vector<1x16xf32>,
      %parallel_loop3A_463 = arith.constant 6 : i32
      %parallel_loop3A_464 = arith.index_cast %parallel_loop3A_463 : i32 to index
      %parallel_loop3A_465 = arith.index_cast %parallel_loop3A_360 : i32 to index
      %parallel_loop3A_466 = tpu.vector_load %arg5[%parallel_loop3A_464, %parallel_loop3A_465] {strides = array<i32>} : memref<8x1024xf32, #tpu.memory_space<vmem>>, vector<1x16xf32>,
      %parallel_loop3A_467 = vector.shape_cast %parallel_loop3A_466 : vector<1x16xf32> to vector<16xf32>
      %parallel_loop3A_468 = arith.constant 6 : i32
      %parallel_loop3A_469 = arith.index_cast %parallel_loop3A_468 : i32 to index
      %parallel_loop3A_470 = arith.index_cast %parallel_loop3A_360 : i32 to index
      %parallel_loop3A_471 = tpu.vector_load %arg15[%parallel_loop3A_469, %parallel_loop3A_470] {strides = array<i32>} : memref<8x1024xf32, #tpu.memory_space<vmem>>, vector<1x16xf32>,
      %parallel_loop3A_472 = vector.shape_cast %parallel_loop3A_471 : vector<1x16xf32> to vector<16xf32>
      %parallel_loop3A_473 = arith.addf %parallel_loop3A_467, %parallel_loop3A_472 : vector<16xf32>
      %parallel_loop3A_474 = arith.constant 6 : i32
      %parallel_loop3A_475 = arith.index_cast %parallel_loop3A_474 : i32 to index
      %parallel_loop3A_476 = arith.index_cast %parallel_loop3A_360 : i32 to index
      %parallel_loop3A_477 = tpu.vector_load %arg10[%parallel_loop3A_475, %parallel_loop3A_476] {strides = array<i32>} : memref<8x1024xf32, #tpu.memory_space<vmem>>, vector<1x16xf32>,
      %parallel_loop3A_478 = vector.shape_cast %parallel_loop3A_477 : vector<1x16xf32> to vector<16xf32>
      %parallel_loop3A_479 = vector.shape_cast %parallel_loop3A_473 : vector<16xf32> to vector<1x16xf32>
      tpu.vector_store %arg10[%parallel_loop3A_475, %parallel_loop3A_476], %parallel_loop3A_479 {strides = array<i32>} : memref<8x1024xf32, #tpu.memory_space<vmem>>, vector<1x16xf32>,
      %parallel_loop3A_480 = arith.constant 7 : i32
      %parallel_loop3A_481 = arith.index_cast %parallel_loop3A_480 : i32 to index
      %parallel_loop3A_482 = arith.index_cast %parallel_loop3A_360 : i32 to index
      %parallel_loop3A_483 = tpu.vector_load %arg5[%parallel_loop3A_481, %parallel_loop3A_482] {strides = array<i32>} : memref<8x1024xf32, #tpu.memory_space<vmem>>, vector<1x16xf32>,
      %parallel_loop3A_484 = vector.shape_cast %parallel_loop3A_483 : vector<1x16xf32> to vector<16xf32>
      %parallel_loop3A_485 = arith.constant 7 : i32
      %parallel_loop3A_486 = arith.index_cast %parallel_loop3A_485 : i32 to index
      %parallel_loop3A_487 = arith.index_cast %parallel_loop3A_360 : i32 to index
      %parallel_loop3A_488 = tpu.vector_load %arg15[%parallel_loop3A_486, %parallel_loop3A_487] {strides = array<i32>} : memref<8x1024xf32, #tpu.memory_space<vmem>>, vector<1x16xf32>,
      %parallel_loop3A_489 = vector.shape_cast %parallel_loop3A_488 : vector<1x16xf32> to vector<16xf32>
      %parallel_loop3A_490 = arith.addf %parallel_loop3A_484, %parallel_loop3A_489 : vector<16xf32>
      %parallel_loop3A_491 = arith.constant 7 : i32
      %parallel_loop3A_492 = arith.index_cast %parallel_loop3A_491 : i32 to index
      %parallel_loop3A_493 = arith.index_cast %parallel_loop3A_360 : i32 to index
      %parallel_loop3A_494 = tpu.vector_load %arg10[%parallel_loop3A_492, %parallel_loop3A_493] {strides = array<i32>} : memref<8x1024xf32, #tpu.memory_space<vmem>>, vector<1x16xf32>,
      %parallel_loop3A_495 = vector.shape_cast %parallel_loop3A_494 : vector<1x16xf32> to vector<16xf32>
      %parallel_loop3A_496 = vector.shape_cast %parallel_loop3A_490 : vector<16xf32> to vector<1x16xf32>
      tpu.vector_store %arg10[%parallel_loop3A_492, %parallel_loop3A_493], %parallel_loop3A_496 {strides = array<i32>} : memref<8x1024xf32, #tpu.memory_space<vmem>>, vector<1x16xf32>,
    } {sc.loop_unroll_factor = 2 : i64, sc.parallel_access}
    %add3A_89 = arith.constant 0 : i32
    %add3A_90 = arith.addi %mul3A_2, %add3A_89 : i32
    %dma_start3A_91 = arith.constant 0 : i32
    %dma_start3A_92 = arith.constant 0 : i32
    %dma_start3A_93 = tpu.memref_slice %arg4[%dma_start3A_91, %add3A_90, %dma_start3A_92] : memref<1x2048x1024xf32, #tpu.memory_space<hbm>> -> memref<1x8x1024xf32, #tpu.memory_space<hbm>>
    %dma_start3A_94 = tpu.memref_squeeze %dma_start3A_93 : memref<1x8x1024xf32, #tpu.memory_space<hbm>> -> memref<8x1024xf32, #tpu.memory_space<hbm>>
    %dma_start3A_95 = arith.constant 0 : i32
    %dma_start3A_96 = tpu.memref_slice %arg4[%dma_start3A_91, %add3A_90, %dma_start3A_95] : memref<1x2048x1024xf32, #tpu.memory_space<hbm>> -> memref<1x8x1024xf32, #tpu.memory_space<hbm>>
    %dma_start3A_97 = tpu.memref_squeeze %dma_start3A_96 : memref<1x8x1024xf32, #tpu.memory_space<hbm>> -> memref<8x1024xf32, #tpu.memory_space<hbm>>
    tpu.enqueue_dma source(%arg10 : memref<8x1024xf32, #tpu.memory_space<vmem>>) target(%dma_start3A_97 : memref<8x1024xf32, #tpu.memory_space<hbm>>) target_semaphore(%arg25 : memref<!tpu.dma_semaphore, #tpu.memory_space<semaphore_mem>>)
    %add3A_98 = arith.constant 40 : i32
    %add3A_99 = arith.addi %mul3A_2, %add3A_98 : i32
    %dma_start3A_100 = arith.constant 0 : i32
    %dma_start3A_101 = arith.constant 0 : i32
    %dma_start3A_102 = tpu.memref_slice %arg2[%dma_start3A_100, %add3A_99, %dma_start3A_101] : memref<4x2048x1024xf32, #tpu.memory_space<hbm>> -> memref<1x8x1024xf32, #tpu.memory_space<hbm>>
    %dma_start3A_103 = tpu.memref_squeeze %dma_start3A_102 : memref<1x8x1024xf32, #tpu.memory_space<hbm>> -> memref<8x1024xf32, #tpu.memory_space<hbm>>
    %dma_start3A_104 = arith.constant 0 : i32
    %dma_start3A_105 = tpu.memref_slice %arg2[%dma_start3A_100, %add3A_99, %dma_start3A_104] : memref<4x2048x1024xf32, #tpu.memory_space<hbm>> -> memref<1x8x1024xf32, #tpu.memory_space<hbm>>
    %dma_start3A_106 = tpu.memref_squeeze %dma_start3A_105 : memref<1x8x1024xf32, #tpu.memory_space<hbm>> -> memref<8x1024xf32, #tpu.memory_space<hbm>>
    tpu.enqueue_dma source(%dma_start3A_106 : memref<8x1024xf32, #tpu.memory_space<hbm>>) target(%arg5 : memref<8x1024xf32, #tpu.memory_space<vmem>>) target_semaphore(%arg20 : memref<!tpu.dma_semaphore, #tpu.memory_space<semaphore_mem>>)
    %add3A_107 = arith.constant 40 : i32
    %add3A_108 = arith.addi %mul3A_2, %add3A_107 : i32
    %dma_start3A_109 = arith.constant 0 : i32
    %dma_start3A_110 = tpu.memref_slice %arg3[%add3A_108, %dma_start3A_109] : memref<2048x1024xf32, #tpu.memory_space<hbm>> -> memref<8x1024xf32, #tpu.memory_space<hbm>>
    %dma_start3A_111 = arith.constant 0 : i32
    %dma_start3A_112 = tpu.memref_slice %arg3[%add3A_108, %dma_start3A_111] : memref<2048x1024xf32, #tpu.memory_space<hbm>> -> memref<8x1024xf32, #tpu.memory_space<hbm>>
    tpu.enqueue_dma source(%dma_start3A_112 : memref<8x1024xf32, #tpu.memory_space<hbm>>) target(%arg15 : memref<8x1024xf32, #tpu.memory_space<vmem>>) target_semaphore(%arg30 : memref<!tpu.dma_semaphore, #tpu.memory_space<semaphore_mem>>)
    %dma_wait3A_113 = arith.constant 0 : i32
    %dma_wait3A_114 = arith.constant 0 : i32
    %dma_wait3A_115 = tpu.memref_slice %arg2[%dma_wait3A_113, %add3A_12, %dma_wait3A_114] : memref<4x2048x1024xf32, #tpu.memory_space<hbm>> -> memref<1x8x1024xf32, #tpu.memory_space<hbm>>
    %dma_wait3A_116 = tpu.memref_squeeze %dma_wait3A_115 : memref<1x8x1024xf32, #tpu.memory_space<hbm>> -> memref<8x1024xf32, #tpu.memory_space<hbm>>
    %dma_wait3A_117 = arith.constant 0 : i32
    %dma_wait3A_118 = tpu.memref_slice %arg2[%dma_wait3A_113, %add3A_12, %dma_wait3A_117] : memref<4x2048x1024xf32, #tpu.memory_space<hbm>> -> memref<1x8x1024xf32, #tpu.memory_space<hbm>>
    %dma_wait3A_119 = tpu.memref_squeeze %dma_wait3A_118 : memref<1x8x1024xf32, #tpu.memory_space<hbm>> -> memref<8x1024xf32, #tpu.memory_space<hbm>>
    tpu.wait_dma2 semaphore(%arg21 : memref<!tpu.dma_semaphore, #tpu.memory_space<semaphore_mem>>) src(%dma_wait3A_119 : memref<8x1024xf32, #tpu.memory_space<hbm>>) dst(%arg6 : memref<8x1024xf32, #tpu.memory_space<vmem>>)
    %dma_wait3A_120 = arith.constant 0 : i32
    %dma_wait3A_121 = tpu.memref_slice %arg3[%add3A_54, %dma_wait3A_120] : memref<2048x1024xf32, #tpu.memory_space<hbm>> -> memref<8x1024xf32, #tpu.memory_space<hbm>>
    %dma_wait3A_122 = arith.constant 0 : i32
    %dma_wait3A_123 = tpu.memref_slice %arg3[%add3A_54, %dma_wait3A_122] : memref<2048x1024xf32, #tpu.memory_space<hbm>> -> memref<8x1024xf32, #tpu.memory_space<hbm>>
    tpu.wait_dma2 semaphore(%arg31 : memref<!tpu.dma_semaphore, #tpu.memory_space<semaphore_mem>>) src(%dma_wait3A_123 : memref<8x1024xf32, #tpu.memory_space<hbm>>) dst(%arg16 : memref<8x1024xf32, #tpu.memory_space<vmem>>)
    %parallel_loop3A_124 = arith.constant 0 : i32
    %parallel_loop3A_125 = arith.constant 1024 : i32
    %parallel_loop3A_126 = arith.constant 16 : i32
    scf.for %parallel_loop3A_360 = %parallel_loop3A_124 to %parallel_loop3A_125 step %parallel_loop3A_126  : i32 {
      %parallel_loop3A_361 = arith.constant 0 : i32
      %parallel_loop3A_362 = arith.index_cast %parallel_loop3A_361 : i32 to index
      %parallel_loop3A_363 = arith.index_cast %parallel_loop3A_360 : i32 to index
      %parallel_loop3A_364 = tpu.vector_load %arg6[%parallel_loop3A_362, %parallel_loop3A_363] {strides = array<i32>} : memref<8x1024xf32, #tpu.memory_space<vmem>>, vector<1x16xf32>,
      %parallel_loop3A_365 = vector.shape_cast %parallel_loop3A_364 : vector<1x16xf32> to vector<16xf32>
      %parallel_loop3A_366 = arith.constant 0 : i32
      %parallel_loop3A_367 = arith.index_cast %parallel_loop3A_366 : i32 to index
      %parallel_loop3A_368 = arith.index_cast %parallel_loop3A_360 : i32 to index
      %parallel_loop3A_369 = tpu.vector_load %arg16[%parallel_loop3A_367, %parallel_loop3A_368] {strides = array<i32>} : memref<8x1024xf32, #tpu.memory_space<vmem>>, vector<1x16xf32>,
      %parallel_loop3A_370 = vector.shape_cast %parallel_loop3A_369 : vector<1x16xf32> to vector<16xf32>
      %parallel_loop3A_371 = arith.addf %parallel_loop3A_365, %parallel_loop3A_370 : vector<16xf32>
      %parallel_loop3A_372 = arith.constant 0 : i32
      %parallel_loop3A_373 = arith.index_cast %parallel_loop3A_372 : i32 to index
      %parallel_loop3A_374 = arith.index_cast %parallel_loop3A_360 : i32 to index
      %parallel_loop3A_375 = tpu.vector_load %arg11[%parallel_loop3A_373, %parallel_loop3A_374] {strides = array<i32>} : memref<8x1024xf32, #tpu.memory_space<vmem>>, vector<1x16xf32>,
      %parallel_loop3A_376 = vector.shape_cast %parallel_loop3A_375 : vector<1x16xf32> to vector<16xf32>
      %parallel_loop3A_377 = vector.shape_cast %parallel_loop3A_371 : vector<16xf32> to vector<1x16xf32>
      tpu.vector_store %arg11[%parallel_loop3A_373, %parallel_loop3A_374], %parallel_loop3A_377 {strides = array<i32>} : memref<8x1024xf32, #tpu.memory_space<vmem>>, vector<1x16xf32>,
      %parallel_loop3A_378 = arith.constant 1 : i32
      %parallel_loop3A_379 = arith.index_cast %parallel_loop3A_378 : i32 to index
      %parallel_loop3A_380 = arith.index_cast %parallel_loop3A_360 : i32 to index
      %parallel_loop3A_381 = tpu.vector_load %arg6[%parallel_loop3A_379, %parallel_loop3A_380] {strides = array<i32>} : memref<8x1024xf32, #tpu.memory_space<vmem>>, vector<1x16xf32>,
      %parallel_loop3A_382 = vector.shape_cast %parallel_loop3A_381 : vector<1x16xf32> to vector<16xf32>
      %parallel_loop3A_383 = arith.constant 1 : i32
      %parallel_loop3A_384 = arith.index_cast %parallel_loop3A_383 : i32 to index
      %parallel_loop3A_385 = arith.index_cast %parallel_loop3A_360 : i32 to index
      %parallel_loop3A_386 = tpu.vector_load %arg16[%parallel_loop3A_384, %parallel_loop3A_385] {strides = array<i32>} : memref<8x1024xf32, #tpu.memory_space<vmem>>, vector<1x16xf32>,
      %parallel_loop3A_387 = vector.shape_cast %parallel_loop3A_386 : vector<1x16xf32> to vector<16xf32>
      %parallel_loop3A_388 = arith.addf %parallel_loop3A_382, %parallel_loop3A_387 : vector<16xf32>
      %parallel_loop3A_389 = arith.constant 1 : i32
      %parallel_loop3A_390 = arith.index_cast %parallel_loop3A_389 : i32 to index
      %parallel_loop3A_391 = arith.index_cast %parallel_loop3A_360 : i32 to index
      %parallel_loop3A_392 = tpu.vector_load %arg11[%parallel_loop3A_390, %parallel_loop3A_391] {strides = array<i32>} : memref<8x1024xf32, #tpu.memory_space<vmem>>, vector<1x16xf32>,
      %parallel_loop3A_393 = vector.shape_cast %parallel_loop3A_392 : vector<1x16xf32> to vector<16xf32>
      %parallel_loop3A_394 = vector.shape_cast %parallel_loop3A_388 : vector<16xf32> to vector<1x16xf32>
      tpu.vector_store %arg11[%parallel_loop3A_390, %parallel_loop3A_391], %parallel_loop3A_394 {strides = array<i32>} : memref<8x1024xf32, #tpu.memory_space<vmem>>, vector<1x16xf32>,
      %parallel_loop3A_395 = arith.constant 2 : i32
      %parallel_loop3A_396 = arith.index_cast %parallel_loop3A_395 : i32 to index
      %parallel_loop3A_397 = arith.index_cast %parallel_loop3A_360 : i32 to index
      %parallel_loop3A_398 = tpu.vector_load %arg6[%parallel_loop3A_396, %parallel_loop3A_397] {strides = array<i32>} : memref<8x1024xf32, #tpu.memory_space<vmem>>, vector<1x16xf32>,
      %parallel_loop3A_399 = vector.shape_cast %parallel_loop3A_398 : vector<1x16xf32> to vector<16xf32>
      %parallel_loop3A_400 = arith.constant 2 : i32
      %parallel_loop3A_401 = arith.index_cast %parallel_loop3A_400 : i32 to index
      %parallel_loop3A_402 = arith.index_cast %parallel_loop3A_360 : i32 to index
      %parallel_loop3A_403 = tpu.vector_load %arg16[%parallel_loop3A_401, %parallel_loop3A_402] {strides = array<i32>} : memref<8x1024xf32, #tpu.memory_space<vmem>>, vector<1x16xf32>,
      %parallel_loop3A_404 = vector.shape_cast %parallel_loop3A_403 : vector<1x16xf32> to vector<16xf32>
      %parallel_loop3A_405 = arith.addf %parallel_loop3A_399, %parallel_loop3A_404 : vector<16xf32>
      %parallel_loop3A_406 = arith.constant 2 : i32
      %parallel_loop3A_407 = arith.index_cast %parallel_loop3A_406 : i32 to index
      %parallel_loop3A_408 = arith.index_cast %parallel_loop3A_360 : i32 to index
      %parallel_loop3A_409 = tpu.vector_load %arg11[%parallel_loop3A_407, %parallel_loop3A_408] {strides = array<i32>} : memref<8x1024xf32, #tpu.memory_space<vmem>>, vector<1x16xf32>,
      %parallel_loop3A_410 = vector.shape_cast %parallel_loop3A_409 : vector<1x16xf32> to vector<16xf32>
      %parallel_loop3A_411 = vector.shape_cast %parallel_loop3A_405 : vector<16xf32> to vector<1x16xf32>
      tpu.vector_store %arg11[%parallel_loop3A_407, %parallel_loop3A_408], %parallel_loop3A_411 {strides = array<i32>} : memref<8x1024xf32, #tpu.memory_space<vmem>>, vector<1x16xf32>,
      %parallel_loop3A_412 = arith.constant 3 : i32
      %parallel_loop3A_413 = arith.index_cast %parallel_loop3A_412 : i32 to index
      %parallel_loop3A_414 = arith.index_cast %parallel_loop3A_360 : i32 to index
      %parallel_loop3A_415 = tpu.vector_load %arg6[%parallel_loop3A_413, %parallel_loop3A_414] {strides = array<i32>} : memref<8x1024xf32, #tpu.memory_space<vmem>>, vector<1x16xf32>,
      %parallel_loop3A_416 = vector.shape_cast %parallel_loop3A_415 : vector<1x16xf32> to vector<16xf32>
      %parallel_loop3A_417 = arith.constant 3 : i32
      %parallel_loop3A_418 = arith.index_cast %parallel_loop3A_417 : i32 to index
      %parallel_loop3A_419 = arith.index_cast %parallel_loop3A_360 : i32 to index
      %parallel_loop3A_420 = tpu.vector_load %arg16[%parallel_loop3A_418, %parallel_loop3A_419] {strides = array<i32>} : memref<8x1024xf32, #tpu.memory_space<vmem>>, vector<1x16xf32>,
      %parallel_loop3A_421 = vector.shape_cast %parallel_loop3A_420 : vector<1x16xf32> to vector<16xf32>
      %parallel_loop3A_422 = arith.addf %parallel_loop3A_416, %parallel_loop3A_421 : vector<16xf32>
      %parallel_loop3A_423 = arith.constant 3 : i32
      %parallel_loop3A_424 = arith.index_cast %parallel_loop3A_423 : i32 to index
      %parallel_loop3A_425 = arith.index_cast %parallel_loop3A_360 : i32 to index
      %parallel_loop3A_426 = tpu.vector_load %arg11[%parallel_loop3A_424, %parallel_loop3A_425] {strides = array<i32>} : memref<8x1024xf32, #tpu.memory_space<vmem>>, vector<1x16xf32>,
      %parallel_loop3A_427 = vector.shape_cast %parallel_loop3A_426 : vector<1x16xf32> to vector<16xf32>
      %parallel_loop3A_428 = vector.shape_cast %parallel_loop3A_422 : vector<16xf32> to vector<1x16xf32>
      tpu.vector_store %arg11[%parallel_loop3A_424, %parallel_loop3A_425], %parallel_loop3A_428 {strides = array<i32>} : memref<8x1024xf32, #tpu.memory_space<vmem>>, vector<1x16xf32>,
      %parallel_loop3A_429 = arith.constant 4 : i32
      %parallel_loop3A_430 = arith.index_cast %parallel_loop3A_429 : i32 to index
      %parallel_loop3A_431 = arith.index_cast %parallel_loop3A_360 : i32 to index
      %parallel_loop3A_432 = tpu.vector_load %arg6[%parallel_loop3A_430, %parallel_loop3A_431] {strides = array<i32>} : memref<8x1024xf32, #tpu.memory_space<vmem>>, vector<1x16xf32>,
      %parallel_loop3A_433 = vector.shape_cast %parallel_loop3A_432 : vector<1x16xf32> to vector<16xf32>
      %parallel_loop3A_434 = arith.constant 4 : i32
      %parallel_loop3A_435 = arith.index_cast %parallel_loop3A_434 : i32 to index
      %parallel_loop3A_436 = arith.index_cast %parallel_loop3A_360 : i32 to index
      %parallel_loop3A_437 = tpu.vector_load %arg16[%parallel_loop3A_435, %parallel_loop3A_436] {strides = array<i32>} : memref<8x1024xf32, #tpu.memory_space<vmem>>, vector<1x16xf32>,
      %parallel_loop3A_438 = vector.shape_cast %parallel_loop3A_437 : vector<1x16xf32> to vector<16xf32>
      %parallel_loop3A_439 = arith.addf %parallel_loop3A_433, %parallel_loop3A_438 : vector<16xf32>
      %parallel_loop3A_440 = arith.constant 4 : i32
      %parallel_loop3A_441 = arith.index_cast %parallel_loop3A_440 : i32 to index
      %parallel_loop3A_442 = arith.index_cast %parallel_loop3A_360 : i32 to index
      %parallel_loop3A_443 = tpu.vector_load %arg11[%parallel_loop3A_441, %parallel_loop3A_442] {strides = array<i32>} : memref<8x1024xf32, #tpu.memory_space<vmem>>, vector<1x16xf32>,
      %parallel_loop3A_444 = vector.shape_cast %parallel_loop3A_443 : vector<1x16xf32> to vector<16xf32>
      %parallel_loop3A_445 = vector.shape_cast %parallel_loop3A_439 : vector<16xf32> to vector<1x16xf32>
      tpu.vector_store %arg11[%parallel_loop3A_441, %parallel_loop3A_442], %parallel_loop3A_445 {strides = array<i32>} : memref<8x1024xf32, #tpu.memory_space<vmem>>, vector<1x16xf32>,
      %parallel_loop3A_446 = arith.constant 5 : i32
      %parallel_loop3A_447 = arith.index_cast %parallel_loop3A_446 : i32 to index
      %parallel_loop3A_448 = arith.index_cast %parallel_loop3A_360 : i32 to index
      %parallel_loop3A_449 = tpu.vector_load %arg6[%parallel_loop3A_447, %parallel_loop3A_448] {strides = array<i32>} : memref<8x1024xf32, #tpu.memory_space<vmem>>, vector<1x16xf32>,
      %parallel_loop3A_450 = vector.shape_cast %parallel_loop3A_449 : vector<1x16xf32> to vector<16xf32>
      %parallel_loop3A_451 = arith.constant 5 : i32
      %parallel_loop3A_452 = arith.index_cast %parallel_loop3A_451 : i32 to index
      %parallel_loop3A_453 = arith.index_cast %parallel_loop3A_360 : i32 to index
      %parallel_loop3A_454 = tpu.vector_load %arg16[%parallel_loop3A_452, %parallel_loop3A_453] {strides = array<i32>} : memref<8x1024xf32, #tpu.memory_space<vmem>>, vector<1x16xf32>,
      %parallel_loop3A_455 = vector.shape_cast %parallel_loop3A_454 : vector<1x16xf32> to vector<16xf32>
      %parallel_loop3A_456 = arith.addf %parallel_loop3A_450, %parallel_loop3A_455 : vector<16xf32>
      %parallel_loop3A_457 = arith.constant 5 : i32
      %parallel_loop3A_458 = arith.index_cast %parallel_loop3A_457 : i32 to index
      %parallel_loop3A_459 = arith.index_cast %parallel_loop3A_360 : i32 to index
      %parallel_loop3A_460 = tpu.vector_load %arg11[%parallel_loop3A_458, %parallel_loop3A_459] {strides = array<i32>} : memref<8x1024xf32, #tpu.memory_space<vmem>>, vector<1x16xf32>,
      %parallel_loop3A_461 = vector.shape_cast %parallel_loop3A_460 : vector<1x16xf32> to vector<16xf32>
      %parallel_loop3A_462 = vector.shape_cast %parallel_loop3A_456 : vector<16xf32> to vector<1x16xf32>
      tpu.vector_store %arg11[%parallel_loop3A_458, %parallel_loop3A_459], %parallel_loop3A_462 {strides = array<i32>} : memref<8x1024xf32, #tpu.memory_space<vmem>>, vector<1x16xf32>,
      %parallel_loop3A_463 = arith.constant 6 : i32
      %parallel_loop3A_464 = arith.index_cast %parallel_loop3A_463 : i32 to index
      %parallel_loop3A_465 = arith.index_cast %parallel_loop3A_360 : i32 to index
      %parallel_loop3A_466 = tpu.vector_load %arg6[%parallel_loop3A_464, %parallel_loop3A_465] {strides = array<i32>} : memref<8x1024xf32, #tpu.memory_space<vmem>>, vector<1x16xf32>,
      %parallel_loop3A_467 = vector.shape_cast %parallel_loop3A_466 : vector<1x16xf32> to vector<16xf32>
      %parallel_loop3A_468 = arith.constant 6 : i32
      %parallel_loop3A_469 = arith.index_cast %parallel_loop3A_468 : i32 to index
      %parallel_loop3A_470 = arith.index_cast %parallel_loop3A_360 : i32 to index
      %parallel_loop3A_471 = tpu.vector_load %arg16[%parallel_loop3A_469, %parallel_loop3A_470] {strides = array<i32>} : memref<8x1024xf32, #tpu.memory_space<vmem>>, vector<1x16xf32>,
      %parallel_loop3A_472 = vector.shape_cast %parallel_loop3A_471 : vector<1x16xf32> to vector<16xf32>
      %parallel_loop3A_473 = arith.addf %parallel_loop3A_467, %parallel_loop3A_472 : vector<16xf32>
      %parallel_loop3A_474 = arith.constant 6 : i32
      %parallel_loop3A_475 = arith.index_cast %parallel_loop3A_474 : i32 to index
      %parallel_loop3A_476 = arith.index_cast %parallel_loop3A_360 : i32 to index
      %parallel_loop3A_477 = tpu.vector_load %arg11[%parallel_loop3A_475, %parallel_loop3A_476] {strides = array<i32>} : memref<8x1024xf32, #tpu.memory_space<vmem>>, vector<1x16xf32>,
      %parallel_loop3A_478 = vector.shape_cast %parallel_loop3A_477 : vector<1x16xf32> to vector<16xf32>
      %parallel_loop3A_479 = vector.shape_cast %parallel_loop3A_473 : vector<16xf32> to vector<1x16xf32>
      tpu.vector_store %arg11[%parallel_loop3A_475, %parallel_loop3A_476], %parallel_loop3A_479 {strides = array<i32>} : memref<8x1024xf32, #tpu.memory_space<vmem>>, vector<1x16xf32>,
      %parallel_loop3A_480 = arith.constant 7 : i32
      %parallel_loop3A_481 = arith.index_cast %parallel_loop3A_480 : i32 to index
      %parallel_loop3A_482 = arith.index_cast %parallel_loop3A_360 : i32 to index
      %parallel_loop3A_483 = tpu.vector_load %arg6[%parallel_loop3A_481, %parallel_loop3A_482] {strides = array<i32>} : memref<8x1024xf32, #tpu.memory_space<vmem>>, vector<1x16xf32>,
      %parallel_loop3A_484 = vector.shape_cast %parallel_loop3A_483 : vector<1x16xf32> to vector<16xf32>
      %parallel_loop3A_485 = arith.constant 7 : i32
      %parallel_loop3A_486 = arith.index_cast %parallel_loop3A_485 : i32 to index
      %parallel_loop3A_487 = arith.index_cast %parallel_loop3A_360 : i32 to index
      %parallel_loop3A_488 = tpu.vector_load %arg16[%parallel_loop3A_486, %parallel_loop3A_487] {strides = array<i32>} : memref<8x1024xf32, #tpu.memory_space<vmem>>, vector<1x16xf32>,
      %parallel_loop3A_489 = vector.shape_cast %parallel_loop3A_488 : vector<1x16xf32> to vector<16xf32>
      %parallel_loop3A_490 = arith.addf %parallel_loop3A_484, %parallel_loop3A_489 : vector<16xf32>
      %parallel_loop3A_491 = arith.constant 7 : i32
      %parallel_loop3A_492 = arith.index_cast %parallel_loop3A_491 : i32 to index
      %parallel_loop3A_493 = arith.index_cast %parallel_loop3A_360 : i32 to index
      %parallel_loop3A_494 = tpu.vector_load %arg11[%parallel_loop3A_492, %parallel_loop3A_493] {strides = array<i32>} : memref<8x1024xf32, #tpu.memory_space<vmem>>, vector<1x16xf32>,
      %parallel_loop3A_495 = vector.shape_cast %parallel_loop3A_494 : vector<1x16xf32> to vector<16xf32>
      %parallel_loop3A_496 = vector.shape_cast %parallel_loop3A_490 : vector<16xf32> to vector<1x16xf32>
      tpu.vector_store %arg11[%parallel_loop3A_492, %parallel_loop3A_493], %parallel_loop3A_496 {strides = array<i32>} : memref<8x1024xf32, #tpu.memory_space<vmem>>, vector<1x16xf32>,
    } {sc.loop_unroll_factor = 2 : i64, sc.parallel_access}
    %add3A_127 = arith.constant 8 : i32
    %add3A_128 = arith.addi %mul3A_2, %add3A_127 : i32
    %dma_start3A_129 = arith.constant 0 : i32
    %dma_start3A_130 = arith.constant 0 : i32
    %dma_start3A_131 = tpu.memref_slice %arg4[%dma_start3A_129, %add3A_128, %dma_start3A_130] : memref<1x2048x1024xf32, #tpu.memory_space<hbm>> -> memref<1x8x1024xf32, #tpu.memory_space<hbm>>
    %dma_start3A_132 = tpu.memref_squeeze %dma_start3A_131 : memref<1x8x1024xf32, #tpu.memory_space<hbm>> -> memref<8x1024xf32, #tpu.memory_space<hbm>>
    %dma_start3A_133 = arith.constant 0 : i32
    %dma_start3A_134 = tpu.memref_slice %arg4[%dma_start3A_129, %add3A_128, %dma_start3A_133] : memref<1x2048x1024xf32, #tpu.memory_space<hbm>> -> memref<1x8x1024xf32, #tpu.memory_space<hbm>>
    %dma_start3A_135 = tpu.memref_squeeze %dma_start3A_134 : memref<1x8x1024xf32, #tpu.memory_space<hbm>> -> memref<8x1024xf32, #tpu.memory_space<hbm>>
    tpu.enqueue_dma source(%arg11 : memref<8x1024xf32, #tpu.memory_space<vmem>>) target(%dma_start3A_135 : memref<8x1024xf32, #tpu.memory_space<hbm>>) target_semaphore(%arg26 : memref<!tpu.dma_semaphore, #tpu.memory_space<semaphore_mem>>)
    %add3A_136 = arith.constant 48 : i32
    %add3A_137 = arith.addi %mul3A_2, %add3A_136 : i32
    %dma_start3A_138 = arith.constant 0 : i32
    %dma_start3A_139 = arith.constant 0 : i32
    %dma_start3A_140 = tpu.memref_slice %arg2[%dma_start3A_138, %add3A_137, %dma_start3A_139] : memref<4x2048x1024xf32, #tpu.memory_space<hbm>> -> memref<1x8x1024xf32, #tpu.memory_space<hbm>>
    %dma_start3A_141 = tpu.memref_squeeze %dma_start3A_140 : memref<1x8x1024xf32, #tpu.memory_space<hbm>> -> memref<8x1024xf32, #tpu.memory_space<hbm>>
    %dma_start3A_142 = arith.constant 0 : i32
    %dma_start3A_143 = tpu.memref_slice %arg2[%dma_start3A_138, %add3A_137, %dma_start3A_142] : memref<4x2048x1024xf32, #tpu.memory_space<hbm>> -> memref<1x8x1024xf32, #tpu.memory_space<hbm>>
    %dma_start3A_144 = tpu.memref_squeeze %dma_start3A_143 : memref<1x8x1024xf32, #tpu.memory_space<hbm>> -> memref<8x1024xf32, #tpu.memory_space<hbm>>
    tpu.enqueue_dma source(%dma_start3A_144 : memref<8x1024xf32, #tpu.memory_space<hbm>>) target(%arg6 : memref<8x1024xf32, #tpu.memory_space<vmem>>) target_semaphore(%arg21 : memref<!tpu.dma_semaphore, #tpu.memory_space<semaphore_mem>>)
    %add3A_145 = arith.constant 48 : i32
    %add3A_146 = arith.addi %mul3A_2, %add3A_145 : i32
    %dma_start3A_147 = arith.constant 0 : i32
    %dma_start3A_148 = tpu.memref_slice %arg3[%add3A_146, %dma_start3A_147] : memref<2048x1024xf32, #tpu.memory_space<hbm>> -> memref<8x1024xf32, #tpu.memory_space<hbm>>
    %dma_start3A_149 = arith.constant 0 : i32
    %dma_start3A_150 = tpu.memref_slice %arg3[%add3A_146, %dma_start3A_149] : memref<2048x1024xf32, #tpu.memory_space<hbm>> -> memref<8x1024xf32, #tpu.memory_space<hbm>>
    tpu.enqueue_dma source(%dma_start3A_150 : memref<8x1024xf32, #tpu.memory_space<hbm>>) target(%arg16 : memref<8x1024xf32, #tpu.memory_space<vmem>>) target_semaphore(%arg31 : memref<!tpu.dma_semaphore, #tpu.memory_space<semaphore_mem>>)
    %dma_wait3A_151 = arith.constant 0 : i32
    %dma_wait3A_152 = arith.constant 0 : i32
    %dma_wait3A_153 = tpu.memref_slice %arg2[%dma_wait3A_151, %add3A_21, %dma_wait3A_152] : memref<4x2048x1024xf32, #tpu.memory_space<hbm>> -> memref<1x8x1024xf32, #tpu.memory_space<hbm>>
    %dma_wait3A_154 = tpu.memref_squeeze %dma_wait3A_153 : memref<1x8x1024xf32, #tpu.memory_space<hbm>> -> memref<8x1024xf32, #tpu.memory_space<hbm>>
    %dma_wait3A_155 = arith.constant 0 : i32
    %dma_wait3A_156 = tpu.memref_slice %arg2[%dma_wait3A_151, %add3A_21, %dma_wait3A_155] : memref<4x2048x1024xf32, #tpu.memory_space<hbm>> -> memref<1x8x1024xf32, #tpu.memory_space<hbm>>
    %dma_wait3A_157 = tpu.memref_squeeze %dma_wait3A_156 : memref<1x8x1024xf32, #tpu.memory_space<hbm>> -> memref<8x1024xf32, #tpu.memory_space<hbm>>
    tpu.wait_dma2 semaphore(%arg22 : memref<!tpu.dma_semaphore, #tpu.memory_space<semaphore_mem>>) src(%dma_wait3A_157 : memref<8x1024xf32, #tpu.memory_space<hbm>>) dst(%arg7 : memref<8x1024xf32, #tpu.memory_space<vmem>>)
    %dma_wait3A_158 = arith.constant 0 : i32
    %dma_wait3A_159 = tpu.memref_slice %arg3[%add3A_60, %dma_wait3A_158] : memref<2048x1024xf32, #tpu.memory_space<hbm>> -> memref<8x1024xf32, #tpu.memory_space<hbm>>
    %dma_wait3A_160 = arith.constant 0 : i32
    %dma_wait3A_161 = tpu.memref_slice %arg3[%add3A_60, %dma_wait3A_160] : memref<2048x1024xf32, #tpu.memory_space<hbm>> -> memref<8x1024xf32, #tpu.memory_space<hbm>>
    tpu.wait_dma2 semaphore(%arg32 : memref<!tpu.dma_semaphore, #tpu.memory_space<semaphore_mem>>) src(%dma_wait3A_161 : memref<8x1024xf32, #tpu.memory_space<hbm>>) dst(%arg17 : memref<8x1024xf32, #tpu.memory_space<vmem>>)
    %parallel_loop3A_162 = arith.constant 0 : i32
    %parallel_loop3A_163 = arith.constant 1024 : i32
    %parallel_loop3A_164 = arith.constant 16 : i32
    scf.for %parallel_loop3A_360 = %parallel_loop3A_162 to %parallel_loop3A_163 step %parallel_loop3A_164  : i32 {
      %parallel_loop3A_361 = arith.constant 0 : i32
      %parallel_loop3A_362 = arith.index_cast %parallel_loop3A_361 : i32 to index
      %parallel_loop3A_363 = arith.index_cast %parallel_loop3A_360 : i32 to index
      %parallel_loop3A_364 = tpu.vector_load %arg7[%parallel_loop3A_362, %parallel_loop3A_363] {strides = array<i32>} : memref<8x1024xf32, #tpu.memory_space<vmem>>, vector<1x16xf32>,
      %parallel_loop3A_365 = vector.shape_cast %parallel_loop3A_364 : vector<1x16xf32> to vector<16xf32>
      %parallel_loop3A_366 = arith.constant 0 : i32
      %parallel_loop3A_367 = arith.index_cast %parallel_loop3A_366 : i32 to index
      %parallel_loop3A_368 = arith.index_cast %parallel_loop3A_360 : i32 to index
      %parallel_loop3A_369 = tpu.vector_load %arg17[%parallel_loop3A_367, %parallel_loop3A_368] {strides = array<i32>} : memref<8x1024xf32, #tpu.memory_space<vmem>>, vector<1x16xf32>,
      %parallel_loop3A_370 = vector.shape_cast %parallel_loop3A_369 : vector<1x16xf32> to vector<16xf32>
      %parallel_loop3A_371 = arith.addf %parallel_loop3A_365, %parallel_loop3A_370 : vector<16xf32>
      %parallel_loop3A_372 = arith.constant 0 : i32
      %parallel_loop3A_373 = arith.index_cast %parallel_loop3A_372 : i32 to index
      %parallel_loop3A_374 = arith.index_cast %parallel_loop3A_360 : i32 to index
      %parallel_loop3A_375 = tpu.vector_load %arg12[%parallel_loop3A_373, %parallel_loop3A_374] {strides = array<i32>} : memref<8x1024xf32, #tpu.memory_space<vmem>>, vector<1x16xf32>,
      %parallel_loop3A_376 = vector.shape_cast %parallel_loop3A_375 : vector<1x16xf32> to vector<16xf32>
      %parallel_loop3A_377 = vector.shape_cast %parallel_loop3A_371 : vector<16xf32> to vector<1x16xf32>
      tpu.vector_store %arg12[%parallel_loop3A_373, %parallel_loop3A_374], %parallel_loop3A_377 {strides = array<i32>} : memref<8x1024xf32, #tpu.memory_space<vmem>>, vector<1x16xf32>,
      %parallel_loop3A_378 = arith.constant 1 : i32
      %parallel_loop3A_379 = arith.index_cast %parallel_loop3A_378 : i32 to index
      %parallel_loop3A_380 = arith.index_cast %parallel_loop3A_360 : i32 to index
      %parallel_loop3A_381 = tpu.vector_load %arg7[%parallel_loop3A_379, %parallel_loop3A_380] {strides = array<i32>} : memref<8x1024xf32, #tpu.memory_space<vmem>>, vector<1x16xf32>,
      %parallel_loop3A_382 = vector.shape_cast %parallel_loop3A_381 : vector<1x16xf32> to vector<16xf32>
      %parallel_loop3A_383 = arith.constant 1 : i32
      %parallel_loop3A_384 = arith.index_cast %parallel_loop3A_383 : i32 to index
      %parallel_loop3A_385 = arith.index_cast %parallel_loop3A_360 : i32 to index
      %parallel_loop3A_386 = tpu.vector_load %arg17[%parallel_loop3A_384, %parallel_loop3A_385] {strides = array<i32>} : memref<8x1024xf32, #tpu.memory_space<vmem>>, vector<1x16xf32>,
      %parallel_loop3A_387 = vector.shape_cast %parallel_loop3A_386 : vector<1x16xf32> to vector<16xf32>
      %parallel_loop3A_388 = arith.addf %parallel_loop3A_382, %parallel_loop3A_387 : vector<16xf32>
      %parallel_loop3A_389 = arith.constant 1 : i32
      %parallel_loop3A_390 = arith.index_cast %parallel_loop3A_389 : i32 to index
      %parallel_loop3A_391 = arith.index_cast %parallel_loop3A_360 : i32 to index
      %parallel_loop3A_392 = tpu.vector_load %arg12[%parallel_loop3A_390, %parallel_loop3A_391] {strides = array<i32>} : memref<8x1024xf32, #tpu.memory_space<vmem>>, vector<1x16xf32>,
      %parallel_loop3A_393 = vector.shape_cast %parallel_loop3A_392 : vector<1x16xf32> to vector<16xf32>
      %parallel_loop3A_394 = vector.shape_cast %parallel_loop3A_388 : vector<16xf32> to vector<1x16xf32>
      tpu.vector_store %arg12[%parallel_loop3A_390, %parallel_loop3A_391], %parallel_loop3A_394 {strides = array<i32>} : memref<8x1024xf32, #tpu.memory_space<vmem>>, vector<1x16xf32>,
      %parallel_loop3A_395 = arith.constant 2 : i32
      %parallel_loop3A_396 = arith.index_cast %parallel_loop3A_395 : i32 to index
      %parallel_loop3A_397 = arith.index_cast %parallel_loop3A_360 : i32 to index
      %parallel_loop3A_398 = tpu.vector_load %arg7[%parallel_loop3A_396, %parallel_loop3A_397] {strides = array<i32>} : memref<8x1024xf32, #tpu.memory_space<vmem>>, vector<1x16xf32>,
      %parallel_loop3A_399 = vector.shape_cast %parallel_loop3A_398 : vector<1x16xf32> to vector<16xf32>
      %parallel_loop3A_400 = arith.constant 2 : i32
      %parallel_loop3A_401 = arith.index_cast %parallel_loop3A_400 : i32 to index
      %parallel_loop3A_402 = arith.index_cast %parallel_loop3A_360 : i32 to index
      %parallel_loop3A_403 = tpu.vector_load %arg17[%parallel_loop3A_401, %parallel_loop3A_402] {strides = array<i32>} : memref<8x1024xf32, #tpu.memory_space<vmem>>, vector<1x16xf32>,
      %parallel_loop3A_404 = vector.shape_cast %parallel_loop3A_403 : vector<1x16xf32> to vector<16xf32>
      %parallel_loop3A_405 = arith.addf %parallel_loop3A_399, %parallel_loop3A_404 : vector<16xf32>
      %parallel_loop3A_406 = arith.constant 2 : i32
      %parallel_loop3A_407 = arith.index_cast %parallel_loop3A_406 : i32 to index
      %parallel_loop3A_408 = arith.index_cast %parallel_loop3A_360 : i32 to index
      %parallel_loop3A_409 = tpu.vector_load %arg12[%parallel_loop3A_407, %parallel_loop3A_408] {strides = array<i32>} : memref<8x1024xf32, #tpu.memory_space<vmem>>, vector<1x16xf32>,
      %parallel_loop3A_410 = vector.shape_cast %parallel_loop3A_409 : vector<1x16xf32> to vector<16xf32>
      %parallel_loop3A_411 = vector.shape_cast %parallel_loop3A_405 : vector<16xf32> to vector<1x16xf32>
      tpu.vector_store %arg12[%parallel_loop3A_407, %parallel_loop3A_408], %parallel_loop3A_411 {strides = array<i32>} : memref<8x1024xf32, #tpu.memory_space<vmem>>, vector<1x16xf32>,
      %parallel_loop3A_412 = arith.constant 3 : i32
      %parallel_loop3A_413 = arith.index_cast %parallel_loop3A_412 : i32 to index
      %parallel_loop3A_414 = arith.index_cast %parallel_loop3A_360 : i32 to index
      %parallel_loop3A_415 = tpu.vector_load %arg7[%parallel_loop3A_413, %parallel_loop3A_414] {strides = array<i32>} : memref<8x1024xf32, #tpu.memory_space<vmem>>, vector<1x16xf32>,
      %parallel_loop3A_416 = vector.shape_cast %parallel_loop3A_415 : vector<1x16xf32> to vector<16xf32>
      %parallel_loop3A_417 = arith.constant 3 : i32
      %parallel_loop3A_418 = arith.index_cast %parallel_loop3A_417 : i32 to index
      %parallel_loop3A_419 = arith.index_cast %parallel_loop3A_360 : i32 to index
      %parallel_loop3A_420 = tpu.vector_load %arg17[%parallel_loop3A_418, %parallel_loop3A_419] {strides = array<i32>} : memref<8x1024xf32, #tpu.memory_space<vmem>>, vector<1x16xf32>,
      %parallel_loop3A_421 = vector.shape_cast %parallel_loop3A_420 : vector<1x16xf32> to vector<16xf32>
      %parallel_loop3A_422 = arith.addf %parallel_loop3A_416, %parallel_loop3A_421 : vector<16xf32>
      %parallel_loop3A_423 = arith.constant 3 : i32
      %parallel_loop3A_424 = arith.index_cast %parallel_loop3A_423 : i32 to index
      %parallel_loop3A_425 = arith.index_cast %parallel_loop3A_360 : i32 to index
      %parallel_loop3A_426 = tpu.vector_load %arg12[%parallel_loop3A_424, %parallel_loop3A_425] {strides = array<i32>} : memref<8x1024xf32, #tpu.memory_space<vmem>>, vector<1x16xf32>,
      %parallel_loop3A_427 = vector.shape_cast %parallel_loop3A_426 : vector<1x16xf32> to vector<16xf32>
      %parallel_loop3A_428 = vector.shape_cast %parallel_loop3A_422 : vector<16xf32> to vector<1x16xf32>
      tpu.vector_store %arg12[%parallel_loop3A_424, %parallel_loop3A_425], %parallel_loop3A_428 {strides = array<i32>} : memref<8x1024xf32, #tpu.memory_space<vmem>>, vector<1x16xf32>,
      %parallel_loop3A_429 = arith.constant 4 : i32
      %parallel_loop3A_430 = arith.index_cast %parallel_loop3A_429 : i32 to index
      %parallel_loop3A_431 = arith.index_cast %parallel_loop3A_360 : i32 to index
      %parallel_loop3A_432 = tpu.vector_load %arg7[%parallel_loop3A_430, %parallel_loop3A_431] {strides = array<i32>} : memref<8x1024xf32, #tpu.memory_space<vmem>>, vector<1x16xf32>,
      %parallel_loop3A_433 = vector.shape_cast %parallel_loop3A_432 : vector<1x16xf32> to vector<16xf32>
      %parallel_loop3A_434 = arith.constant 4 : i32
      %parallel_loop3A_435 = arith.index_cast %parallel_loop3A_434 : i32 to index
      %parallel_loop3A_436 = arith.index_cast %parallel_loop3A_360 : i32 to index
      %parallel_loop3A_437 = tpu.vector_load %arg17[%parallel_loop3A_435, %parallel_loop3A_436] {strides = array<i32>} : memref<8x1024xf32, #tpu.memory_space<vmem>>, vector<1x16xf32>,
      %parallel_loop3A_438 = vector.shape_cast %parallel_loop3A_437 : vector<1x16xf32> to vector<16xf32>
      %parallel_loop3A_439 = arith.addf %parallel_loop3A_433, %parallel_loop3A_438 : vector<16xf32>
      %parallel_loop3A_440 = arith.constant 4 : i32
      %parallel_loop3A_441 = arith.index_cast %parallel_loop3A_440 : i32 to index
      %parallel_loop3A_442 = arith.index_cast %parallel_loop3A_360 : i32 to index
      %parallel_loop3A_443 = tpu.vector_load %arg12[%parallel_loop3A_441, %parallel_loop3A_442] {strides = array<i32>} : memref<8x1024xf32, #tpu.memory_space<vmem>>, vector<1x16xf32>,
      %parallel_loop3A_444 = vector.shape_cast %parallel_loop3A_443 : vector<1x16xf32> to vector<16xf32>
      %parallel_loop3A_445 = vector.shape_cast %parallel_loop3A_439 : vector<16xf32> to vector<1x16xf32>
      tpu.vector_store %arg12[%parallel_loop3A_441, %parallel_loop3A_442], %parallel_loop3A_445 {strides = array<i32>} : memref<8x1024xf32, #tpu.memory_space<vmem>>, vector<1x16xf32>,
      %parallel_loop3A_446 = arith.constant 5 : i32
      %parallel_loop3A_447 = arith.index_cast %parallel_loop3A_446 : i32 to index
      %parallel_loop3A_448 = arith.index_cast %parallel_loop3A_360 : i32 to index
      %parallel_loop3A_449 = tpu.vector_load %arg7[%parallel_loop3A_447, %parallel_loop3A_448] {strides = array<i32>} : memref<8x1024xf32, #tpu.memory_space<vmem>>, vector<1x16xf32>,
      %parallel_loop3A_450 = vector.shape_cast %parallel_loop3A_449 : vector<1x16xf32> to vector<16xf32>
      %parallel_loop3A_451 = arith.constant 5 : i32
      %parallel_loop3A_452 = arith.index_cast %parallel_loop3A_451 : i32 to index
      %parallel_loop3A_453 = arith.index_cast %parallel_loop3A_360 : i32 to index
      %parallel_loop3A_454 = tpu.vector_load %arg17[%parallel_loop3A_452, %parallel_loop3A_453] {strides = array<i32>} : memref<8x1024xf32, #tpu.memory_space<vmem>>, vector<1x16xf32>,
      %parallel_loop3A_455 = vector.shape_cast %parallel_loop3A_454 : vector<1x16xf32> to vector<16xf32>
      %parallel_loop3A_456 = arith.addf %parallel_loop3A_450, %parallel_loop3A_455 : vector<16xf32>
      %parallel_loop3A_457 = arith.constant 5 : i32
      %parallel_loop3A_458 = arith.index_cast %parallel_loop3A_457 : i32 to index
      %parallel_loop3A_459 = arith.index_cast %parallel_loop3A_360 : i32 to index
      %parallel_loop3A_460 = tpu.vector_load %arg12[%parallel_loop3A_458, %parallel_loop3A_459] {strides = array<i32>} : memref<8x1024xf32, #tpu.memory_space<vmem>>, vector<1x16xf32>,
      %parallel_loop3A_461 = vector.shape_cast %parallel_loop3A_460 : vector<1x16xf32> to vector<16xf32>
      %parallel_loop3A_462 = vector.shape_cast %parallel_loop3A_456 : vector<16xf32> to vector<1x16xf32>
      tpu.vector_store %arg12[%parallel_loop3A_458, %parallel_loop3A_459], %parallel_loop3A_462 {strides = array<i32>} : memref<8x1024xf32, #tpu.memory_space<vmem>>, vector<1x16xf32>,
      %parallel_loop3A_463 = arith.constant 6 : i32
      %parallel_loop3A_464 = arith.index_cast %parallel_loop3A_463 : i32 to index
      %parallel_loop3A_465 = arith.index_cast %parallel_loop3A_360 : i32 to index
      %parallel_loop3A_466 = tpu.vector_load %arg7[%parallel_loop3A_464, %parallel_loop3A_465] {strides = array<i32>} : memref<8x1024xf32, #tpu.memory_space<vmem>>, vector<1x16xf32>,
      %parallel_loop3A_467 = vector.shape_cast %parallel_loop3A_466 : vector<1x16xf32> to vector<16xf32>
      %parallel_loop3A_468 = arith.constant 6 : i32
      %parallel_loop3A_469 = arith.index_cast %parallel_loop3A_468 : i32 to index
      %parallel_loop3A_470 = arith.index_cast %parallel_loop3A_360 : i32 to index
      %parallel_loop3A_471 = tpu.vector_load %arg17[%parallel_loop3A_469, %parallel_loop3A_470] {strides = array<i32>} : memref<8x1024xf32, #tpu.memory_space<vmem>>, vector<1x16xf32>,
      %parallel_loop3A_472 = vector.shape_cast %parallel_loop3A_471 : vector<1x16xf32> to vector<16xf32>
      %parallel_loop3A_473 = arith.addf %parallel_loop3A_467, %parallel_loop3A_472 : vector<16xf32>
      %parallel_loop3A_474 = arith.constant 6 : i32
      %parallel_loop3A_475 = arith.index_cast %parallel_loop3A_474 : i32 to index
      %parallel_loop3A_476 = arith.index_cast %parallel_loop3A_360 : i32 to index
      %parallel_loop3A_477 = tpu.vector_load %arg12[%parallel_loop3A_475, %parallel_loop3A_476] {strides = array<i32>} : memref<8x1024xf32, #tpu.memory_space<vmem>>, vector<1x16xf32>,
      %parallel_loop3A_478 = vector.shape_cast %parallel_loop3A_477 : vector<1x16xf32> to vector<16xf32>
      %parallel_loop3A_479 = vector.shape_cast %parallel_loop3A_473 : vector<16xf32> to vector<1x16xf32>
      tpu.vector_store %arg12[%parallel_loop3A_475, %parallel_loop3A_476], %parallel_loop3A_479 {strides = array<i32>} : memref<8x1024xf32, #tpu.memory_space<vmem>>, vector<1x16xf32>,
      %parallel_loop3A_480 = arith.constant 7 : i32
      %parallel_loop3A_481 = arith.index_cast %parallel_loop3A_480 : i32 to index
      %parallel_loop3A_482 = arith.index_cast %parallel_loop3A_360 : i32 to index
      %parallel_loop3A_483 = tpu.vector_load %arg7[%parallel_loop3A_481, %parallel_loop3A_482] {strides = array<i32>} : memref<8x1024xf32, #tpu.memory_space<vmem>>, vector<1x16xf32>,
      %parallel_loop3A_484 = vector.shape_cast %parallel_loop3A_483 : vector<1x16xf32> to vector<16xf32>
      %parallel_loop3A_485 = arith.constant 7 : i32
      %parallel_loop3A_486 = arith.index_cast %parallel_loop3A_485 : i32 to index
      %parallel_loop3A_487 = arith.index_cast %parallel_loop3A_360 : i32 to index
      %parallel_loop3A_488 = tpu.vector_load %arg17[%parallel_loop3A_486, %parallel_loop3A_487] {strides = array<i32>} : memref<8x1024xf32, #tpu.memory_space<vmem>>, vector<1x16xf32>,
      %parallel_loop3A_489 = vector.shape_cast %parallel_loop3A_488 : vector<1x16xf32> to vector<16xf32>
      %parallel_loop3A_490 = arith.addf %parallel_loop3A_484, %parallel_loop3A_489 : vector<16xf32>
      %parallel_loop3A_491 = arith.constant 7 : i32
      %parallel_loop3A_492 = arith.index_cast %parallel_loop3A_491 : i32 to index
      %parallel_loop3A_493 = arith.index_cast %parallel_loop3A_360 : i32 to index
      %parallel_loop3A_494 = tpu.vector_load %arg12[%parallel_loop3A_492, %parallel_loop3A_493] {strides = array<i32>} : memref<8x1024xf32, #tpu.memory_space<vmem>>, vector<1x16xf32>,
      %parallel_loop3A_495 = vector.shape_cast %parallel_loop3A_494 : vector<1x16xf32> to vector<16xf32>
      %parallel_loop3A_496 = vector.shape_cast %parallel_loop3A_490 : vector<16xf32> to vector<1x16xf32>
      tpu.vector_store %arg12[%parallel_loop3A_492, %parallel_loop3A_493], %parallel_loop3A_496 {strides = array<i32>} : memref<8x1024xf32, #tpu.memory_space<vmem>>, vector<1x16xf32>,
    } {sc.loop_unroll_factor = 2 : i64, sc.parallel_access}
    %add3A_165 = arith.constant 16 : i32
    %add3A_166 = arith.addi %mul3A_2, %add3A_165 : i32
    %dma_start3A_167 = arith.constant 0 : i32
    %dma_start3A_168 = arith.constant 0 : i32
    %dma_start3A_169 = tpu.memref_slice %arg4[%dma_start3A_167, %add3A_166, %dma_start3A_168] : memref<1x2048x1024xf32, #tpu.memory_space<hbm>> -> memref<1x8x1024xf32, #tpu.memory_space<hbm>>
    %dma_start3A_170 = tpu.memref_squeeze %dma_start3A_169 : memref<1x8x1024xf32, #tpu.memory_space<hbm>> -> memref<8x1024xf32, #tpu.memory_space<hbm>>
    %dma_start3A_171 = arith.constant 0 : i32
    %dma_start3A_172 = tpu.memref_slice %arg4[%dma_start3A_167, %add3A_166, %dma_start3A_171] : memref<1x2048x1024xf32, #tpu.memory_space<hbm>> -> memref<1x8x1024xf32, #tpu.memory_space<hbm>>
    %dma_start3A_173 = tpu.memref_squeeze %dma_start3A_172 : memref<1x8x1024xf32, #tpu.memory_space<hbm>> -> memref<8x1024xf32, #tpu.memory_space<hbm>>
    tpu.enqueue_dma source(%arg12 : memref<8x1024xf32, #tpu.memory_space<vmem>>) target(%dma_start3A_173 : memref<8x1024xf32, #tpu.memory_space<hbm>>) target_semaphore(%arg27 : memref<!tpu.dma_semaphore, #tpu.memory_space<semaphore_mem>>)
    %add3A_174 = arith.constant 56 : i32
    %add3A_175 = arith.addi %mul3A_2, %add3A_174 : i32
    %dma_start3A_176 = arith.constant 0 : i32
    %dma_start3A_177 = arith.constant 0 : i32
    %dma_start3A_178 = tpu.memref_slice %arg2[%dma_start3A_176, %add3A_175, %dma_start3A_177] : memref<4x2048x1024xf32, #tpu.memory_space<hbm>> -> memref<1x8x1024xf32, #tpu.memory_space<hbm>>
    %dma_start3A_179 = tpu.memref_squeeze %dma_start3A_178 : memref<1x8x1024xf32, #tpu.memory_space<hbm>> -> memref<8x1024xf32, #tpu.memory_space<hbm>>
    %dma_start3A_180 = arith.constant 0 : i32
    %dma_start3A_181 = tpu.memref_slice %arg2[%dma_start3A_176, %add3A_175, %dma_start3A_180] : memref<4x2048x1024xf32, #tpu.memory_space<hbm>> -> memref<1x8x1024xf32, #tpu.memory_space<hbm>>
    %dma_start3A_182 = tpu.memref_squeeze %dma_start3A_181 : memref<1x8x1024xf32, #tpu.memory_space<hbm>> -> memref<8x1024xf32, #tpu.memory_space<hbm>>
    tpu.enqueue_dma source(%dma_start3A_182 : memref<8x1024xf32, #tpu.memory_space<hbm>>) target(%arg7 : memref<8x1024xf32, #tpu.memory_space<vmem>>) target_semaphore(%arg22 : memref<!tpu.dma_semaphore, #tpu.memory_space<semaphore_mem>>)
    %add3A_183 = arith.constant 56 : i32
    %add3A_184 = arith.addi %mul3A_2, %add3A_183 : i32
    %dma_start3A_185 = arith.constant 0 : i32
    %dma_start3A_186 = tpu.memref_slice %arg3[%add3A_184, %dma_start3A_185] : memref<2048x1024xf32, #tpu.memory_space<hbm>> -> memref<8x1024xf32, #tpu.memory_space<hbm>>
    %dma_start3A_187 = arith.constant 0 : i32
    %dma_start3A_188 = tpu.memref_slice %arg3[%add3A_184, %dma_start3A_187] : memref<2048x1024xf32, #tpu.memory_space<hbm>> -> memref<8x1024xf32, #tpu.memory_space<hbm>>
    tpu.enqueue_dma source(%dma_start3A_188 : memref<8x1024xf32, #tpu.memory_space<hbm>>) target(%arg17 : memref<8x1024xf32, #tpu.memory_space<vmem>>) target_semaphore(%arg32 : memref<!tpu.dma_semaphore, #tpu.memory_space<semaphore_mem>>)
    %dma_wait3A_189 = arith.constant 0 : i32
    %dma_wait3A_190 = arith.constant 0 : i32
    %dma_wait3A_191 = tpu.memref_slice %arg2[%dma_wait3A_189, %add3A_30, %dma_wait3A_190] : memref<4x2048x1024xf32, #tpu.memory_space<hbm>> -> memref<1x8x1024xf32, #tpu.memory_space<hbm>>
    %dma_wait3A_192 = tpu.memref_squeeze %dma_wait3A_191 : memref<1x8x1024xf32, #tpu.memory_space<hbm>> -> memref<8x1024xf32, #tpu.memory_space<hbm>>
    %dma_wait3A_193 = arith.constant 0 : i32
    %dma_wait3A_194 = tpu.memref_slice %arg2[%dma_wait3A_189, %add3A_30, %dma_wait3A_193] : memref<4x2048x1024xf32, #tpu.memory_space<hbm>> -> memref<1x8x1024xf32, #tpu.memory_space<hbm>>
    %dma_wait3A_195 = tpu.memref_squeeze %dma_wait3A_194 : memref<1x8x1024xf32, #tpu.memory_space<hbm>> -> memref<8x1024xf32, #tpu.memory_space<hbm>>
    tpu.wait_dma2 semaphore(%arg23 : memref<!tpu.dma_semaphore, #tpu.memory_space<semaphore_mem>>) src(%dma_wait3A_195 : memref<8x1024xf32, #tpu.memory_space<hbm>>) dst(%arg8 : memref<8x1024xf32, #tpu.memory_space<vmem>>)
    %dma_wait3A_196 = arith.constant 0 : i32
    %dma_wait3A_197 = tpu.memref_slice %arg3[%add3A_66, %dma_wait3A_196] : memref<2048x1024xf32, #tpu.memory_space<hbm>> -> memref<8x1024xf32, #tpu.memory_space<hbm>>
    %dma_wait3A_198 = arith.constant 0 : i32
    %dma_wait3A_199 = tpu.memref_slice %arg3[%add3A_66, %dma_wait3A_198] : memref<2048x1024xf32, #tpu.memory_space<hbm>> -> memref<8x1024xf32, #tpu.memory_space<hbm>>
    tpu.wait_dma2 semaphore(%arg33 : memref<!tpu.dma_semaphore, #tpu.memory_space<semaphore_mem>>) src(%dma_wait3A_199 : memref<8x1024xf32, #tpu.memory_space<hbm>>) dst(%arg18 : memref<8x1024xf32, #tpu.memory_space<vmem>>)
    %parallel_loop3A_200 = arith.constant 0 : i32
    %parallel_loop3A_201 = arith.constant 1024 : i32
    %parallel_loop3A_202 = arith.constant 16 : i32
    scf.for %parallel_loop3A_360 = %parallel_loop3A_200 to %parallel_loop3A_201 step %parallel_loop3A_202  : i32 {
      %parallel_loop3A_361 = arith.constant 0 : i32
      %parallel_loop3A_362 = arith.index_cast %parallel_loop3A_361 : i32 to index
      %parallel_loop3A_363 = arith.index_cast %parallel_loop3A_360 : i32 to index
      %parallel_loop3A_364 = tpu.vector_load %arg8[%parallel_loop3A_362, %parallel_loop3A_363] {strides = array<i32>} : memref<8x1024xf32, #tpu.memory_space<vmem>>, vector<1x16xf32>,
      %parallel_loop3A_365 = vector.shape_cast %parallel_loop3A_364 : vector<1x16xf32> to vector<16xf32>
      %parallel_loop3A_366 = arith.constant 0 : i32
      %parallel_loop3A_367 = arith.index_cast %parallel_loop3A_366 : i32 to index
      %parallel_loop3A_368 = arith.index_cast %parallel_loop3A_360 : i32 to index
      %parallel_loop3A_369 = tpu.vector_load %arg18[%parallel_loop3A_367, %parallel_loop3A_368] {strides = array<i32>} : memref<8x1024xf32, #tpu.memory_space<vmem>>, vector<1x16xf32>,
      %parallel_loop3A_370 = vector.shape_cast %parallel_loop3A_369 : vector<1x16xf32> to vector<16xf32>
      %parallel_loop3A_371 = arith.addf %parallel_loop3A_365, %parallel_loop3A_370 : vector<16xf32>
      %parallel_loop3A_372 = arith.constant 0 : i32
      %parallel_loop3A_373 = arith.index_cast %parallel_loop3A_372 : i32 to index
      %parallel_loop3A_374 = arith.index_cast %parallel_loop3A_360 : i32 to index
      %parallel_loop3A_375 = tpu.vector_load %arg13[%parallel_loop3A_373, %parallel_loop3A_374] {strides = array<i32>} : memref<8x1024xf32, #tpu.memory_space<vmem>>, vector<1x16xf32>,
      %parallel_loop3A_376 = vector.shape_cast %parallel_loop3A_375 : vector<1x16xf32> to vector<16xf32>
      %parallel_loop3A_377 = vector.shape_cast %parallel_loop3A_371 : vector<16xf32> to vector<1x16xf32>
      tpu.vector_store %arg13[%parallel_loop3A_373, %parallel_loop3A_374], %parallel_loop3A_377 {strides = array<i32>} : memref<8x1024xf32, #tpu.memory_space<vmem>>, vector<1x16xf32>,
      %parallel_loop3A_378 = arith.constant 1 : i32
      %parallel_loop3A_379 = arith.index_cast %parallel_loop3A_378 : i32 to index
      %parallel_loop3A_380 = arith.index_cast %parallel_loop3A_360 : i32 to index
      %parallel_loop3A_381 = tpu.vector_load %arg8[%parallel_loop3A_379, %parallel_loop3A_380] {strides = array<i32>} : memref<8x1024xf32, #tpu.memory_space<vmem>>, vector<1x16xf32>,
      %parallel_loop3A_382 = vector.shape_cast %parallel_loop3A_381 : vector<1x16xf32> to vector<16xf32>
      %parallel_loop3A_383 = arith.constant 1 : i32
      %parallel_loop3A_384 = arith.index_cast %parallel_loop3A_383 : i32 to index
      %parallel_loop3A_385 = arith.index_cast %parallel_loop3A_360 : i32 to index
      %parallel_loop3A_386 = tpu.vector_load %arg18[%parallel_loop3A_384, %parallel_loop3A_385] {strides = array<i32>} : memref<8x1024xf32, #tpu.memory_space<vmem>>, vector<1x16xf32>,
      %parallel_loop3A_387 = vector.shape_cast %parallel_loop3A_386 : vector<1x16xf32> to vector<16xf32>
      %parallel_loop3A_388 = arith.addf %parallel_loop3A_382, %parallel_loop3A_387 : vector<16xf32>
      %parallel_loop3A_389 = arith.constant 1 : i32
      %parallel_loop3A_390 = arith.index_cast %parallel_loop3A_389 : i32 to index
      %parallel_loop3A_391 = arith.index_cast %parallel_loop3A_360 : i32 to index
      %parallel_loop3A_392 = tpu.vector_load %arg13[%parallel_loop3A_390, %parallel_loop3A_391] {strides = array<i32>} : memref<8x1024xf32, #tpu.memory_space<vmem>>, vector<1x16xf32>,
      %parallel_loop3A_393 = vector.shape_cast %parallel_loop3A_392 : vector<1x16xf32> to vector<16xf32>
      %parallel_loop3A_394 = vector.shape_cast %parallel_loop3A_388 : vector<16xf32> to vector<1x16xf32>
      tpu.vector_store %arg13[%parallel_loop3A_390, %parallel_loop3A_391], %parallel_loop3A_394 {strides = array<i32>} : memref<8x1024xf32, #tpu.memory_space<vmem>>, vector<1x16xf32>,
      %parallel_loop3A_395 = arith.constant 2 : i32
      %parallel_loop3A_396 = arith.index_cast %parallel_loop3A_395 : i32 to index
      %parallel_loop3A_397 = arith.index_cast %parallel_loop3A_360 : i32 to index
      %parallel_loop3A_398 = tpu.vector_load %arg8[%parallel_loop3A_396, %parallel_loop3A_397] {strides = array<i32>} : memref<8x1024xf32, #tpu.memory_space<vmem>>, vector<1x16xf32>,
      %parallel_loop3A_399 = vector.shape_cast %parallel_loop3A_398 : vector<1x16xf32> to vector<16xf32>
      %parallel_loop3A_400 = arith.constant 2 : i32
      %parallel_loop3A_401 = arith.index_cast %parallel_loop3A_400 : i32 to index
      %parallel_loop3A_402 = arith.index_cast %parallel_loop3A_360 : i32 to index
      %parallel_loop3A_403 = tpu.vector_load %arg18[%parallel_loop3A_401, %parallel_loop3A_402] {strides = array<i32>} : memref<8x1024xf32, #tpu.memory_space<vmem>>, vector<1x16xf32>,
      %parallel_loop3A_404 = vector.shape_cast %parallel_loop3A_403 : vector<1x16xf32> to vector<16xf32>
      %parallel_loop3A_405 = arith.addf %parallel_loop3A_399, %parallel_loop3A_404 : vector<16xf32>
      %parallel_loop3A_406 = arith.constant 2 : i32
      %parallel_loop3A_407 = arith.index_cast %parallel_loop3A_406 : i32 to index
      %parallel_loop3A_408 = arith.index_cast %parallel_loop3A_360 : i32 to index
      %parallel_loop3A_409 = tpu.vector_load %arg13[%parallel_loop3A_407, %parallel_loop3A_408] {strides = array<i32>} : memref<8x1024xf32, #tpu.memory_space<vmem>>, vector<1x16xf32>,
      %parallel_loop3A_410 = vector.shape_cast %parallel_loop3A_409 : vector<1x16xf32> to vector<16xf32>
      %parallel_loop3A_411 = vector.shape_cast %parallel_loop3A_405 : vector<16xf32> to vector<1x16xf32>
      tpu.vector_store %arg13[%parallel_loop3A_407, %parallel_loop3A_408], %parallel_loop3A_411 {strides = array<i32>} : memref<8x1024xf32, #tpu.memory_space<vmem>>, vector<1x16xf32>,
      %parallel_loop3A_412 = arith.constant 3 : i32
      %parallel_loop3A_413 = arith.index_cast %parallel_loop3A_412 : i32 to index
      %parallel_loop3A_414 = arith.index_cast %parallel_loop3A_360 : i32 to index
      %parallel_loop3A_415 = tpu.vector_load %arg8[%parallel_loop3A_413, %parallel_loop3A_414] {strides = array<i32>} : memref<8x1024xf32, #tpu.memory_space<vmem>>, vector<1x16xf32>,
      %parallel_loop3A_416 = vector.shape_cast %parallel_loop3A_415 : vector<1x16xf32> to vector<16xf32>
      %parallel_loop3A_417 = arith.constant 3 : i32
      %parallel_loop3A_418 = arith.index_cast %parallel_loop3A_417 : i32 to index
      %parallel_loop3A_419 = arith.index_cast %parallel_loop3A_360 : i32 to index
      %parallel_loop3A_420 = tpu.vector_load %arg18[%parallel_loop3A_418, %parallel_loop3A_419] {strides = array<i32>} : memref<8x1024xf32, #tpu.memory_space<vmem>>, vector<1x16xf32>,
      %parallel_loop3A_421 = vector.shape_cast %parallel_loop3A_420 : vector<1x16xf32> to vector<16xf32>
      %parallel_loop3A_422 = arith.addf %parallel_loop3A_416, %parallel_loop3A_421 : vector<16xf32>
      %parallel_loop3A_423 = arith.constant 3 : i32
      %parallel_loop3A_424 = arith.index_cast %parallel_loop3A_423 : i32 to index
      %parallel_loop3A_425 = arith.index_cast %parallel_loop3A_360 : i32 to index
      %parallel_loop3A_426 = tpu.vector_load %arg13[%parallel_loop3A_424, %parallel_loop3A_425] {strides = array<i32>} : memref<8x1024xf32, #tpu.memory_space<vmem>>, vector<1x16xf32>,
      %parallel_loop3A_427 = vector.shape_cast %parallel_loop3A_426 : vector<1x16xf32> to vector<16xf32>
      %parallel_loop3A_428 = vector.shape_cast %parallel_loop3A_422 : vector<16xf32> to vector<1x16xf32>
      tpu.vector_store %arg13[%parallel_loop3A_424, %parallel_loop3A_425], %parallel_loop3A_428 {strides = array<i32>} : memref<8x1024xf32, #tpu.memory_space<vmem>>, vector<1x16xf32>,
      %parallel_loop3A_429 = arith.constant 4 : i32
      %parallel_loop3A_430 = arith.index_cast %parallel_loop3A_429 : i32 to index
      %parallel_loop3A_431 = arith.index_cast %parallel_loop3A_360 : i32 to index
      %parallel_loop3A_432 = tpu.vector_load %arg8[%parallel_loop3A_430, %parallel_loop3A_431] {strides = array<i32>} : memref<8x1024xf32, #tpu.memory_space<vmem>>, vector<1x16xf32>,
      %parallel_loop3A_433 = vector.shape_cast %parallel_loop3A_432 : vector<1x16xf32> to vector<16xf32>
      %parallel_loop3A_434 = arith.constant 4 : i32
      %parallel_loop3A_435 = arith.index_cast %parallel_loop3A_434 : i32 to index
      %parallel_loop3A_436 = arith.index_cast %parallel_loop3A_360 : i32 to index
      %parallel_loop3A_437 = tpu.vector_load %arg18[%parallel_loop3A_435, %parallel_loop3A_436] {strides = array<i32>} : memref<8x1024xf32, #tpu.memory_space<vmem>>, vector<1x16xf32>,
      %parallel_loop3A_438 = vector.shape_cast %parallel_loop3A_437 : vector<1x16xf32> to vector<16xf32>
      %parallel_loop3A_439 = arith.addf %parallel_loop3A_433, %parallel_loop3A_438 : vector<16xf32>
      %parallel_loop3A_440 = arith.constant 4 : i32
      %parallel_loop3A_441 = arith.index_cast %parallel_loop3A_440 : i32 to index
      %parallel_loop3A_442 = arith.index_cast %parallel_loop3A_360 : i32 to index
      %parallel_loop3A_443 = tpu.vector_load %arg13[%parallel_loop3A_441, %parallel_loop3A_442] {strides = array<i32>} : memref<8x1024xf32, #tpu.memory_space<vmem>>, vector<1x16xf32>,
      %parallel_loop3A_444 = vector.shape_cast %parallel_loop3A_443 : vector<1x16xf32> to vector<16xf32>
      %parallel_loop3A_445 = vector.shape_cast %parallel_loop3A_439 : vector<16xf32> to vector<1x16xf32>
      tpu.vector_store %arg13[%parallel_loop3A_441, %parallel_loop3A_442], %parallel_loop3A_445 {strides = array<i32>} : memref<8x1024xf32, #tpu.memory_space<vmem>>, vector<1x16xf32>,
      %parallel_loop3A_446 = arith.constant 5 : i32
      %parallel_loop3A_447 = arith.index_cast %parallel_loop3A_446 : i32 to index
      %parallel_loop3A_448 = arith.index_cast %parallel_loop3A_360 : i32 to index
      %parallel_loop3A_449 = tpu.vector_load %arg8[%parallel_loop3A_447, %parallel_loop3A_448] {strides = array<i32>} : memref<8x1024xf32, #tpu.memory_space<vmem>>, vector<1x16xf32>,
      %parallel_loop3A_450 = vector.shape_cast %parallel_loop3A_449 : vector<1x16xf32> to vector<16xf32>
      %parallel_loop3A_451 = arith.constant 5 : i32
      %parallel_loop3A_452 = arith.index_cast %parallel_loop3A_451 : i32 to index
      %parallel_loop3A_453 = arith.index_cast %parallel_loop3A_360 : i32 to index
      %parallel_loop3A_454 = tpu.vector_load %arg18[%parallel_loop3A_452, %parallel_loop3A_453] {strides = array<i32>} : memref<8x1024xf32, #tpu.memory_space<vmem>>, vector<1x16xf32>,
      %parallel_loop3A_455 = vector.shape_cast %parallel_loop3A_454 : vector<1x16xf32> to vector<16xf32>
      %parallel_loop3A_456 = arith.addf %parallel_loop3A_450, %parallel_loop3A_455 : vector<16xf32>
      %parallel_loop3A_457 = arith.constant 5 : i32
      %parallel_loop3A_458 = arith.index_cast %parallel_loop3A_457 : i32 to index
      %parallel_loop3A_459 = arith.index_cast %parallel_loop3A_360 : i32 to index
      %parallel_loop3A_460 = tpu.vector_load %arg13[%parallel_loop3A_458, %parallel_loop3A_459] {strides = array<i32>} : memref<8x1024xf32, #tpu.memory_space<vmem>>, vector<1x16xf32>,
      %parallel_loop3A_461 = vector.shape_cast %parallel_loop3A_460 : vector<1x16xf32> to vector<16xf32>
      %parallel_loop3A_462 = vector.shape_cast %parallel_loop3A_456 : vector<16xf32> to vector<1x16xf32>
      tpu.vector_store %arg13[%parallel_loop3A_458, %parallel_loop3A_459], %parallel_loop3A_462 {strides = array<i32>} : memref<8x1024xf32, #tpu.memory_space<vmem>>, vector<1x16xf32>,
      %parallel_loop3A_463 = arith.constant 6 : i32
      %parallel_loop3A_464 = arith.index_cast %parallel_loop3A_463 : i32 to index
      %parallel_loop3A_465 = arith.index_cast %parallel_loop3A_360 : i32 to index
      %parallel_loop3A_466 = tpu.vector_load %arg8[%parallel_loop3A_464, %parallel_loop3A_465] {strides = array<i32>} : memref<8x1024xf32, #tpu.memory_space<vmem>>, vector<1x16xf32>,
      %parallel_loop3A_467 = vector.shape_cast %parallel_loop3A_466 : vector<1x16xf32> to vector<16xf32>
      %parallel_loop3A_468 = arith.constant 6 : i32
      %parallel_loop3A_469 = arith.index_cast %parallel_loop3A_468 : i32 to index
      %parallel_loop3A_470 = arith.index_cast %parallel_loop3A_360 : i32 to index
      %parallel_loop3A_471 = tpu.vector_load %arg18[%parallel_loop3A_469, %parallel_loop3A_470] {strides = array<i32>} : memref<8x1024xf32, #tpu.memory_space<vmem>>, vector<1x16xf32>,
      %parallel_loop3A_472 = vector.shape_cast %parallel_loop3A_471 : vector<1x16xf32> to vector<16xf32>
      %parallel_loop3A_473 = arith.addf %parallel_loop3A_467, %parallel_loop3A_472 : vector<16xf32>
      %parallel_loop3A_474 = arith.constant 6 : i32
      %parallel_loop3A_475 = arith.index_cast %parallel_loop3A_474 : i32 to index
      %parallel_loop3A_476 = arith.index_cast %parallel_loop3A_360 : i32 to index
      %parallel_loop3A_477 = tpu.vector_load %arg13[%parallel_loop3A_475, %parallel_loop3A_476] {strides = array<i32>} : memref<8x1024xf32, #tpu.memory_space<vmem>>, vector<1x16xf32>,
      %parallel_loop3A_478 = vector.shape_cast %parallel_loop3A_477 : vector<1x16xf32> to vector<16xf32>
      %parallel_loop3A_479 = vector.shape_cast %parallel_loop3A_473 : vector<16xf32> to vector<1x16xf32>
      tpu.vector_store %arg13[%parallel_loop3A_475, %parallel_loop3A_476], %parallel_loop3A_479 {strides = array<i32>} : memref<8x1024xf32, #tpu.memory_space<vmem>>, vector<1x16xf32>,
      %parallel_loop3A_480 = arith.constant 7 : i32
      %parallel_loop3A_481 = arith.index_cast %parallel_loop3A_480 : i32 to index
      %parallel_loop3A_482 = arith.index_cast %parallel_loop3A_360 : i32 to index
      %parallel_loop3A_483 = tpu.vector_load %arg8[%parallel_loop3A_481, %parallel_loop3A_482] {strides = array<i32>} : memref<8x1024xf32, #tpu.memory_space<vmem>>, vector<1x16xf32>,
      %parallel_loop3A_484 = vector.shape_cast %parallel_loop3A_483 : vector<1x16xf32> to vector<16xf32>
      %parallel_loop3A_485 = arith.constant 7 : i32
      %parallel_loop3A_486 = arith.index_cast %parallel_loop3A_485 : i32 to index
      %parallel_loop3A_487 = arith.index_cast %parallel_loop3A_360 : i32 to index
      %parallel_loop3A_488 = tpu.vector_load %arg18[%parallel_loop3A_486, %parallel_loop3A_487] {strides = array<i32>} : memref<8x1024xf32, #tpu.memory_space<vmem>>, vector<1x16xf32>,
      %parallel_loop3A_489 = vector.shape_cast %parallel_loop3A_488 : vector<1x16xf32> to vector<16xf32>
      %parallel_loop3A_490 = arith.addf %parallel_loop3A_484, %parallel_loop3A_489 : vector<16xf32>
      %parallel_loop3A_491 = arith.constant 7 : i32
      %parallel_loop3A_492 = arith.index_cast %parallel_loop3A_491 : i32 to index
      %parallel_loop3A_493 = arith.index_cast %parallel_loop3A_360 : i32 to index
      %parallel_loop3A_494 = tpu.vector_load %arg13[%parallel_loop3A_492, %parallel_loop3A_493] {strides = array<i32>} : memref<8x1024xf32, #tpu.memory_space<vmem>>, vector<1x16xf32>,
      %parallel_loop3A_495 = vector.shape_cast %parallel_loop3A_494 : vector<1x16xf32> to vector<16xf32>
      %parallel_loop3A_496 = vector.shape_cast %parallel_loop3A_490 : vector<16xf32> to vector<1x16xf32>
      tpu.vector_store %arg13[%parallel_loop3A_492, %parallel_loop3A_493], %parallel_loop3A_496 {strides = array<i32>} : memref<8x1024xf32, #tpu.memory_space<vmem>>, vector<1x16xf32>,
    } {sc.loop_unroll_factor = 2 : i64, sc.parallel_access}
    %add3A_203 = arith.constant 24 : i32
    %add3A_204 = arith.addi %mul3A_2, %add3A_203 : i32
    %dma_start3A_205 = arith.constant 0 : i32
    %dma_start3A_206 = arith.constant 0 : i32
    %dma_start3A_207 = tpu.memref_slice %arg4[%dma_start3A_205, %add3A_204, %dma_start3A_206] : memref<1x2048x1024xf32, #tpu.memory_space<hbm>> -> memref<1x8x1024xf32, #tpu.memory_space<hbm>>
    %dma_start3A_208 = tpu.memref_squeeze %dma_start3A_207 : memref<1x8x1024xf32, #tpu.memory_space<hbm>> -> memref<8x1024xf32, #tpu.memory_space<hbm>>
    %dma_start3A_209 = arith.constant 0 : i32
    %dma_start3A_210 = tpu.memref_slice %arg4[%dma_start3A_205, %add3A_204, %dma_start3A_209] : memref<1x2048x1024xf32, #tpu.memory_space<hbm>> -> memref<1x8x1024xf32, #tpu.memory_space<hbm>>
    %dma_start3A_211 = tpu.memref_squeeze %dma_start3A_210 : memref<1x8x1024xf32, #tpu.memory_space<hbm>> -> memref<8x1024xf32, #tpu.memory_space<hbm>>
    tpu.enqueue_dma source(%arg13 : memref<8x1024xf32, #tpu.memory_space<vmem>>) target(%dma_start3A_211 : memref<8x1024xf32, #tpu.memory_space<hbm>>) target_semaphore(%arg28 : memref<!tpu.dma_semaphore, #tpu.memory_space<semaphore_mem>>)
    %dma_wait3A_212 = arith.constant 0 : i32
    %dma_wait3A_213 = arith.constant 0 : i32
    %dma_wait3A_214 = tpu.memref_slice %arg2[%dma_wait3A_212, %add3A_39, %dma_wait3A_213] : memref<4x2048x1024xf32, #tpu.memory_space<hbm>> -> memref<1x8x1024xf32, #tpu.memory_space<hbm>>
    %dma_wait3A_215 = tpu.memref_squeeze %dma_wait3A_214 : memref<1x8x1024xf32, #tpu.memory_space<hbm>> -> memref<8x1024xf32, #tpu.memory_space<hbm>>
    %dma_wait3A_216 = arith.constant 0 : i32
    %dma_wait3A_217 = tpu.memref_slice %arg2[%dma_wait3A_212, %add3A_39, %dma_wait3A_216] : memref<4x2048x1024xf32, #tpu.memory_space<hbm>> -> memref<1x8x1024xf32, #tpu.memory_space<hbm>>
    %dma_wait3A_218 = tpu.memref_squeeze %dma_wait3A_217 : memref<1x8x1024xf32, #tpu.memory_space<hbm>> -> memref<8x1024xf32, #tpu.memory_space<hbm>>
    tpu.wait_dma2 semaphore(%arg24 : memref<!tpu.dma_semaphore, #tpu.memory_space<semaphore_mem>>) src(%dma_wait3A_218 : memref<8x1024xf32, #tpu.memory_space<hbm>>) dst(%arg9 : memref<8x1024xf32, #tpu.memory_space<vmem>>)
    %dma_wait3A_219 = arith.constant 0 : i32
    %dma_wait3A_220 = tpu.memref_slice %arg3[%add3A_72, %dma_wait3A_219] : memref<2048x1024xf32, #tpu.memory_space<hbm>> -> memref<8x1024xf32, #tpu.memory_space<hbm>>
    %dma_wait3A_221 = arith.constant 0 : i32
    %dma_wait3A_222 = tpu.memref_slice %arg3[%add3A_72, %dma_wait3A_221] : memref<2048x1024xf32, #tpu.memory_space<hbm>> -> memref<8x1024xf32, #tpu.memory_space<hbm>>
    tpu.wait_dma2 semaphore(%arg34 : memref<!tpu.dma_semaphore, #tpu.memory_space<semaphore_mem>>) src(%dma_wait3A_222 : memref<8x1024xf32, #tpu.memory_space<hbm>>) dst(%arg19 : memref<8x1024xf32, #tpu.memory_space<vmem>>)
    %parallel_loop3A_223 = arith.constant 0 : i32
    %parallel_loop3A_224 = arith.constant 1024 : i32
    %parallel_loop3A_225 = arith.constant 16 : i32
    scf.for %parallel_loop3A_360 = %parallel_loop3A_223 to %parallel_loop3A_224 step %parallel_loop3A_225  : i32 {
      %parallel_loop3A_361 = arith.constant 0 : i32
      %parallel_loop3A_362 = arith.index_cast %parallel_loop3A_361 : i32 to index
      %parallel_loop3A_363 = arith.index_cast %parallel_loop3A_360 : i32 to index
      %parallel_loop3A_364 = tpu.vector_load %arg9[%parallel_loop3A_362, %parallel_loop3A_363] {strides = array<i32>} : memref<8x1024xf32, #tpu.memory_space<vmem>>, vector<1x16xf32>,
      %parallel_loop3A_365 = vector.shape_cast %parallel_loop3A_364 : vector<1x16xf32> to vector<16xf32>
      %parallel_loop3A_366 = arith.constant 0 : i32
      %parallel_loop3A_367 = arith.index_cast %parallel_loop3A_366 : i32 to index
      %parallel_loop3A_368 = arith.index_cast %parallel_loop3A_360 : i32 to index
      %parallel_loop3A_369 = tpu.vector_load %arg19[%parallel_loop3A_367, %parallel_loop3A_368] {strides = array<i32>} : memref<8x1024xf32, #tpu.memory_space<vmem>>, vector<1x16xf32>,
      %parallel_loop3A_370 = vector.shape_cast %parallel_loop3A_369 : vector<1x16xf32> to vector<16xf32>
      %parallel_loop3A_371 = arith.addf %parallel_loop3A_365, %parallel_loop3A_370 : vector<16xf32>
      %parallel_loop3A_372 = arith.constant 0 : i32
      %parallel_loop3A_373 = arith.index_cast %parallel_loop3A_372 : i32 to index
      %parallel_loop3A_374 = arith.index_cast %parallel_loop3A_360 : i32 to index
      %parallel_loop3A_375 = tpu.vector_load %arg14[%parallel_loop3A_373, %parallel_loop3A_374] {strides = array<i32>} : memref<8x1024xf32, #tpu.memory_space<vmem>>, vector<1x16xf32>,
      %parallel_loop3A_376 = vector.shape_cast %parallel_loop3A_375 : vector<1x16xf32> to vector<16xf32>
      %parallel_loop3A_377 = vector.shape_cast %parallel_loop3A_371 : vector<16xf32> to vector<1x16xf32>
      tpu.vector_store %arg14[%parallel_loop3A_373, %parallel_loop3A_374], %parallel_loop3A_377 {strides = array<i32>} : memref<8x1024xf32, #tpu.memory_space<vmem>>, vector<1x16xf32>,
      %parallel_loop3A_378 = arith.constant 1 : i32
      %parallel_loop3A_379 = arith.index_cast %parallel_loop3A_378 : i32 to index
      %parallel_loop3A_380 = arith.index_cast %parallel_loop3A_360 : i32 to index
      %parallel_loop3A_381 = tpu.vector_load %arg9[%parallel_loop3A_379, %parallel_loop3A_380] {strides = array<i32>} : memref<8x1024xf32, #tpu.memory_space<vmem>>, vector<1x16xf32>,
      %parallel_loop3A_382 = vector.shape_cast %parallel_loop3A_381 : vector<1x16xf32> to vector<16xf32>
      %parallel_loop3A_383 = arith.constant 1 : i32
      %parallel_loop3A_384 = arith.index_cast %parallel_loop3A_383 : i32 to index
      %parallel_loop3A_385 = arith.index_cast %parallel_loop3A_360 : i32 to index
      %parallel_loop3A_386 = tpu.vector_load %arg19[%parallel_loop3A_384, %parallel_loop3A_385] {strides = array<i32>} : memref<8x1024xf32, #tpu.memory_space<vmem>>, vector<1x16xf32>,
      %parallel_loop3A_387 = vector.shape_cast %parallel_loop3A_386 : vector<1x16xf32> to vector<16xf32>
      %parallel_loop3A_388 = arith.addf %parallel_loop3A_382, %parallel_loop3A_387 : vector<16xf32>
      %parallel_loop3A_389 = arith.constant 1 : i32
      %parallel_loop3A_390 = arith.index_cast %parallel_loop3A_389 : i32 to index
      %parallel_loop3A_391 = arith.index_cast %parallel_loop3A_360 : i32 to index
      %parallel_loop3A_392 = tpu.vector_load %arg14[%parallel_loop3A_390, %parallel_loop3A_391] {strides = array<i32>} : memref<8x1024xf32, #tpu.memory_space<vmem>>, vector<1x16xf32>,
      %parallel_loop3A_393 = vector.shape_cast %parallel_loop3A_392 : vector<1x16xf32> to vector<16xf32>
      %parallel_loop3A_394 = vector.shape_cast %parallel_loop3A_388 : vector<16xf32> to vector<1x16xf32>
      tpu.vector_store %arg14[%parallel_loop3A_390, %parallel_loop3A_391], %parallel_loop3A_394 {strides = array<i32>} : memref<8x1024xf32, #tpu.memory_space<vmem>>, vector<1x16xf32>,
      %parallel_loop3A_395 = arith.constant 2 : i32
      %parallel_loop3A_396 = arith.index_cast %parallel_loop3A_395 : i32 to index
      %parallel_loop3A_397 = arith.index_cast %parallel_loop3A_360 : i32 to index
      %parallel_loop3A_398 = tpu.vector_load %arg9[%parallel_loop3A_396, %parallel_loop3A_397] {strides = array<i32>} : memref<8x1024xf32, #tpu.memory_space<vmem>>, vector<1x16xf32>,
      %parallel_loop3A_399 = vector.shape_cast %parallel_loop3A_398 : vector<1x16xf32> to vector<16xf32>
      %parallel_loop3A_400 = arith.constant 2 : i32
      %parallel_loop3A_401 = arith.index_cast %parallel_loop3A_400 : i32 to index
      %parallel_loop3A_402 = arith.index_cast %parallel_loop3A_360 : i32 to index
      %parallel_loop3A_403 = tpu.vector_load %arg19[%parallel_loop3A_401, %parallel_loop3A_402] {strides = array<i32>} : memref<8x1024xf32, #tpu.memory_space<vmem>>, vector<1x16xf32>,
      %parallel_loop3A_404 = vector.shape_cast %parallel_loop3A_403 : vector<1x16xf32> to vector<16xf32>
      %parallel_loop3A_405 = arith.addf %parallel_loop3A_399, %parallel_loop3A_404 : vector<16xf32>
      %parallel_loop3A_406 = arith.constant 2 : i32
      %parallel_loop3A_407 = arith.index_cast %parallel_loop3A_406 : i32 to index
      %parallel_loop3A_408 = arith.index_cast %parallel_loop3A_360 : i32 to index
      %parallel_loop3A_409 = tpu.vector_load %arg14[%parallel_loop3A_407, %parallel_loop3A_408] {strides = array<i32>} : memref<8x1024xf32, #tpu.memory_space<vmem>>, vector<1x16xf32>,
      %parallel_loop3A_410 = vector.shape_cast %parallel_loop3A_409 : vector<1x16xf32> to vector<16xf32>
      %parallel_loop3A_411 = vector.shape_cast %parallel_loop3A_405 : vector<16xf32> to vector<1x16xf32>
      tpu.vector_store %arg14[%parallel_loop3A_407, %parallel_loop3A_408], %parallel_loop3A_411 {strides = array<i32>} : memref<8x1024xf32, #tpu.memory_space<vmem>>, vector<1x16xf32>,
      %parallel_loop3A_412 = arith.constant 3 : i32
      %parallel_loop3A_413 = arith.index_cast %parallel_loop3A_412 : i32 to index
      %parallel_loop3A_414 = arith.index_cast %parallel_loop3A_360 : i32 to index
      %parallel_loop3A_415 = tpu.vector_load %arg9[%parallel_loop3A_413, %parallel_loop3A_414] {strides = array<i32>} : memref<8x1024xf32, #tpu.memory_space<vmem>>, vector<1x16xf32>,
      %parallel_loop3A_416 = vector.shape_cast %parallel_loop3A_415 : vector<1x16xf32> to vector<16xf32>
      %parallel_loop3A_417 = arith.constant 3 : i32
      %parallel_loop3A_418 = arith.index_cast %parallel_loop3A_417 : i32 to index
      %parallel_loop3A_419 = arith.index_cast %parallel_loop3A_360 : i32 to index
      %parallel_loop3A_420 = tpu.vector_load %arg19[%parallel_loop3A_418, %parallel_loop3A_419] {strides = array<i32>} : memref<8x1024xf32, #tpu.memory_space<vmem>>, vector<1x16xf32>,
      %parallel_loop3A_421 = vector.shape_cast %parallel_loop3A_420 : vector<1x16xf32> to vector<16xf32>
      %parallel_loop3A_422 = arith.addf %parallel_loop3A_416, %parallel_loop3A_421 : vector<16xf32>
      %parallel_loop3A_423 = arith.constant 3 : i32
      %parallel_loop3A_424 = arith.index_cast %parallel_loop3A_423 : i32 to index
      %parallel_loop3A_425 = arith.index_cast %parallel_loop3A_360 : i32 to index
      %parallel_loop3A_426 = tpu.vector_load %arg14[%parallel_loop3A_424, %parallel_loop3A_425] {strides = array<i32>} : memref<8x1024xf32, #tpu.memory_space<vmem>>, vector<1x16xf32>,
      %parallel_loop3A_427 = vector.shape_cast %parallel_loop3A_426 : vector<1x16xf32> to vector<16xf32>
      %parallel_loop3A_428 = vector.shape_cast %parallel_loop3A_422 : vector<16xf32> to vector<1x16xf32>
      tpu.vector_store %arg14[%parallel_loop3A_424, %parallel_loop3A_425], %parallel_loop3A_428 {strides = array<i32>} : memref<8x1024xf32, #tpu.memory_space<vmem>>, vector<1x16xf32>,
      %parallel_loop3A_429 = arith.constant 4 : i32
      %parallel_loop3A_430 = arith.index_cast %parallel_loop3A_429 : i32 to index
      %parallel_loop3A_431 = arith.index_cast %parallel_loop3A_360 : i32 to index
      %parallel_loop3A_432 = tpu.vector_load %arg9[%parallel_loop3A_430, %parallel_loop3A_431] {strides = array<i32>} : memref<8x1024xf32, #tpu.memory_space<vmem>>, vector<1x16xf32>,
      %parallel_loop3A_433 = vector.shape_cast %parallel_loop3A_432 : vector<1x16xf32> to vector<16xf32>
      %parallel_loop3A_434 = arith.constant 4 : i32
      %parallel_loop3A_435 = arith.index_cast %parallel_loop3A_434 : i32 to index
      %parallel_loop3A_436 = arith.index_cast %parallel_loop3A_360 : i32 to index
      %parallel_loop3A_437 = tpu.vector_load %arg19[%parallel_loop3A_435, %parallel_loop3A_436] {strides = array<i32>} : memref<8x1024xf32, #tpu.memory_space<vmem>>, vector<1x16xf32>,
      %parallel_loop3A_438 = vector.shape_cast %parallel_loop3A_437 : vector<1x16xf32> to vector<16xf32>
      %parallel_loop3A_439 = arith.addf %parallel_loop3A_433, %parallel_loop3A_438 : vector<16xf32>
      %parallel_loop3A_440 = arith.constant 4 : i32
      %parallel_loop3A_441 = arith.index_cast %parallel_loop3A_440 : i32 to index
      %parallel_loop3A_442 = arith.index_cast %parallel_loop3A_360 : i32 to index
      %parallel_loop3A_443 = tpu.vector_load %arg14[%parallel_loop3A_441, %parallel_loop3A_442] {strides = array<i32>} : memref<8x1024xf32, #tpu.memory_space<vmem>>, vector<1x16xf32>,
      %parallel_loop3A_444 = vector.shape_cast %parallel_loop3A_443 : vector<1x16xf32> to vector<16xf32>
      %parallel_loop3A_445 = vector.shape_cast %parallel_loop3A_439 : vector<16xf32> to vector<1x16xf32>
      tpu.vector_store %arg14[%parallel_loop3A_441, %parallel_loop3A_442], %parallel_loop3A_445 {strides = array<i32>} : memref<8x1024xf32, #tpu.memory_space<vmem>>, vector<1x16xf32>,
      %parallel_loop3A_446 = arith.constant 5 : i32
      %parallel_loop3A_447 = arith.index_cast %parallel_loop3A_446 : i32 to index
      %parallel_loop3A_448 = arith.index_cast %parallel_loop3A_360 : i32 to index
      %parallel_loop3A_449 = tpu.vector_load %arg9[%parallel_loop3A_447, %parallel_loop3A_448] {strides = array<i32>} : memref<8x1024xf32, #tpu.memory_space<vmem>>, vector<1x16xf32>,
      %parallel_loop3A_450 = vector.shape_cast %parallel_loop3A_449 : vector<1x16xf32> to vector<16xf32>
      %parallel_loop3A_451 = arith.constant 5 : i32
      %parallel_loop3A_452 = arith.index_cast %parallel_loop3A_451 : i32 to index
      %parallel_loop3A_453 = arith.index_cast %parallel_loop3A_360 : i32 to index
      %parallel_loop3A_454 = tpu.vector_load %arg19[%parallel_loop3A_452, %parallel_loop3A_453] {strides = array<i32>} : memref<8x1024xf32, #tpu.memory_space<vmem>>, vector<1x16xf32>,
      %parallel_loop3A_455 = vector.shape_cast %parallel_loop3A_454 : vector<1x16xf32> to vector<16xf32>
      %parallel_loop3A_456 = arith.addf %parallel_loop3A_450, %parallel_loop3A_455 : vector<16xf32>
      %parallel_loop3A_457 = arith.constant 5 : i32
      %parallel_loop3A_458 = arith.index_cast %parallel_loop3A_457 : i32 to index
      %parallel_loop3A_459 = arith.index_cast %parallel_loop3A_360 : i32 to index
      %parallel_loop3A_460 = tpu.vector_load %arg14[%parallel_loop3A_458, %parallel_loop3A_459] {strides = array<i32>} : memref<8x1024xf32, #tpu.memory_space<vmem>>, vector<1x16xf32>,
      %parallel_loop3A_461 = vector.shape_cast %parallel_loop3A_460 : vector<1x16xf32> to vector<16xf32>
      %parallel_loop3A_462 = vector.shape_cast %parallel_loop3A_456 : vector<16xf32> to vector<1x16xf32>
      tpu.vector_store %arg14[%parallel_loop3A_458, %parallel_loop3A_459], %parallel_loop3A_462 {strides = array<i32>} : memref<8x1024xf32, #tpu.memory_space<vmem>>, vector<1x16xf32>,
      %parallel_loop3A_463 = arith.constant 6 : i32
      %parallel_loop3A_464 = arith.index_cast %parallel_loop3A_463 : i32 to index
      %parallel_loop3A_465 = arith.index_cast %parallel_loop3A_360 : i32 to index
      %parallel_loop3A_466 = tpu.vector_load %arg9[%parallel_loop3A_464, %parallel_loop3A_465] {strides = array<i32>} : memref<8x1024xf32, #tpu.memory_space<vmem>>, vector<1x16xf32>,
      %parallel_loop3A_467 = vector.shape_cast %parallel_loop3A_466 : vector<1x16xf32> to vector<16xf32>
      %parallel_loop3A_468 = arith.constant 6 : i32
      %parallel_loop3A_469 = arith.index_cast %parallel_loop3A_468 : i32 to index
      %parallel_loop3A_470 = arith.index_cast %parallel_loop3A_360 : i32 to index
      %parallel_loop3A_471 = tpu.vector_load %arg19[%parallel_loop3A_469, %parallel_loop3A_470] {strides = array<i32>} : memref<8x1024xf32, #tpu.memory_space<vmem>>, vector<1x16xf32>,
      %parallel_loop3A_472 = vector.shape_cast %parallel_loop3A_471 : vector<1x16xf32> to vector<16xf32>
      %parallel_loop3A_473 = arith.addf %parallel_loop3A_467, %parallel_loop3A_472 : vector<16xf32>
      %parallel_loop3A_474 = arith.constant 6 : i32
      %parallel_loop3A_475 = arith.index_cast %parallel_loop3A_474 : i32 to index
      %parallel_loop3A_476 = arith.index_cast %parallel_loop3A_360 : i32 to index
      %parallel_loop3A_477 = tpu.vector_load %arg14[%parallel_loop3A_475, %parallel_loop3A_476] {strides = array<i32>} : memref<8x1024xf32, #tpu.memory_space<vmem>>, vector<1x16xf32>,
      %parallel_loop3A_478 = vector.shape_cast %parallel_loop3A_477 : vector<1x16xf32> to vector<16xf32>
      %parallel_loop3A_479 = vector.shape_cast %parallel_loop3A_473 : vector<16xf32> to vector<1x16xf32>
      tpu.vector_store %arg14[%parallel_loop3A_475, %parallel_loop3A_476], %parallel_loop3A_479 {strides = array<i32>} : memref<8x1024xf32, #tpu.memory_space<vmem>>, vector<1x16xf32>,
      %parallel_loop3A_480 = arith.constant 7 : i32
      %parallel_loop3A_481 = arith.index_cast %parallel_loop3A_480 : i32 to index
      %parallel_loop3A_482 = arith.index_cast %parallel_loop3A_360 : i32 to index
      %parallel_loop3A_483 = tpu.vector_load %arg9[%parallel_loop3A_481, %parallel_loop3A_482] {strides = array<i32>} : memref<8x1024xf32, #tpu.memory_space<vmem>>, vector<1x16xf32>,
      %parallel_loop3A_484 = vector.shape_cast %parallel_loop3A_483 : vector<1x16xf32> to vector<16xf32>
      %parallel_loop3A_485 = arith.constant 7 : i32
      %parallel_loop3A_486 = arith.index_cast %parallel_loop3A_485 : i32 to index
      %parallel_loop3A_487 = arith.index_cast %parallel_loop3A_360 : i32 to index
      %parallel_loop3A_488 = tpu.vector_load %arg19[%parallel_loop3A_486, %parallel_loop3A_487] {strides = array<i32>} : memref<8x1024xf32, #tpu.memory_space<vmem>>, vector<1x16xf32>,
      %parallel_loop3A_489 = vector.shape_cast %parallel_loop3A_488 : vector<1x16xf32> to vector<16xf32>
      %parallel_loop3A_490 = arith.addf %parallel_loop3A_484, %parallel_loop3A_489 : vector<16xf32>
      %parallel_loop3A_491 = arith.constant 7 : i32
      %parallel_loop3A_492 = arith.index_cast %parallel_loop3A_491 : i32 to index
      %parallel_loop3A_493 = arith.index_cast %parallel_loop3A_360 : i32 to index
      %parallel_loop3A_494 = tpu.vector_load %arg14[%parallel_loop3A_492, %parallel_loop3A_493] {strides = array<i32>} : memref<8x1024xf32, #tpu.memory_space<vmem>>, vector<1x16xf32>,
      %parallel_loop3A_495 = vector.shape_cast %parallel_loop3A_494 : vector<1x16xf32> to vector<16xf32>
      %parallel_loop3A_496 = vector.shape_cast %parallel_loop3A_490 : vector<16xf32> to vector<1x16xf32>
      tpu.vector_store %arg14[%parallel_loop3A_492, %parallel_loop3A_493], %parallel_loop3A_496 {strides = array<i32>} : memref<8x1024xf32, #tpu.memory_space<vmem>>, vector<1x16xf32>,
    } {sc.loop_unroll_factor = 2 : i64, sc.parallel_access}
    %add3A_226 = arith.constant 32 : i32
    %add3A_227 = arith.addi %mul3A_2, %add3A_226 : i32
    %dma_start3A_228 = arith.constant 0 : i32
    %dma_start3A_229 = arith.constant 0 : i32
    %dma_start3A_230 = tpu.memref_slice %arg4[%dma_start3A_228, %add3A_227, %dma_start3A_229] : memref<1x2048x1024xf32, #tpu.memory_space<hbm>> -> memref<1x8x1024xf32, #tpu.memory_space<hbm>>
    %dma_start3A_231 = tpu.memref_squeeze %dma_start3A_230 : memref<1x8x1024xf32, #tpu.memory_space<hbm>> -> memref<8x1024xf32, #tpu.memory_space<hbm>>
    %dma_start3A_232 = arith.constant 0 : i32
    %dma_start3A_233 = tpu.memref_slice %arg4[%dma_start3A_228, %add3A_227, %dma_start3A_232] : memref<1x2048x1024xf32, #tpu.memory_space<hbm>> -> memref<1x8x1024xf32, #tpu.memory_space<hbm>>
    %dma_start3A_234 = tpu.memref_squeeze %dma_start3A_233 : memref<1x8x1024xf32, #tpu.memory_space<hbm>> -> memref<8x1024xf32, #tpu.memory_space<hbm>>
    tpu.enqueue_dma source(%arg14 : memref<8x1024xf32, #tpu.memory_space<vmem>>) target(%dma_start3A_234 : memref<8x1024xf32, #tpu.memory_space<hbm>>) target_semaphore(%arg29 : memref<!tpu.dma_semaphore, #tpu.memory_space<semaphore_mem>>)
    %dma_wait3A_235 = arith.constant 0 : i32
    %dma_wait3A_236 = arith.constant 0 : i32
    %dma_wait3A_237 = tpu.memref_slice %arg2[%dma_wait3A_235, %add3A_99, %dma_wait3A_236] : memref<4x2048x1024xf32, #tpu.memory_space<hbm>> -> memref<1x8x1024xf32, #tpu.memory_space<hbm>>
    %dma_wait3A_238 = tpu.memref_squeeze %dma_wait3A_237 : memref<1x8x1024xf32, #tpu.memory_space<hbm>> -> memref<8x1024xf32, #tpu.memory_space<hbm>>
    %dma_wait3A_239 = arith.constant 0 : i32
    %dma_wait3A_240 = tpu.memref_slice %arg2[%dma_wait3A_235, %add3A_99, %dma_wait3A_239] : memref<4x2048x1024xf32, #tpu.memory_space<hbm>> -> memref<1x8x1024xf32, #tpu.memory_space<hbm>>
    %dma_wait3A_241 = tpu.memref_squeeze %dma_wait3A_240 : memref<1x8x1024xf32, #tpu.memory_space<hbm>> -> memref<8x1024xf32, #tpu.memory_space<hbm>>
    tpu.wait_dma2 semaphore(%arg20 : memref<!tpu.dma_semaphore, #tpu.memory_space<semaphore_mem>>) src(%dma_wait3A_241 : memref<8x1024xf32, #tpu.memory_space<hbm>>) dst(%arg5 : memref<8x1024xf32, #tpu.memory_space<vmem>>)
    %dma_wait3A_242 = arith.constant 0 : i32
    %dma_wait3A_243 = tpu.memref_slice %arg3[%add3A_108, %dma_wait3A_242] : memref<2048x1024xf32, #tpu.memory_space<hbm>> -> memref<8x1024xf32, #tpu.memory_space<hbm>>
    %dma_wait3A_244 = arith.constant 0 : i32
    %dma_wait3A_245 = tpu.memref_slice %arg3[%add3A_108, %dma_wait3A_244] : memref<2048x1024xf32, #tpu.memory_space<hbm>> -> memref<8x1024xf32, #tpu.memory_space<hbm>>
    tpu.wait_dma2 semaphore(%arg30 : memref<!tpu.dma_semaphore, #tpu.memory_space<semaphore_mem>>) src(%dma_wait3A_245 : memref<8x1024xf32, #tpu.memory_space<hbm>>) dst(%arg15 : memref<8x1024xf32, #tpu.memory_space<vmem>>)
    %dma_wait3A_246 = arith.constant 0 : i32
    %dma_wait3A_247 = arith.constant 0 : i32
    %dma_wait3A_248 = tpu.memref_slice %arg4[%dma_wait3A_246, %add3A_90, %dma_wait3A_247] : memref<1x2048x1024xf32, #tpu.memory_space<hbm>> -> memref<1x8x1024xf32, #tpu.memory_space<hbm>>
    %dma_wait3A_249 = tpu.memref_squeeze %dma_wait3A_248 : memref<1x8x1024xf32, #tpu.memory_space<hbm>> -> memref<8x1024xf32, #tpu.memory_space<hbm>>
    %dma_wait3A_250 = arith.constant 0 : i32
    %dma_wait3A_251 = tpu.memref_slice %arg4[%dma_wait3A_246, %add3A_90, %dma_wait3A_250] : memref<1x2048x1024xf32, #tpu.memory_space<hbm>> -> memref<1x8x1024xf32, #tpu.memory_space<hbm>>
    %dma_wait3A_252 = tpu.memref_squeeze %dma_wait3A_251 : memref<1x8x1024xf32, #tpu.memory_space<hbm>> -> memref<8x1024xf32, #tpu.memory_space<hbm>>
    tpu.wait_dma2 semaphore(%arg25 : memref<!tpu.dma_semaphore, #tpu.memory_space<semaphore_mem>>) src(%arg10 : memref<8x1024xf32, #tpu.memory_space<vmem>>) dst(%dma_wait3A_252 : memref<8x1024xf32, #tpu.memory_space<hbm>>)
    %parallel_loop3A_253 = arith.constant 0 : i32
    %parallel_loop3A_254 = arith.constant 1024 : i32
    %parallel_loop3A_255 = arith.constant 16 : i32
    scf.for %parallel_loop3A_360 = %parallel_loop3A_253 to %parallel_loop3A_254 step %parallel_loop3A_255  : i32 {
      %parallel_loop3A_361 = arith.constant 0 : i32
      %parallel_loop3A_362 = arith.index_cast %parallel_loop3A_361 : i32 to index
      %parallel_loop3A_363 = arith.index_cast %parallel_loop3A_360 : i32 to index
      %parallel_loop3A_364 = tpu.vector_load %arg5[%parallel_loop3A_362, %parallel_loop3A_363] {strides = array<i32>} : memref<8x1024xf32, #tpu.memory_space<vmem>>, vector<1x16xf32>,
      %parallel_loop3A_365 = vector.shape_cast %parallel_loop3A_364 : vector<1x16xf32> to vector<16xf32>
      %parallel_loop3A_366 = arith.constant 0 : i32
      %parallel_loop3A_367 = arith.index_cast %parallel_loop3A_366 : i32 to index
      %parallel_loop3A_368 = arith.index_cast %parallel_loop3A_360 : i32 to index
      %parallel_loop3A_369 = tpu.vector_load %arg15[%parallel_loop3A_367, %parallel_loop3A_368] {strides = array<i32>} : memref<8x1024xf32, #tpu.memory_space<vmem>>, vector<1x16xf32>,
      %parallel_loop3A_370 = vector.shape_cast %parallel_loop3A_369 : vector<1x16xf32> to vector<16xf32>
      %parallel_loop3A_371 = arith.addf %parallel_loop3A_365, %parallel_loop3A_370 : vector<16xf32>
      %parallel_loop3A_372 = arith.constant 0 : i32
      %parallel_loop3A_373 = arith.index_cast %parallel_loop3A_372 : i32 to index
      %parallel_loop3A_374 = arith.index_cast %parallel_loop3A_360 : i32 to index
      %parallel_loop3A_375 = tpu.vector_load %arg10[%parallel_loop3A_373, %parallel_loop3A_374] {strides = array<i32>} : memref<8x1024xf32, #tpu.memory_space<vmem>>, vector<1x16xf32>,
      %parallel_loop3A_376 = vector.shape_cast %parallel_loop3A_375 : vector<1x16xf32> to vector<16xf32>
      %parallel_loop3A_377 = vector.shape_cast %parallel_loop3A_371 : vector<16xf32> to vector<1x16xf32>
      tpu.vector_store %arg10[%parallel_loop3A_373, %parallel_loop3A_374], %parallel_loop3A_377 {strides = array<i32>} : memref<8x1024xf32, #tpu.memory_space<vmem>>, vector<1x16xf32>,
      %parallel_loop3A_378 = arith.constant 1 : i32
      %parallel_loop3A_379 = arith.index_cast %parallel_loop3A_378 : i32 to index
      %parallel_loop3A_380 = arith.index_cast %parallel_loop3A_360 : i32 to index
      %parallel_loop3A_381 = tpu.vector_load %arg5[%parallel_loop3A_379, %parallel_loop3A_380] {strides = array<i32>} : memref<8x1024xf32, #tpu.memory_space<vmem>>, vector<1x16xf32>,
      %parallel_loop3A_382 = vector.shape_cast %parallel_loop3A_381 : vector<1x16xf32> to vector<16xf32>
      %parallel_loop3A_383 = arith.constant 1 : i32
      %parallel_loop3A_384 = arith.index_cast %parallel_loop3A_383 : i32 to index
      %parallel_loop3A_385 = arith.index_cast %parallel_loop3A_360 : i32 to index
      %parallel_loop3A_386 = tpu.vector_load %arg15[%parallel_loop3A_384, %parallel_loop3A_385] {strides = array<i32>} : memref<8x1024xf32, #tpu.memory_space<vmem>>, vector<1x16xf32>,
      %parallel_loop3A_387 = vector.shape_cast %parallel_loop3A_386 : vector<1x16xf32> to vector<16xf32>
      %parallel_loop3A_388 = arith.addf %parallel_loop3A_382, %parallel_loop3A_387 : vector<16xf32>
      %parallel_loop3A_389 = arith.constant 1 : i32
      %parallel_loop3A_390 = arith.index_cast %parallel_loop3A_389 : i32 to index
      %parallel_loop3A_391 = arith.index_cast %parallel_loop3A_360 : i32 to index
      %parallel_loop3A_392 = tpu.vector_load %arg10[%parallel_loop3A_390, %parallel_loop3A_391] {strides = array<i32>} : memref<8x1024xf32, #tpu.memory_space<vmem>>, vector<1x16xf32>,
      %parallel_loop3A_393 = vector.shape_cast %parallel_loop3A_392 : vector<1x16xf32> to vector<16xf32>
      %parallel_loop3A_394 = vector.shape_cast %parallel_loop3A_388 : vector<16xf32> to vector<1x16xf32>
      tpu.vector_store %arg10[%parallel_loop3A_390, %parallel_loop3A_391], %parallel_loop3A_394 {strides = array<i32>} : memref<8x1024xf32, #tpu.memory_space<vmem>>, vector<1x16xf32>,
      %parallel_loop3A_395 = arith.constant 2 : i32
      %parallel_loop3A_396 = arith.index_cast %parallel_loop3A_395 : i32 to index
      %parallel_loop3A_397 = arith.index_cast %parallel_loop3A_360 : i32 to index
      %parallel_loop3A_398 = tpu.vector_load %arg5[%parallel_loop3A_396, %parallel_loop3A_397] {strides = array<i32>} : memref<8x1024xf32, #tpu.memory_space<vmem>>, vector<1x16xf32>,
      %parallel_loop3A_399 = vector.shape_cast %parallel_loop3A_398 : vector<1x16xf32> to vector<16xf32>
      %parallel_loop3A_400 = arith.constant 2 : i32
      %parallel_loop3A_401 = arith.index_cast %parallel_loop3A_400 : i32 to index
      %parallel_loop3A_402 = arith.index_cast %parallel_loop3A_360 : i32 to index
      %parallel_loop3A_403 = tpu.vector_load %arg15[%parallel_loop3A_401, %parallel_loop3A_402] {strides = array<i32>} : memref<8x1024xf32, #tpu.memory_space<vmem>>, vector<1x16xf32>,
      %parallel_loop3A_404 = vector.shape_cast %parallel_loop3A_403 : vector<1x16xf32> to vector<16xf32>
      %parallel_loop3A_405 = arith.addf %parallel_loop3A_399, %parallel_loop3A_404 : vector<16xf32>
      %parallel_loop3A_406 = arith.constant 2 : i32
      %parallel_loop3A_407 = arith.index_cast %parallel_loop3A_406 : i32 to index
      %parallel_loop3A_408 = arith.index_cast %parallel_loop3A_360 : i32 to index
      %parallel_loop3A_409 = tpu.vector_load %arg10[%parallel_loop3A_407, %parallel_loop3A_408] {strides = array<i32>} : memref<8x1024xf32, #tpu.memory_space<vmem>>, vector<1x16xf32>,
      %parallel_loop3A_410 = vector.shape_cast %parallel_loop3A_409 : vector<1x16xf32> to vector<16xf32>
      %parallel_loop3A_411 = vector.shape_cast %parallel_loop3A_405 : vector<16xf32> to vector<1x16xf32>
      tpu.vector_store %arg10[%parallel_loop3A_407, %parallel_loop3A_408], %parallel_loop3A_411 {strides = array<i32>} : memref<8x1024xf32, #tpu.memory_space<vmem>>, vector<1x16xf32>,
      %parallel_loop3A_412 = arith.constant 3 : i32
      %parallel_loop3A_413 = arith.index_cast %parallel_loop3A_412 : i32 to index
      %parallel_loop3A_414 = arith.index_cast %parallel_loop3A_360 : i32 to index
      %parallel_loop3A_415 = tpu.vector_load %arg5[%parallel_loop3A_413, %parallel_loop3A_414] {strides = array<i32>} : memref<8x1024xf32, #tpu.memory_space<vmem>>, vector<1x16xf32>,
      %parallel_loop3A_416 = vector.shape_cast %parallel_loop3A_415 : vector<1x16xf32> to vector<16xf32>
      %parallel_loop3A_417 = arith.constant 3 : i32
      %parallel_loop3A_418 = arith.index_cast %parallel_loop3A_417 : i32 to index
      %parallel_loop3A_419 = arith.index_cast %parallel_loop3A_360 : i32 to index
      %parallel_loop3A_420 = tpu.vector_load %arg15[%parallel_loop3A_418, %parallel_loop3A_419] {strides = array<i32>} : memref<8x1024xf32, #tpu.memory_space<vmem>>, vector<1x16xf32>,
      %parallel_loop3A_421 = vector.shape_cast %parallel_loop3A_420 : vector<1x16xf32> to vector<16xf32>
      %parallel_loop3A_422 = arith.addf %parallel_loop3A_416, %parallel_loop3A_421 : vector<16xf32>
      %parallel_loop3A_423 = arith.constant 3 : i32
      %parallel_loop3A_424 = arith.index_cast %parallel_loop3A_423 : i32 to index
      %parallel_loop3A_425 = arith.index_cast %parallel_loop3A_360 : i32 to index
      %parallel_loop3A_426 = tpu.vector_load %arg10[%parallel_loop3A_424, %parallel_loop3A_425] {strides = array<i32>} : memref<8x1024xf32, #tpu.memory_space<vmem>>, vector<1x16xf32>,
      %parallel_loop3A_427 = vector.shape_cast %parallel_loop3A_426 : vector<1x16xf32> to vector<16xf32>
      %parallel_loop3A_428 = vector.shape_cast %parallel_loop3A_422 : vector<16xf32> to vector<1x16xf32>
      tpu.vector_store %arg10[%parallel_loop3A_424, %parallel_loop3A_425], %parallel_loop3A_428 {strides = array<i32>} : memref<8x1024xf32, #tpu.memory_space<vmem>>, vector<1x16xf32>,
      %parallel_loop3A_429 = arith.constant 4 : i32
      %parallel_loop3A_430 = arith.index_cast %parallel_loop3A_429 : i32 to index
      %parallel_loop3A_431 = arith.index_cast %parallel_loop3A_360 : i32 to index
      %parallel_loop3A_432 = tpu.vector_load %arg5[%parallel_loop3A_430, %parallel_loop3A_431] {strides = array<i32>} : memref<8x1024xf32, #tpu.memory_space<vmem>>, vector<1x16xf32>,
      %parallel_loop3A_433 = vector.shape_cast %parallel_loop3A_432 : vector<1x16xf32> to vector<16xf32>
      %parallel_loop3A_434 = arith.constant 4 : i32
      %parallel_loop3A_435 = arith.index_cast %parallel_loop3A_434 : i32 to index
      %parallel_loop3A_436 = arith.index_cast %parallel_loop3A_360 : i32 to index
      %parallel_loop3A_437 = tpu.vector_load %arg15[%parallel_loop3A_435, %parallel_loop3A_436] {strides = array<i32>} : memref<8x1024xf32, #tpu.memory_space<vmem>>, vector<1x16xf32>,
      %parallel_loop3A_438 = vector.shape_cast %parallel_loop3A_437 : vector<1x16xf32> to vector<16xf32>
      %parallel_loop3A_439 = arith.addf %parallel_loop3A_433, %parallel_loop3A_438 : vector<16xf32>
      %parallel_loop3A_440 = arith.constant 4 : i32
      %parallel_loop3A_441 = arith.index_cast %parallel_loop3A_440 : i32 to index
      %parallel_loop3A_442 = arith.index_cast %parallel_loop3A_360 : i32 to index
      %parallel_loop3A_443 = tpu.vector_load %arg10[%parallel_loop3A_441, %parallel_loop3A_442] {strides = array<i32>} : memref<8x1024xf32, #tpu.memory_space<vmem>>, vector<1x16xf32>,
      %parallel_loop3A_444 = vector.shape_cast %parallel_loop3A_443 : vector<1x16xf32> to vector<16xf32>
      %parallel_loop3A_445 = vector.shape_cast %parallel_loop3A_439 : vector<16xf32> to vector<1x16xf32>
      tpu.vector_store %arg10[%parallel_loop3A_441, %parallel_loop3A_442], %parallel_loop3A_445 {strides = array<i32>} : memref<8x1024xf32, #tpu.memory_space<vmem>>, vector<1x16xf32>,
      %parallel_loop3A_446 = arith.constant 5 : i32
      %parallel_loop3A_447 = arith.index_cast %parallel_loop3A_446 : i32 to index
      %parallel_loop3A_448 = arith.index_cast %parallel_loop3A_360 : i32 to index
      %parallel_loop3A_449 = tpu.vector_load %arg5[%parallel_loop3A_447, %parallel_loop3A_448] {strides = array<i32>} : memref<8x1024xf32, #tpu.memory_space<vmem>>, vector<1x16xf32>,
      %parallel_loop3A_450 = vector.shape_cast %parallel_loop3A_449 : vector<1x16xf32> to vector<16xf32>
      %parallel_loop3A_451 = arith.constant 5 : i32
      %parallel_loop3A_452 = arith.index_cast %parallel_loop3A_451 : i32 to index
      %parallel_loop3A_453 = arith.index_cast %parallel_loop3A_360 : i32 to index
      %parallel_loop3A_454 = tpu.vector_load %arg15[%parallel_loop3A_452, %parallel_loop3A_453] {strides = array<i32>} : memref<8x1024xf32, #tpu.memory_space<vmem>>, vector<1x16xf32>,
      %parallel_loop3A_455 = vector.shape_cast %parallel_loop3A_454 : vector<1x16xf32> to vector<16xf32>
      %parallel_loop3A_456 = arith.addf %parallel_loop3A_450, %parallel_loop3A_455 : vector<16xf32>
      %parallel_loop3A_457 = arith.constant 5 : i32
      %parallel_loop3A_458 = arith.index_cast %parallel_loop3A_457 : i32 to index
      %parallel_loop3A_459 = arith.index_cast %parallel_loop3A_360 : i32 to index
      %parallel_loop3A_460 = tpu.vector_load %arg10[%parallel_loop3A_458, %parallel_loop3A_459] {strides = array<i32>} : memref<8x1024xf32, #tpu.memory_space<vmem>>, vector<1x16xf32>,
      %parallel_loop3A_461 = vector.shape_cast %parallel_loop3A_460 : vector<1x16xf32> to vector<16xf32>
      %parallel_loop3A_462 = vector.shape_cast %parallel_loop3A_456 : vector<16xf32> to vector<1x16xf32>
      tpu.vector_store %arg10[%parallel_loop3A_458, %parallel_loop3A_459], %parallel_loop3A_462 {strides = array<i32>} : memref<8x1024xf32, #tpu.memory_space<vmem>>, vector<1x16xf32>,
      %parallel_loop3A_463 = arith.constant 6 : i32
      %parallel_loop3A_464 = arith.index_cast %parallel_loop3A_463 : i32 to index
      %parallel_loop3A_465 = arith.index_cast %parallel_loop3A_360 : i32 to index
      %parallel_loop3A_466 = tpu.vector_load %arg5[%parallel_loop3A_464, %parallel_loop3A_465] {strides = array<i32>} : memref<8x1024xf32, #tpu.memory_space<vmem>>, vector<1x16xf32>,
      %parallel_loop3A_467 = vector.shape_cast %parallel_loop3A_466 : vector<1x16xf32> to vector<16xf32>
      %parallel_loop3A_468 = arith.constant 6 : i32
      %parallel_loop3A_469 = arith.index_cast %parallel_loop3A_468 : i32 to index
      %parallel_loop3A_470 = arith.index_cast %parallel_loop3A_360 : i32 to index
      %parallel_loop3A_471 = tpu.vector_load %arg15[%parallel_loop3A_469, %parallel_loop3A_470] {strides = array<i32>} : memref<8x1024xf32, #tpu.memory_space<vmem>>, vector<1x16xf32>,
      %parallel_loop3A_472 = vector.shape_cast %parallel_loop3A_471 : vector<1x16xf32> to vector<16xf32>
      %parallel_loop3A_473 = arith.addf %parallel_loop3A_467, %parallel_loop3A_472 : vector<16xf32>
      %parallel_loop3A_474 = arith.constant 6 : i32
      %parallel_loop3A_475 = arith.index_cast %parallel_loop3A_474 : i32 to index
      %parallel_loop3A_476 = arith.index_cast %parallel_loop3A_360 : i32 to index
      %parallel_loop3A_477 = tpu.vector_load %arg10[%parallel_loop3A_475, %parallel_loop3A_476] {strides = array<i32>} : memref<8x1024xf32, #tpu.memory_space<vmem>>, vector<1x16xf32>,
      %parallel_loop3A_478 = vector.shape_cast %parallel_loop3A_477 : vector<1x16xf32> to vector<16xf32>
      %parallel_loop3A_479 = vector.shape_cast %parallel_loop3A_473 : vector<16xf32> to vector<1x16xf32>
      tpu.vector_store %arg10[%parallel_loop3A_475, %parallel_loop3A_476], %parallel_loop3A_479 {strides = array<i32>} : memref<8x1024xf32, #tpu.memory_space<vmem>>, vector<1x16xf32>,
      %parallel_loop3A_480 = arith.constant 7 : i32
      %parallel_loop3A_481 = arith.index_cast %parallel_loop3A_480 : i32 to index
      %parallel_loop3A_482 = arith.index_cast %parallel_loop3A_360 : i32 to index
      %parallel_loop3A_483 = tpu.vector_load %arg5[%parallel_loop3A_481, %parallel_loop3A_482] {strides = array<i32>} : memref<8x1024xf32, #tpu.memory_space<vmem>>, vector<1x16xf32>,
      %parallel_loop3A_484 = vector.shape_cast %parallel_loop3A_483 : vector<1x16xf32> to vector<16xf32>
      %parallel_loop3A_485 = arith.constant 7 : i32
      %parallel_loop3A_486 = arith.index_cast %parallel_loop3A_485 : i32 to index
      %parallel_loop3A_487 = arith.index_cast %parallel_loop3A_360 : i32 to index
      %parallel_loop3A_488 = tpu.vector_load %arg15[%parallel_loop3A_486, %parallel_loop3A_487] {strides = array<i32>} : memref<8x1024xf32, #tpu.memory_space<vmem>>, vector<1x16xf32>,
      %parallel_loop3A_489 = vector.shape_cast %parallel_loop3A_488 : vector<1x16xf32> to vector<16xf32>
      %parallel_loop3A_490 = arith.addf %parallel_loop3A_484, %parallel_loop3A_489 : vector<16xf32>
      %parallel_loop3A_491 = arith.constant 7 : i32
      %parallel_loop3A_492 = arith.index_cast %parallel_loop3A_491 : i32 to index
      %parallel_loop3A_493 = arith.index_cast %parallel_loop3A_360 : i32 to index
      %parallel_loop3A_494 = tpu.vector_load %arg10[%parallel_loop3A_492, %parallel_loop3A_493] {strides = array<i32>} : memref<8x1024xf32, #tpu.memory_space<vmem>>, vector<1x16xf32>,
      %parallel_loop3A_495 = vector.shape_cast %parallel_loop3A_494 : vector<1x16xf32> to vector<16xf32>
      %parallel_loop3A_496 = vector.shape_cast %parallel_loop3A_490 : vector<16xf32> to vector<1x16xf32>
      tpu.vector_store %arg10[%parallel_loop3A_492, %parallel_loop3A_493], %parallel_loop3A_496 {strides = array<i32>} : memref<8x1024xf32, #tpu.memory_space<vmem>>, vector<1x16xf32>,
    } {sc.loop_unroll_factor = 2 : i64, sc.parallel_access}
    %add3A_256 = arith.constant 40 : i32
    %add3A_257 = arith.addi %mul3A_2, %add3A_256 : i32
    %dma_start3A_258 = arith.constant 0 : i32
    %dma_start3A_259 = arith.constant 0 : i32
    %dma_start3A_260 = tpu.memref_slice %arg4[%dma_start3A_258, %add3A_257, %dma_start3A_259] : memref<1x2048x1024xf32, #tpu.memory_space<hbm>> -> memref<1x8x1024xf32, #tpu.memory_space<hbm>>
    %dma_start3A_261 = tpu.memref_squeeze %dma_start3A_260 : memref<1x8x1024xf32, #tpu.memory_space<hbm>> -> memref<8x1024xf32, #tpu.memory_space<hbm>>
    %dma_start3A_262 = arith.constant 0 : i32
    %dma_start3A_263 = tpu.memref_slice %arg4[%dma_start3A_258, %add3A_257, %dma_start3A_262] : memref<1x2048x1024xf32, #tpu.memory_space<hbm>> -> memref<1x8x1024xf32, #tpu.memory_space<hbm>>
    %dma_start3A_264 = tpu.memref_squeeze %dma_start3A_263 : memref<1x8x1024xf32, #tpu.memory_space<hbm>> -> memref<8x1024xf32, #tpu.memory_space<hbm>>
    tpu.enqueue_dma source(%arg10 : memref<8x1024xf32, #tpu.memory_space<vmem>>) target(%dma_start3A_264 : memref<8x1024xf32, #tpu.memory_space<hbm>>) target_semaphore(%arg25 : memref<!tpu.dma_semaphore, #tpu.memory_space<semaphore_mem>>)
    %dma_wait3A_265 = arith.constant 0 : i32
    %dma_wait3A_266 = arith.constant 0 : i32
    %dma_wait3A_267 = tpu.memref_slice %arg2[%dma_wait3A_265, %add3A_137, %dma_wait3A_266] : memref<4x2048x1024xf32, #tpu.memory_space<hbm>> -> memref<1x8x1024xf32, #tpu.memory_space<hbm>>
    %dma_wait3A_268 = tpu.memref_squeeze %dma_wait3A_267 : memref<1x8x1024xf32, #tpu.memory_space<hbm>> -> memref<8x1024xf32, #tpu.memory_space<hbm>>
    %dma_wait3A_269 = arith.constant 0 : i32
    %dma_wait3A_270 = tpu.memref_slice %arg2[%dma_wait3A_265, %add3A_137, %dma_wait3A_269] : memref<4x2048x1024xf32, #tpu.memory_space<hbm>> -> memref<1x8x1024xf32, #tpu.memory_space<hbm>>
    %dma_wait3A_271 = tpu.memref_squeeze %dma_wait3A_270 : memref<1x8x1024xf32, #tpu.memory_space<hbm>> -> memref<8x1024xf32, #tpu.memory_space<hbm>>
    tpu.wait_dma2 semaphore(%arg21 : memref<!tpu.dma_semaphore, #tpu.memory_space<semaphore_mem>>) src(%dma_wait3A_271 : memref<8x1024xf32, #tpu.memory_space<hbm>>) dst(%arg6 : memref<8x1024xf32, #tpu.memory_space<vmem>>)
    %dma_wait3A_272 = arith.constant 0 : i32
    %dma_wait3A_273 = tpu.memref_slice %arg3[%add3A_146, %dma_wait3A_272] : memref<2048x1024xf32, #tpu.memory_space<hbm>> -> memref<8x1024xf32, #tpu.memory_space<hbm>>
    %dma_wait3A_274 = arith.constant 0 : i32
    %dma_wait3A_275 = tpu.memref_slice %arg3[%add3A_146, %dma_wait3A_274] : memref<2048x1024xf32, #tpu.memory_space<hbm>> -> memref<8x1024xf32, #tpu.memory_space<hbm>>
    tpu.wait_dma2 semaphore(%arg31 : memref<!tpu.dma_semaphore, #tpu.memory_space<semaphore_mem>>) src(%dma_wait3A_275 : memref<8x1024xf32, #tpu.memory_space<hbm>>) dst(%arg16 : memref<8x1024xf32, #tpu.memory_space<vmem>>)
    %dma_wait3A_276 = arith.constant 0 : i32
    %dma_wait3A_277 = arith.constant 0 : i32
    %dma_wait3A_278 = tpu.memref_slice %arg4[%dma_wait3A_276, %add3A_128, %dma_wait3A_277] : memref<1x2048x1024xf32, #tpu.memory_space<hbm>> -> memref<1x8x1024xf32, #tpu.memory_space<hbm>>
    %dma_wait3A_279 = tpu.memref_squeeze %dma_wait3A_278 : memref<1x8x1024xf32, #tpu.memory_space<hbm>> -> memref<8x1024xf32, #tpu.memory_space<hbm>>
    %dma_wait3A_280 = arith.constant 0 : i32
    %dma_wait3A_281 = tpu.memref_slice %arg4[%dma_wait3A_276, %add3A_128, %dma_wait3A_280] : memref<1x2048x1024xf32, #tpu.memory_space<hbm>> -> memref<1x8x1024xf32, #tpu.memory_space<hbm>>
    %dma_wait3A_282 = tpu.memref_squeeze %dma_wait3A_281 : memref<1x8x1024xf32, #tpu.memory_space<hbm>> -> memref<8x1024xf32, #tpu.memory_space<hbm>>
    tpu.wait_dma2 semaphore(%arg26 : memref<!tpu.dma_semaphore, #tpu.memory_space<semaphore_mem>>) src(%arg11 : memref<8x1024xf32, #tpu.memory_space<vmem>>) dst(%dma_wait3A_282 : memref<8x1024xf32, #tpu.memory_space<hbm>>)
    %parallel_loop3A_283 = arith.constant 0 : i32
    %parallel_loop3A_284 = arith.constant 1024 : i32
    %parallel_loop3A_285 = arith.constant 16 : i32
    scf.for %parallel_loop3A_360 = %parallel_loop3A_283 to %parallel_loop3A_284 step %parallel_loop3A_285  : i32 {
      %parallel_loop3A_361 = arith.constant 0 : i32
      %parallel_loop3A_362 = arith.index_cast %parallel_loop3A_361 : i32 to index
      %parallel_loop3A_363 = arith.index_cast %parallel_loop3A_360 : i32 to index
      %parallel_loop3A_364 = tpu.vector_load %arg6[%parallel_loop3A_362, %parallel_loop3A_363] {strides = array<i32>} : memref<8x1024xf32, #tpu.memory_space<vmem>>, vector<1x16xf32>,
      %parallel_loop3A_365 = vector.shape_cast %parallel_loop3A_364 : vector<1x16xf32> to vector<16xf32>
      %parallel_loop3A_366 = arith.constant 0 : i32
      %parallel_loop3A_367 = arith.index_cast %parallel_loop3A_366 : i32 to index
      %parallel_loop3A_368 = arith.index_cast %parallel_loop3A_360 : i32 to index
      %parallel_loop3A_369 = tpu.vector_load %arg16[%parallel_loop3A_367, %parallel_loop3A_368] {strides = array<i32>} : memref<8x1024xf32, #tpu.memory_space<vmem>>, vector<1x16xf32>,
      %parallel_loop3A_370 = vector.shape_cast %parallel_loop3A_369 : vector<1x16xf32> to vector<16xf32>
      %parallel_loop3A_371 = arith.addf %parallel_loop3A_365, %parallel_loop3A_370 : vector<16xf32>
      %parallel_loop3A_372 = arith.constant 0 : i32
      %parallel_loop3A_373 = arith.index_cast %parallel_loop3A_372 : i32 to index
      %parallel_loop3A_374 = arith.index_cast %parallel_loop3A_360 : i32 to index
      %parallel_loop3A_375 = tpu.vector_load %arg11[%parallel_loop3A_373, %parallel_loop3A_374] {strides = array<i32>} : memref<8x1024xf32, #tpu.memory_space<vmem>>, vector<1x16xf32>,
      %parallel_loop3A_376 = vector.shape_cast %parallel_loop3A_375 : vector<1x16xf32> to vector<16xf32>
      %parallel_loop3A_377 = vector.shape_cast %parallel_loop3A_371 : vector<16xf32> to vector<1x16xf32>
      tpu.vector_store %arg11[%parallel_loop3A_373, %parallel_loop3A_374], %parallel_loop3A_377 {strides = array<i32>} : memref<8x1024xf32, #tpu.memory_space<vmem>>, vector<1x16xf32>,
      %parallel_loop3A_378 = arith.constant 1 : i32
      %parallel_loop3A_379 = arith.index_cast %parallel_loop3A_378 : i32 to index
      %parallel_loop3A_380 = arith.index_cast %parallel_loop3A_360 : i32 to index
      %parallel_loop3A_381 = tpu.vector_load %arg6[%parallel_loop3A_379, %parallel_loop3A_380] {strides = array<i32>} : memref<8x1024xf32, #tpu.memory_space<vmem>>, vector<1x16xf32>,
      %parallel_loop3A_382 = vector.shape_cast %parallel_loop3A_381 : vector<1x16xf32> to vector<16xf32>
      %parallel_loop3A_383 = arith.constant 1 : i32
      %parallel_loop3A_384 = arith.index_cast %parallel_loop3A_383 : i32 to index
      %parallel_loop3A_385 = arith.index_cast %parallel_loop3A_360 : i32 to index
      %parallel_loop3A_386 = tpu.vector_load %arg16[%parallel_loop3A_384, %parallel_loop3A_385] {strides = array<i32>} : memref<8x1024xf32, #tpu.memory_space<vmem>>, vector<1x16xf32>,
      %parallel_loop3A_387 = vector.shape_cast %parallel_loop3A_386 : vector<1x16xf32> to vector<16xf32>
      %parallel_loop3A_388 = arith.addf %parallel_loop3A_382, %parallel_loop3A_387 : vector<16xf32>
      %parallel_loop3A_389 = arith.constant 1 : i32
      %parallel_loop3A_390 = arith.index_cast %parallel_loop3A_389 : i32 to index
      %parallel_loop3A_391 = arith.index_cast %parallel_loop3A_360 : i32 to index
      %parallel_loop3A_392 = tpu.vector_load %arg11[%parallel_loop3A_390, %parallel_loop3A_391] {strides = array<i32>} : memref<8x1024xf32, #tpu.memory_space<vmem>>, vector<1x16xf32>,
      %parallel_loop3A_393 = vector.shape_cast %parallel_loop3A_392 : vector<1x16xf32> to vector<16xf32>
      %parallel_loop3A_394 = vector.shape_cast %parallel_loop3A_388 : vector<16xf32> to vector<1x16xf32>
      tpu.vector_store %arg11[%parallel_loop3A_390, %parallel_loop3A_391], %parallel_loop3A_394 {strides = array<i32>} : memref<8x1024xf32, #tpu.memory_space<vmem>>, vector<1x16xf32>,
      %parallel_loop3A_395 = arith.constant 2 : i32
      %parallel_loop3A_396 = arith.index_cast %parallel_loop3A_395 : i32 to index
      %parallel_loop3A_397 = arith.index_cast %parallel_loop3A_360 : i32 to index
      %parallel_loop3A_398 = tpu.vector_load %arg6[%parallel_loop3A_396, %parallel_loop3A_397] {strides = array<i32>} : memref<8x1024xf32, #tpu.memory_space<vmem>>, vector<1x16xf32>,
      %parallel_loop3A_399 = vector.shape_cast %parallel_loop3A_398 : vector<1x16xf32> to vector<16xf32>
      %parallel_loop3A_400 = arith.constant 2 : i32
      %parallel_loop3A_401 = arith.index_cast %parallel_loop3A_400 : i32 to index
      %parallel_loop3A_402 = arith.index_cast %parallel_loop3A_360 : i32 to index
      %parallel_loop3A_403 = tpu.vector_load %arg16[%parallel_loop3A_401, %parallel_loop3A_402] {strides = array<i32>} : memref<8x1024xf32, #tpu.memory_space<vmem>>, vector<1x16xf32>,
      %parallel_loop3A_404 = vector.shape_cast %parallel_loop3A_403 : vector<1x16xf32> to vector<16xf32>
      %parallel_loop3A_405 = arith.addf %parallel_loop3A_399, %parallel_loop3A_404 : vector<16xf32>
      %parallel_loop3A_406 = arith.constant 2 : i32
      %parallel_loop3A_407 = arith.index_cast %parallel_loop3A_406 : i32 to index
      %parallel_loop3A_408 = arith.index_cast %parallel_loop3A_360 : i32 to index
      %parallel_loop3A_409 = tpu.vector_load %arg11[%parallel_loop3A_407, %parallel_loop3A_408] {strides = array<i32>} : memref<8x1024xf32, #tpu.memory_space<vmem>>, vector<1x16xf32>,
      %parallel_loop3A_410 = vector.shape_cast %parallel_loop3A_409 : vector<1x16xf32> to vector<16xf32>
      %parallel_loop3A_411 = vector.shape_cast %parallel_loop3A_405 : vector<16xf32> to vector<1x16xf32>
      tpu.vector_store %arg11[%parallel_loop3A_407, %parallel_loop3A_408], %parallel_loop3A_411 {strides = array<i32>} : memref<8x1024xf32, #tpu.memory_space<vmem>>, vector<1x16xf32>,
      %parallel_loop3A_412 = arith.constant 3 : i32
      %parallel_loop3A_413 = arith.index_cast %parallel_loop3A_412 : i32 to index
      %parallel_loop3A_414 = arith.index_cast %parallel_loop3A_360 : i32 to index
      %parallel_loop3A_415 = tpu.vector_load %arg6[%parallel_loop3A_413, %parallel_loop3A_414] {strides = array<i32>} : memref<8x1024xf32, #tpu.memory_space<vmem>>, vector<1x16xf32>,
      %parallel_loop3A_416 = vector.shape_cast %parallel_loop3A_415 : vector<1x16xf32> to vector<16xf32>
      %parallel_loop3A_417 = arith.constant 3 : i32
      %parallel_loop3A_418 = arith.index_cast %parallel_loop3A_417 : i32 to index
      %parallel_loop3A_419 = arith.index_cast %parallel_loop3A_360 : i32 to index
      %parallel_loop3A_420 = tpu.vector_load %arg16[%parallel_loop3A_418, %parallel_loop3A_419] {strides = array<i32>} : memref<8x1024xf32, #tpu.memory_space<vmem>>, vector<1x16xf32>,
      %parallel_loop3A_421 = vector.shape_cast %parallel_loop3A_420 : vector<1x16xf32> to vector<16xf32>
      %parallel_loop3A_422 = arith.addf %parallel_loop3A_416, %parallel_loop3A_421 : vector<16xf32>
      %parallel_loop3A_423 = arith.constant 3 : i32
      %parallel_loop3A_424 = arith.index_cast %parallel_loop3A_423 : i32 to index
      %parallel_loop3A_425 = arith.index_cast %parallel_loop3A_360 : i32 to index
      %parallel_loop3A_426 = tpu.vector_load %arg11[%parallel_loop3A_424, %parallel_loop3A_425] {strides = array<i32>} : memref<8x1024xf32, #tpu.memory_space<vmem>>, vector<1x16xf32>,
      %parallel_loop3A_427 = vector.shape_cast %parallel_loop3A_426 : vector<1x16xf32> to vector<16xf32>
      %parallel_loop3A_428 = vector.shape_cast %parallel_loop3A_422 : vector<16xf32> to vector<1x16xf32>
      tpu.vector_store %arg11[%parallel_loop3A_424, %parallel_loop3A_425], %parallel_loop3A_428 {strides = array<i32>} : memref<8x1024xf32, #tpu.memory_space<vmem>>, vector<1x16xf32>,
      %parallel_loop3A_429 = arith.constant 4 : i32
      %parallel_loop3A_430 = arith.index_cast %parallel_loop3A_429 : i32 to index
      %parallel_loop3A_431 = arith.index_cast %parallel_loop3A_360 : i32 to index
      %parallel_loop3A_432 = tpu.vector_load %arg6[%parallel_loop3A_430, %parallel_loop3A_431] {strides = array<i32>} : memref<8x1024xf32, #tpu.memory_space<vmem>>, vector<1x16xf32>,
      %parallel_loop3A_433 = vector.shape_cast %parallel_loop3A_432 : vector<1x16xf32> to vector<16xf32>
      %parallel_loop3A_434 = arith.constant 4 : i32
      %parallel_loop3A_435 = arith.index_cast %parallel_loop3A_434 : i32 to index
      %parallel_loop3A_436 = arith.index_cast %parallel_loop3A_360 : i32 to index
      %parallel_loop3A_437 = tpu.vector_load %arg16[%parallel_loop3A_435, %parallel_loop3A_436] {strides = array<i32>} : memref<8x1024xf32, #tpu.memory_space<vmem>>, vector<1x16xf32>,
      %parallel_loop3A_438 = vector.shape_cast %parallel_loop3A_437 : vector<1x16xf32> to vector<16xf32>
      %parallel_loop3A_439 = arith.addf %parallel_loop3A_433, %parallel_loop3A_438 : vector<16xf32>
      %parallel_loop3A_440 = arith.constant 4 : i32
      %parallel_loop3A_441 = arith.index_cast %parallel_loop3A_440 : i32 to index
      %parallel_loop3A_442 = arith.index_cast %parallel_loop3A_360 : i32 to index
      %parallel_loop3A_443 = tpu.vector_load %arg11[%parallel_loop3A_441, %parallel_loop3A_442] {strides = array<i32>} : memref<8x1024xf32, #tpu.memory_space<vmem>>, vector<1x16xf32>,
      %parallel_loop3A_444 = vector.shape_cast %parallel_loop3A_443 : vector<1x16xf32> to vector<16xf32>
      %parallel_loop3A_445 = vector.shape_cast %parallel_loop3A_439 : vector<16xf32> to vector<1x16xf32>
      tpu.vector_store %arg11[%parallel_loop3A_441, %parallel_loop3A_442], %parallel_loop3A_445 {strides = array<i32>} : memref<8x1024xf32, #tpu.memory_space<vmem>>, vector<1x16xf32>,
      %parallel_loop3A_446 = arith.constant 5 : i32
      %parallel_loop3A_447 = arith.index_cast %parallel_loop3A_446 : i32 to index
      %parallel_loop3A_448 = arith.index_cast %parallel_loop3A_360 : i32 to index
      %parallel_loop3A_449 = tpu.vector_load %arg6[%parallel_loop3A_447, %parallel_loop3A_448] {strides = array<i32>} : memref<8x1024xf32, #tpu.memory_space<vmem>>, vector<1x16xf32>,
      %parallel_loop3A_450 = vector.shape_cast %parallel_loop3A_449 : vector<1x16xf32> to vector<16xf32>
      %parallel_loop3A_451 = arith.constant 5 : i32
      %parallel_loop3A_452 = arith.index_cast %parallel_loop3A_451 : i32 to index
      %parallel_loop3A_453 = arith.index_cast %parallel_loop3A_360 : i32 to index
      %parallel_loop3A_454 = tpu.vector_load %arg16[%parallel_loop3A_452, %parallel_loop3A_453] {strides = array<i32>} : memref<8x1024xf32, #tpu.memory_space<vmem>>, vector<1x16xf32>,
      %parallel_loop3A_455 = vector.shape_cast %parallel_loop3A_454 : vector<1x16xf32> to vector<16xf32>
      %parallel_loop3A_456 = arith.addf %parallel_loop3A_450, %parallel_loop3A_455 : vector<16xf32>
      %parallel_loop3A_457 = arith.constant 5 : i32
      %parallel_loop3A_458 = arith.index_cast %parallel_loop3A_457 : i32 to index
      %parallel_loop3A_459 = arith.index_cast %parallel_loop3A_360 : i32 to index
      %parallel_loop3A_460 = tpu.vector_load %arg11[%parallel_loop3A_458, %parallel_loop3A_459] {strides = array<i32>} : memref<8x1024xf32, #tpu.memory_space<vmem>>, vector<1x16xf32>,
      %parallel_loop3A_461 = vector.shape_cast %parallel_loop3A_460 : vector<1x16xf32> to vector<16xf32>
      %parallel_loop3A_462 = vector.shape_cast %parallel_loop3A_456 : vector<16xf32> to vector<1x16xf32>
      tpu.vector_store %arg11[%parallel_loop3A_458, %parallel_loop3A_459], %parallel_loop3A_462 {strides = array<i32>} : memref<8x1024xf32, #tpu.memory_space<vmem>>, vector<1x16xf32>,
      %parallel_loop3A_463 = arith.constant 6 : i32
      %parallel_loop3A_464 = arith.index_cast %parallel_loop3A_463 : i32 to index
      %parallel_loop3A_465 = arith.index_cast %parallel_loop3A_360 : i32 to index
      %parallel_loop3A_466 = tpu.vector_load %arg6[%parallel_loop3A_464, %parallel_loop3A_465] {strides = array<i32>} : memref<8x1024xf32, #tpu.memory_space<vmem>>, vector<1x16xf32>,
      %parallel_loop3A_467 = vector.shape_cast %parallel_loop3A_466 : vector<1x16xf32> to vector<16xf32>
      %parallel_loop3A_468 = arith.constant 6 : i32
      %parallel_loop3A_469 = arith.index_cast %parallel_loop3A_468 : i32 to index
      %parallel_loop3A_470 = arith.index_cast %parallel_loop3A_360 : i32 to index
      %parallel_loop3A_471 = tpu.vector_load %arg16[%parallel_loop3A_469, %parallel_loop3A_470] {strides = array<i32>} : memref<8x1024xf32, #tpu.memory_space<vmem>>, vector<1x16xf32>,
      %parallel_loop3A_472 = vector.shape_cast %parallel_loop3A_471 : vector<1x16xf32> to vector<16xf32>
      %parallel_loop3A_473 = arith.addf %parallel_loop3A_467, %parallel_loop3A_472 : vector<16xf32>
      %parallel_loop3A_474 = arith.constant 6 : i32
      %parallel_loop3A_475 = arith.index_cast %parallel_loop3A_474 : i32 to index
      %parallel_loop3A_476 = arith.index_cast %parallel_loop3A_360 : i32 to index
      %parallel_loop3A_477 = tpu.vector_load %arg11[%parallel_loop3A_475, %parallel_loop3A_476] {strides = array<i32>} : memref<8x1024xf32, #tpu.memory_space<vmem>>, vector<1x16xf32>,
      %parallel_loop3A_478 = vector.shape_cast %parallel_loop3A_477 : vector<1x16xf32> to vector<16xf32>
      %parallel_loop3A_479 = vector.shape_cast %parallel_loop3A_473 : vector<16xf32> to vector<1x16xf32>
      tpu.vector_store %arg11[%parallel_loop3A_475, %parallel_loop3A_476], %parallel_loop3A_479 {strides = array<i32>} : memref<8x1024xf32, #tpu.memory_space<vmem>>, vector<1x16xf32>,
      %parallel_loop3A_480 = arith.constant 7 : i32
      %parallel_loop3A_481 = arith.index_cast %parallel_loop3A_480 : i32 to index
      %parallel_loop3A_482 = arith.index_cast %parallel_loop3A_360 : i32 to index
      %parallel_loop3A_483 = tpu.vector_load %arg6[%parallel_loop3A_481, %parallel_loop3A_482] {strides = array<i32>} : memref<8x1024xf32, #tpu.memory_space<vmem>>, vector<1x16xf32>,
      %parallel_loop3A_484 = vector.shape_cast %parallel_loop3A_483 : vector<1x16xf32> to vector<16xf32>
      %parallel_loop3A_485 = arith.constant 7 : i32
      %parallel_loop3A_486 = arith.index_cast %parallel_loop3A_485 : i32 to index
      %parallel_loop3A_487 = arith.index_cast %parallel_loop3A_360 : i32 to index
      %parallel_loop3A_488 = tpu.vector_load %arg16[%parallel_loop3A_486, %parallel_loop3A_487] {strides = array<i32>} : memref<8x1024xf32, #tpu.memory_space<vmem>>, vector<1x16xf32>,
      %parallel_loop3A_489 = vector.shape_cast %parallel_loop3A_488 : vector<1x16xf32> to vector<16xf32>
      %parallel_loop3A_490 = arith.addf %parallel_loop3A_484, %parallel_loop3A_489 : vector<16xf32>
      %parallel_loop3A_491 = arith.constant 7 : i32
      %parallel_loop3A_492 = arith.index_cast %parallel_loop3A_491 : i32 to index
      %parallel_loop3A_493 = arith.index_cast %parallel_loop3A_360 : i32 to index
      %parallel_loop3A_494 = tpu.vector_load %arg11[%parallel_loop3A_492, %parallel_loop3A_493] {strides = array<i32>} : memref<8x1024xf32, #tpu.memory_space<vmem>>, vector<1x16xf32>,
      %parallel_loop3A_495 = vector.shape_cast %parallel_loop3A_494 : vector<1x16xf32> to vector<16xf32>
      %parallel_loop3A_496 = vector.shape_cast %parallel_loop3A_490 : vector<16xf32> to vector<1x16xf32>
      tpu.vector_store %arg11[%parallel_loop3A_492, %parallel_loop3A_493], %parallel_loop3A_496 {strides = array<i32>} : memref<8x1024xf32, #tpu.memory_space<vmem>>, vector<1x16xf32>,
    } {sc.loop_unroll_factor = 2 : i64, sc.parallel_access}
    %add3A_286 = arith.constant 48 : i32
    %add3A_287 = arith.addi %mul3A_2, %add3A_286 : i32
    %dma_start3A_288 = arith.constant 0 : i32
    %dma_start3A_289 = arith.constant 0 : i32
    %dma_start3A_290 = tpu.memref_slice %arg4[%dma_start3A_288, %add3A_287, %dma_start3A_289] : memref<1x2048x1024xf32, #tpu.memory_space<hbm>> -> memref<1x8x1024xf32, #tpu.memory_space<hbm>>
    %dma_start3A_291 = tpu.memref_squeeze %dma_start3A_290 : memref<1x8x1024xf32, #tpu.memory_space<hbm>> -> memref<8x1024xf32, #tpu.memory_space<hbm>>
    %dma_start3A_292 = arith.constant 0 : i32
    %dma_start3A_293 = tpu.memref_slice %arg4[%dma_start3A_288, %add3A_287, %dma_start3A_292] : memref<1x2048x1024xf32, #tpu.memory_space<hbm>> -> memref<1x8x1024xf32, #tpu.memory_space<hbm>>
    %dma_start3A_294 = tpu.memref_squeeze %dma_start3A_293 : memref<1x8x1024xf32, #tpu.memory_space<hbm>> -> memref<8x1024xf32, #tpu.memory_space<hbm>>
    tpu.enqueue_dma source(%arg11 : memref<8x1024xf32, #tpu.memory_space<vmem>>) target(%dma_start3A_294 : memref<8x1024xf32, #tpu.memory_space<hbm>>) target_semaphore(%arg26 : memref<!tpu.dma_semaphore, #tpu.memory_space<semaphore_mem>>)
    %dma_wait3A_295 = arith.constant 0 : i32
    %dma_wait3A_296 = arith.constant 0 : i32
    %dma_wait3A_297 = tpu.memref_slice %arg2[%dma_wait3A_295, %add3A_175, %dma_wait3A_296] : memref<4x2048x1024xf32, #tpu.memory_space<hbm>> -> memref<1x8x1024xf32, #tpu.memory_space<hbm>>
    %dma_wait3A_298 = tpu.memref_squeeze %dma_wait3A_297 : memref<1x8x1024xf32, #tpu.memory_space<hbm>> -> memref<8x1024xf32, #tpu.memory_space<hbm>>
    %dma_wait3A_299 = arith.constant 0 : i32
    %dma_wait3A_300 = tpu.memref_slice %arg2[%dma_wait3A_295, %add3A_175, %dma_wait3A_299] : memref<4x2048x1024xf32, #tpu.memory_space<hbm>> -> memref<1x8x1024xf32, #tpu.memory_space<hbm>>
    %dma_wait3A_301 = tpu.memref_squeeze %dma_wait3A_300 : memref<1x8x1024xf32, #tpu.memory_space<hbm>> -> memref<8x1024xf32, #tpu.memory_space<hbm>>
    tpu.wait_dma2 semaphore(%arg22 : memref<!tpu.dma_semaphore, #tpu.memory_space<semaphore_mem>>) src(%dma_wait3A_301 : memref<8x1024xf32, #tpu.memory_space<hbm>>) dst(%arg7 : memref<8x1024xf32, #tpu.memory_space<vmem>>)
    %dma_wait3A_302 = arith.constant 0 : i32
    %dma_wait3A_303 = tpu.memref_slice %arg3[%add3A_184, %dma_wait3A_302] : memref<2048x1024xf32, #tpu.memory_space<hbm>> -> memref<8x1024xf32, #tpu.memory_space<hbm>>
    %dma_wait3A_304 = arith.constant 0 : i32
    %dma_wait3A_305 = tpu.memref_slice %arg3[%add3A_184, %dma_wait3A_304] : memref<2048x1024xf32, #tpu.memory_space<hbm>> -> memref<8x1024xf32, #tpu.memory_space<hbm>>
    tpu.wait_dma2 semaphore(%arg32 : memref<!tpu.dma_semaphore, #tpu.memory_space<semaphore_mem>>) src(%dma_wait3A_305 : memref<8x1024xf32, #tpu.memory_space<hbm>>) dst(%arg17 : memref<8x1024xf32, #tpu.memory_space<vmem>>)
    %dma_wait3A_306 = arith.constant 0 : i32
    %dma_wait3A_307 = arith.constant 0 : i32
    %dma_wait3A_308 = tpu.memref_slice %arg4[%dma_wait3A_306, %add3A_166, %dma_wait3A_307] : memref<1x2048x1024xf32, #tpu.memory_space<hbm>> -> memref<1x8x1024xf32, #tpu.memory_space<hbm>>
    %dma_wait3A_309 = tpu.memref_squeeze %dma_wait3A_308 : memref<1x8x1024xf32, #tpu.memory_space<hbm>> -> memref<8x1024xf32, #tpu.memory_space<hbm>>
    %dma_wait3A_310 = arith.constant 0 : i32
    %dma_wait3A_311 = tpu.memref_slice %arg4[%dma_wait3A_306, %add3A_166, %dma_wait3A_310] : memref<1x2048x1024xf32, #tpu.memory_space<hbm>> -> memref<1x8x1024xf32, #tpu.memory_space<hbm>>
    %dma_wait3A_312 = tpu.memref_squeeze %dma_wait3A_311 : memref<1x8x1024xf32, #tpu.memory_space<hbm>> -> memref<8x1024xf32, #tpu.memory_space<hbm>>
    tpu.wait_dma2 semaphore(%arg27 : memref<!tpu.dma_semaphore, #tpu.memory_space<semaphore_mem>>) src(%arg12 : memref<8x1024xf32, #tpu.memory_space<vmem>>) dst(%dma_wait3A_312 : memref<8x1024xf32, #tpu.memory_space<hbm>>)
    %parallel_loop3A_313 = arith.constant 0 : i32
    %parallel_loop3A_314 = arith.constant 1024 : i32
    %parallel_loop3A_315 = arith.constant 16 : i32
    scf.for %parallel_loop3A_360 = %parallel_loop3A_313 to %parallel_loop3A_314 step %parallel_loop3A_315  : i32 {
      %parallel_loop3A_361 = arith.constant 0 : i32
      %parallel_loop3A_362 = arith.index_cast %parallel_loop3A_361 : i32 to index
      %parallel_loop3A_363 = arith.index_cast %parallel_loop3A_360 : i32 to index
      %parallel_loop3A_364 = tpu.vector_load %arg7[%parallel_loop3A_362, %parallel_loop3A_363] {strides = array<i32>} : memref<8x1024xf32, #tpu.memory_space<vmem>>, vector<1x16xf32>,
      %parallel_loop3A_365 = vector.shape_cast %parallel_loop3A_364 : vector<1x16xf32> to vector<16xf32>
      %parallel_loop3A_366 = arith.constant 0 : i32
      %parallel_loop3A_367 = arith.index_cast %parallel_loop3A_366 : i32 to index
      %parallel_loop3A_368 = arith.index_cast %parallel_loop3A_360 : i32 to index
      %parallel_loop3A_369 = tpu.vector_load %arg17[%parallel_loop3A_367, %parallel_loop3A_368] {strides = array<i32>} : memref<8x1024xf32, #tpu.memory_space<vmem>>, vector<1x16xf32>,
      %parallel_loop3A_370 = vector.shape_cast %parallel_loop3A_369 : vector<1x16xf32> to vector<16xf32>
      %parallel_loop3A_371 = arith.addf %parallel_loop3A_365, %parallel_loop3A_370 : vector<16xf32>
      %parallel_loop3A_372 = arith.constant 0 : i32
      %parallel_loop3A_373 = arith.index_cast %parallel_loop3A_372 : i32 to index
      %parallel_loop3A_374 = arith.index_cast %parallel_loop3A_360 : i32 to index
      %parallel_loop3A_375 = tpu.vector_load %arg12[%parallel_loop3A_373, %parallel_loop3A_374] {strides = array<i32>} : memref<8x1024xf32, #tpu.memory_space<vmem>>, vector<1x16xf32>,
      %parallel_loop3A_376 = vector.shape_cast %parallel_loop3A_375 : vector<1x16xf32> to vector<16xf32>
      %parallel_loop3A_377 = vector.shape_cast %parallel_loop3A_371 : vector<16xf32> to vector<1x16xf32>
      tpu.vector_store %arg12[%parallel_loop3A_373, %parallel_loop3A_374], %parallel_loop3A_377 {strides = array<i32>} : memref<8x1024xf32, #tpu.memory_space<vmem>>, vector<1x16xf32>,
      %parallel_loop3A_378 = arith.constant 1 : i32
      %parallel_loop3A_379 = arith.index_cast %parallel_loop3A_378 : i32 to index
      %parallel_loop3A_380 = arith.index_cast %parallel_loop3A_360 : i32 to index
      %parallel_loop3A_381 = tpu.vector_load %arg7[%parallel_loop3A_379, %parallel_loop3A_380] {strides = array<i32>} : memref<8x1024xf32, #tpu.memory_space<vmem>>, vector<1x16xf32>,
      %parallel_loop3A_382 = vector.shape_cast %parallel_loop3A_381 : vector<1x16xf32> to vector<16xf32>
      %parallel_loop3A_383 = arith.constant 1 : i32
      %parallel_loop3A_384 = arith.index_cast %parallel_loop3A_383 : i32 to index
      %parallel_loop3A_385 = arith.index_cast %parallel_loop3A_360 : i32 to index
      %parallel_loop3A_386 = tpu.vector_load %arg17[%parallel_loop3A_384, %parallel_loop3A_385] {strides = array<i32>} : memref<8x1024xf32, #tpu.memory_space<vmem>>, vector<1x16xf32>,
      %parallel_loop3A_387 = vector.shape_cast %parallel_loop3A_386 : vector<1x16xf32> to vector<16xf32>
      %parallel_loop3A_388 = arith.addf %parallel_loop3A_382, %parallel_loop3A_387 : vector<16xf32>
      %parallel_loop3A_389 = arith.constant 1 : i32
      %parallel_loop3A_390 = arith.index_cast %parallel_loop3A_389 : i32 to index
      %parallel_loop3A_391 = arith.index_cast %parallel_loop3A_360 : i32 to index
      %parallel_loop3A_392 = tpu.vector_load %arg12[%parallel_loop3A_390, %parallel_loop3A_391] {strides = array<i32>} : memref<8x1024xf32, #tpu.memory_space<vmem>>, vector<1x16xf32>,
      %parallel_loop3A_393 = vector.shape_cast %parallel_loop3A_392 : vector<1x16xf32> to vector<16xf32>
      %parallel_loop3A_394 = vector.shape_cast %parallel_loop3A_388 : vector<16xf32> to vector<1x16xf32>
      tpu.vector_store %arg12[%parallel_loop3A_390, %parallel_loop3A_391], %parallel_loop3A_394 {strides = array<i32>} : memref<8x1024xf32, #tpu.memory_space<vmem>>, vector<1x16xf32>,
      %parallel_loop3A_395 = arith.constant 2 : i32
      %parallel_loop3A_396 = arith.index_cast %parallel_loop3A_395 : i32 to index
      %parallel_loop3A_397 = arith.index_cast %parallel_loop3A_360 : i32 to index
      %parallel_loop3A_398 = tpu.vector_load %arg7[%parallel_loop3A_396, %parallel_loop3A_397] {strides = array<i32>} : memref<8x1024xf32, #tpu.memory_space<vmem>>, vector<1x16xf32>,
      %parallel_loop3A_399 = vector.shape_cast %parallel_loop3A_398 : vector<1x16xf32> to vector<16xf32>
      %parallel_loop3A_400 = arith.constant 2 : i32
      %parallel_loop3A_401 = arith.index_cast %parallel_loop3A_400 : i32 to index
      %parallel_loop3A_402 = arith.index_cast %parallel_loop3A_360 : i32 to index
      %parallel_loop3A_403 = tpu.vector_load %arg17[%parallel_loop3A_401, %parallel_loop3A_402] {strides = array<i32>} : memref<8x1024xf32, #tpu.memory_space<vmem>>, vector<1x16xf32>,
      %parallel_loop3A_404 = vector.shape_cast %parallel_loop3A_403 : vector<1x16xf32> to vector<16xf32>
      %parallel_loop3A_405 = arith.addf %parallel_loop3A_399, %parallel_loop3A_404 : vector<16xf32>
      %parallel_loop3A_406 = arith.constant 2 : i32
      %parallel_loop3A_407 = arith.index_cast %parallel_loop3A_406 : i32 to index
      %parallel_loop3A_408 = arith.index_cast %parallel_loop3A_360 : i32 to index
      %parallel_loop3A_409 = tpu.vector_load %arg12[%parallel_loop3A_407, %parallel_loop3A_408] {strides = array<i32>} : memref<8x1024xf32, #tpu.memory_space<vmem>>, vector<1x16xf32>,
      %parallel_loop3A_410 = vector.shape_cast %parallel_loop3A_409 : vector<1x16xf32> to vector<16xf32>
      %parallel_loop3A_411 = vector.shape_cast %parallel_loop3A_405 : vector<16xf32> to vector<1x16xf32>
      tpu.vector_store %arg12[%parallel_loop3A_407, %parallel_loop3A_408], %parallel_loop3A_411 {strides = array<i32>} : memref<8x1024xf32, #tpu.memory_space<vmem>>, vector<1x16xf32>,
      %parallel_loop3A_412 = arith.constant 3 : i32
      %parallel_loop3A_413 = arith.index_cast %parallel_loop3A_412 : i32 to index
      %parallel_loop3A_414 = arith.index_cast %parallel_loop3A_360 : i32 to index
      %parallel_loop3A_415 = tpu.vector_load %arg7[%parallel_loop3A_413, %parallel_loop3A_414] {strides = array<i32>} : memref<8x1024xf32, #tpu.memory_space<vmem>>, vector<1x16xf32>,
      %parallel_loop3A_416 = vector.shape_cast %parallel_loop3A_415 : vector<1x16xf32> to vector<16xf32>
      %parallel_loop3A_417 = arith.constant 3 : i32
      %parallel_loop3A_418 = arith.index_cast %parallel_loop3A_417 : i32 to index
      %parallel_loop3A_419 = arith.index_cast %parallel_loop3A_360 : i32 to index
      %parallel_loop3A_420 = tpu.vector_load %arg17[%parallel_loop3A_418, %parallel_loop3A_419] {strides = array<i32>} : memref<8x1024xf32, #tpu.memory_space<vmem>>, vector<1x16xf32>,
      %parallel_loop3A_421 = vector.shape_cast %parallel_loop3A_420 : vector<1x16xf32> to vector<16xf32>
      %parallel_loop3A_422 = arith.addf %parallel_loop3A_416, %parallel_loop3A_421 : vector<16xf32>
      %parallel_loop3A_423 = arith.constant 3 : i32
      %parallel_loop3A_424 = arith.index_cast %parallel_loop3A_423 : i32 to index
      %parallel_loop3A_425 = arith.index_cast %parallel_loop3A_360 : i32 to index
      %parallel_loop3A_426 = tpu.vector_load %arg12[%parallel_loop3A_424, %parallel_loop3A_425] {strides = array<i32>} : memref<8x1024xf32, #tpu.memory_space<vmem>>, vector<1x16xf32>,
      %parallel_loop3A_427 = vector.shape_cast %parallel_loop3A_426 : vector<1x16xf32> to vector<16xf32>
      %parallel_loop3A_428 = vector.shape_cast %parallel_loop3A_422 : vector<16xf32> to vector<1x16xf32>
      tpu.vector_store %arg12[%parallel_loop3A_424, %parallel_loop3A_425], %parallel_loop3A_428 {strides = array<i32>} : memref<8x1024xf32, #tpu.memory_space<vmem>>, vector<1x16xf32>,
      %parallel_loop3A_429 = arith.constant 4 : i32
      %parallel_loop3A_430 = arith.index_cast %parallel_loop3A_429 : i32 to index
      %parallel_loop3A_431 = arith.index_cast %parallel_loop3A_360 : i32 to index
      %parallel_loop3A_432 = tpu.vector_load %arg7[%parallel_loop3A_430, %parallel_loop3A_431] {strides = array<i32>} : memref<8x1024xf32, #tpu.memory_space<vmem>>, vector<1x16xf32>,
      %parallel_loop3A_433 = vector.shape_cast %parallel_loop3A_432 : vector<1x16xf32> to vector<16xf32>
      %parallel_loop3A_434 = arith.constant 4 : i32
      %parallel_loop3A_435 = arith.index_cast %parallel_loop3A_434 : i32 to index
      %parallel_loop3A_436 = arith.index_cast %parallel_loop3A_360 : i32 to index
      %parallel_loop3A_437 = tpu.vector_load %arg17[%parallel_loop3A_435, %parallel_loop3A_436] {strides = array<i32>} : memref<8x1024xf32, #tpu.memory_space<vmem>>, vector<1x16xf32>,
      %parallel_loop3A_438 = vector.shape_cast %parallel_loop3A_437 : vector<1x16xf32> to vector<16xf32>
      %parallel_loop3A_439 = arith.addf %parallel_loop3A_433, %parallel_loop3A_438 : vector<16xf32>
      %parallel_loop3A_440 = arith.constant 4 : i32
      %parallel_loop3A_441 = arith.index_cast %parallel_loop3A_440 : i32 to index
      %parallel_loop3A_442 = arith.index_cast %parallel_loop3A_360 : i32 to index
      %parallel_loop3A_443 = tpu.vector_load %arg12[%parallel_loop3A_441, %parallel_loop3A_442] {strides = array<i32>} : memref<8x1024xf32, #tpu.memory_space<vmem>>, vector<1x16xf32>,
      %parallel_loop3A_444 = vector.shape_cast %parallel_loop3A_443 : vector<1x16xf32> to vector<16xf32>
      %parallel_loop3A_445 = vector.shape_cast %parallel_loop3A_439 : vector<16xf32> to vector<1x16xf32>
      tpu.vector_store %arg12[%parallel_loop3A_441, %parallel_loop3A_442], %parallel_loop3A_445 {strides = array<i32>} : memref<8x1024xf32, #tpu.memory_space<vmem>>, vector<1x16xf32>,
      %parallel_loop3A_446 = arith.constant 5 : i32
      %parallel_loop3A_447 = arith.index_cast %parallel_loop3A_446 : i32 to index
      %parallel_loop3A_448 = arith.index_cast %parallel_loop3A_360 : i32 to index
      %parallel_loop3A_449 = tpu.vector_load %arg7[%parallel_loop3A_447, %parallel_loop3A_448] {strides = array<i32>} : memref<8x1024xf32, #tpu.memory_space<vmem>>, vector<1x16xf32>,
      %parallel_loop3A_450 = vector.shape_cast %parallel_loop3A_449 : vector<1x16xf32> to vector<16xf32>
      %parallel_loop3A_451 = arith.constant 5 : i32
      %parallel_loop3A_452 = arith.index_cast %parallel_loop3A_451 : i32 to index
      %parallel_loop3A_453 = arith.index_cast %parallel_loop3A_360 : i32 to index
      %parallel_loop3A_454 = tpu.vector_load %arg17[%parallel_loop3A_452, %parallel_loop3A_453] {strides = array<i32>} : memref<8x1024xf32, #tpu.memory_space<vmem>>, vector<1x16xf32>,
      %parallel_loop3A_455 = vector.shape_cast %parallel_loop3A_454 : vector<1x16xf32> to vector<16xf32>
      %parallel_loop3A_456 = arith.addf %parallel_loop3A_450, %parallel_loop3A_455 : vector<16xf32>
      %parallel_loop3A_457 = arith.constant 5 : i32
      %parallel_loop3A_458 = arith.index_cast %parallel_loop3A_457 : i32 to index
      %parallel_loop3A_459 = arith.index_cast %parallel_loop3A_360 : i32 to index
      %parallel_loop3A_460 = tpu.vector_load %arg12[%parallel_loop3A_458, %parallel_loop3A_459] {strides = array<i32>} : memref<8x1024xf32, #tpu.memory_space<vmem>>, vector<1x16xf32>,
      %parallel_loop3A_461 = vector.shape_cast %parallel_loop3A_460 : vector<1x16xf32> to vector<16xf32>
      %parallel_loop3A_462 = vector.shape_cast %parallel_loop3A_456 : vector<16xf32> to vector<1x16xf32>
      tpu.vector_store %arg12[%parallel_loop3A_458, %parallel_loop3A_459], %parallel_loop3A_462 {strides = array<i32>} : memref<8x1024xf32, #tpu.memory_space<vmem>>, vector<1x16xf32>,
      %parallel_loop3A_463 = arith.constant 6 : i32
      %parallel_loop3A_464 = arith.index_cast %parallel_loop3A_463 : i32 to index
      %parallel_loop3A_465 = arith.index_cast %parallel_loop3A_360 : i32 to index
      %parallel_loop3A_466 = tpu.vector_load %arg7[%parallel_loop3A_464, %parallel_loop3A_465] {strides = array<i32>} : memref<8x1024xf32, #tpu.memory_space<vmem>>, vector<1x16xf32>,
      %parallel_loop3A_467 = vector.shape_cast %parallel_loop3A_466 : vector<1x16xf32> to vector<16xf32>
      %parallel_loop3A_468 = arith.constant 6 : i32
      %parallel_loop3A_469 = arith.index_cast %parallel_loop3A_468 : i32 to index
      %parallel_loop3A_470 = arith.index_cast %parallel_loop3A_360 : i32 to index
      %parallel_loop3A_471 = tpu.vector_load %arg17[%parallel_loop3A_469, %parallel_loop3A_470] {strides = array<i32>} : memref<8x1024xf32, #tpu.memory_space<vmem>>, vector<1x16xf32>,
      %parallel_loop3A_472 = vector.shape_cast %parallel_loop3A_471 : vector<1x16xf32> to vector<16xf32>
      %parallel_loop3A_473 = arith.addf %parallel_loop3A_467, %parallel_loop3A_472 : vector<16xf32>
      %parallel_loop3A_474 = arith.constant 6 : i32
      %parallel_loop3A_475 = arith.index_cast %parallel_loop3A_474 : i32 to index
      %parallel_loop3A_476 = arith.index_cast %parallel_loop3A_360 : i32 to index
      %parallel_loop3A_477 = tpu.vector_load %arg12[%parallel_loop3A_475, %parallel_loop3A_476] {strides = array<i32>} : memref<8x1024xf32, #tpu.memory_space<vmem>>, vector<1x16xf32>,
      %parallel_loop3A_478 = vector.shape_cast %parallel_loop3A_477 : vector<1x16xf32> to vector<16xf32>
      %parallel_loop3A_479 = vector.shape_cast %parallel_loop3A_473 : vector<16xf32> to vector<1x16xf32>
      tpu.vector_store %arg12[%parallel_loop3A_475, %parallel_loop3A_476], %parallel_loop3A_479 {strides = array<i32>} : memref<8x1024xf32, #tpu.memory_space<vmem>>, vector<1x16xf32>,
      %parallel_loop3A_480 = arith.constant 7 : i32
      %parallel_loop3A_481 = arith.index_cast %parallel_loop3A_480 : i32 to index
      %parallel_loop3A_482 = arith.index_cast %parallel_loop3A_360 : i32 to index
      %parallel_loop3A_483 = tpu.vector_load %arg7[%parallel_loop3A_481, %parallel_loop3A_482] {strides = array<i32>} : memref<8x1024xf32, #tpu.memory_space<vmem>>, vector<1x16xf32>,
      %parallel_loop3A_484 = vector.shape_cast %parallel_loop3A_483 : vector<1x16xf32> to vector<16xf32>
      %parallel_loop3A_485 = arith.constant 7 : i32
      %parallel_loop3A_486 = arith.index_cast %parallel_loop3A_485 : i32 to index
      %parallel_loop3A_487 = arith.index_cast %parallel_loop3A_360 : i32 to index
      %parallel_loop3A_488 = tpu.vector_load %arg17[%parallel_loop3A_486, %parallel_loop3A_487] {strides = array<i32>} : memref<8x1024xf32, #tpu.memory_space<vmem>>, vector<1x16xf32>,
      %parallel_loop3A_489 = vector.shape_cast %parallel_loop3A_488 : vector<1x16xf32> to vector<16xf32>
      %parallel_loop3A_490 = arith.addf %parallel_loop3A_484, %parallel_loop3A_489 : vector<16xf32>
      %parallel_loop3A_491 = arith.constant 7 : i32
      %parallel_loop3A_492 = arith.index_cast %parallel_loop3A_491 : i32 to index
      %parallel_loop3A_493 = arith.index_cast %parallel_loop3A_360 : i32 to index
      %parallel_loop3A_494 = tpu.vector_load %arg12[%parallel_loop3A_492, %parallel_loop3A_493] {strides = array<i32>} : memref<8x1024xf32, #tpu.memory_space<vmem>>, vector<1x16xf32>,
      %parallel_loop3A_495 = vector.shape_cast %parallel_loop3A_494 : vector<1x16xf32> to vector<16xf32>
      %parallel_loop3A_496 = vector.shape_cast %parallel_loop3A_490 : vector<16xf32> to vector<1x16xf32>
      tpu.vector_store %arg12[%parallel_loop3A_492, %parallel_loop3A_493], %parallel_loop3A_496 {strides = array<i32>} : memref<8x1024xf32, #tpu.memory_space<vmem>>, vector<1x16xf32>,
    } {sc.loop_unroll_factor = 2 : i64, sc.parallel_access}
    %add3A_316 = arith.constant 56 : i32
    %add3A_317 = arith.addi %mul3A_2, %add3A_316 : i32
    %dma_start3A_318 = arith.constant 0 : i32
    %dma_start3A_319 = arith.constant 0 : i32
    %dma_start3A_320 = tpu.memref_slice %arg4[%dma_start3A_318, %add3A_317, %dma_start3A_319] : memref<1x2048x1024xf32, #tpu.memory_space<hbm>> -> memref<1x8x1024xf32, #tpu.memory_space<hbm>>
    %dma_start3A_321 = tpu.memref_squeeze %dma_start3A_320 : memref<1x8x1024xf32, #tpu.memory_space<hbm>> -> memref<8x1024xf32, #tpu.memory_space<hbm>>
    %dma_start3A_322 = arith.constant 0 : i32
    %dma_start3A_323 = tpu.memref_slice %arg4[%dma_start3A_318, %add3A_317, %dma_start3A_322] : memref<1x2048x1024xf32, #tpu.memory_space<hbm>> -> memref<1x8x1024xf32, #tpu.memory_space<hbm>>
    %dma_start3A_324 = tpu.memref_squeeze %dma_start3A_323 : memref<1x8x1024xf32, #tpu.memory_space<hbm>> -> memref<8x1024xf32, #tpu.memory_space<hbm>>
    tpu.enqueue_dma source(%arg12 : memref<8x1024xf32, #tpu.memory_space<vmem>>) target(%dma_start3A_324 : memref<8x1024xf32, #tpu.memory_space<hbm>>) target_semaphore(%arg27 : memref<!tpu.dma_semaphore, #tpu.memory_space<semaphore_mem>>)
    %dma_wait3A_325 = arith.constant 0 : i32
    %dma_wait3A_326 = arith.constant 0 : i32
    %dma_wait3A_327 = tpu.memref_slice %arg4[%dma_wait3A_325, %add3A_204, %dma_wait3A_326] : memref<1x2048x1024xf32, #tpu.memory_space<hbm>> -> memref<1x8x1024xf32, #tpu.memory_space<hbm>>
    %dma_wait3A_328 = tpu.memref_squeeze %dma_wait3A_327 : memref<1x8x1024xf32, #tpu.memory_space<hbm>> -> memref<8x1024xf32, #tpu.memory_space<hbm>>
    %dma_wait3A_329 = arith.constant 0 : i32
    %dma_wait3A_330 = tpu.memref_slice %arg4[%dma_wait3A_325, %add3A_204, %dma_wait3A_329] : memref<1x2048x1024xf32, #tpu.memory_space<hbm>> -> memref<1x8x1024xf32, #tpu.memory_space<hbm>>
    %dma_wait3A_331 = tpu.memref_squeeze %dma_wait3A_330 : memref<1x8x1024xf32, #tpu.memory_space<hbm>> -> memref<8x1024xf32, #tpu.memory_space<hbm>>
    tpu.wait_dma2 semaphore(%arg28 : memref<!tpu.dma_semaphore, #tpu.memory_space<semaphore_mem>>) src(%arg13 : memref<8x1024xf32, #tpu.memory_space<vmem>>) dst(%dma_wait3A_331 : memref<8x1024xf32, #tpu.memory_space<hbm>>)
    %dma_wait3A_332 = arith.constant 0 : i32
    %dma_wait3A_333 = arith.constant 0 : i32
    %dma_wait3A_334 = tpu.memref_slice %arg4[%dma_wait3A_332, %add3A_227, %dma_wait3A_333] : memref<1x2048x1024xf32, #tpu.memory_space<hbm>> -> memref<1x8x1024xf32, #tpu.memory_space<hbm>>
    %dma_wait3A_335 = tpu.memref_squeeze %dma_wait3A_334 : memref<1x8x1024xf32, #tpu.memory_space<hbm>> -> memref<8x1024xf32, #tpu.memory_space<hbm>>
    %dma_wait3A_336 = arith.constant 0 : i32
    %dma_wait3A_337 = tpu.memref_slice %arg4[%dma_wait3A_332, %add3A_227, %dma_wait3A_336] : memref<1x2048x1024xf32, #tpu.memory_space<hbm>> -> memref<1x8x1024xf32, #tpu.memory_space<hbm>>
    %dma_wait3A_338 = tpu.memref_squeeze %dma_wait3A_337 : memref<1x8x1024xf32, #tpu.memory_space<hbm>> -> memref<8x1024xf32, #tpu.memory_space<hbm>>
    tpu.wait_dma2 semaphore(%arg29 : memref<!tpu.dma_semaphore, #tpu.memory_space<semaphore_mem>>) src(%arg14 : memref<8x1024xf32, #tpu.memory_space<vmem>>) dst(%dma_wait3A_338 : memref<8x1024xf32, #tpu.memory_space<hbm>>)
    %dma_wait3A_339 = arith.constant 0 : i32
    %dma_wait3A_340 = arith.constant 0 : i32
    %dma_wait3A_341 = tpu.memref_slice %arg4[%dma_wait3A_339, %add3A_257, %dma_wait3A_340] : memref<1x2048x1024xf32, #tpu.memory_space<hbm>> -> memref<1x8x1024xf32, #tpu.memory_space<hbm>>
    %dma_wait3A_342 = tpu.memref_squeeze %dma_wait3A_341 : memref<1x8x1024xf32, #tpu.memory_space<hbm>> -> memref<8x1024xf32, #tpu.memory_space<hbm>>
    %dma_wait3A_343 = arith.constant 0 : i32
    %dma_wait3A_344 = tpu.memref_slice %arg4[%dma_wait3A_339, %add3A_257, %dma_wait3A_343] : memref<1x2048x1024xf32, #tpu.memory_space<hbm>> -> memref<1x8x1024xf32, #tpu.memory_space<hbm>>
    %dma_wait3A_345 = tpu.memref_squeeze %dma_wait3A_344 : memref<1x8x1024xf32, #tpu.memory_space<hbm>> -> memref<8x1024xf32, #tpu.memory_space<hbm>>
    tpu.wait_dma2 semaphore(%arg25 : memref<!tpu.dma_semaphore, #tpu.memory_space<semaphore_mem>>) src(%arg10 : memref<8x1024xf32, #tpu.memory_space<vmem>>) dst(%dma_wait3A_345 : memref<8x1024xf32, #tpu.memory_space<hbm>>)
    %dma_wait3A_346 = arith.constant 0 : i32
    %dma_wait3A_347 = arith.constant 0 : i32
    %dma_wait3A_348 = tpu.memref_slice %arg4[%dma_wait3A_346, %add3A_287, %dma_wait3A_347] : memref<1x2048x1024xf32, #tpu.memory_space<hbm>> -> memref<1x8x1024xf32, #tpu.memory_space<hbm>>
    %dma_wait3A_349 = tpu.memref_squeeze %dma_wait3A_348 : memref<1x8x1024xf32, #tpu.memory_space<hbm>> -> memref<8x1024xf32, #tpu.memory_space<hbm>>
    %dma_wait3A_350 = arith.constant 0 : i32
    %dma_wait3A_351 = tpu.memref_slice %arg4[%dma_wait3A_346, %add3A_287, %dma_wait3A_350] : memref<1x2048x1024xf32, #tpu.memory_space<hbm>> -> memref<1x8x1024xf32, #tpu.memory_space<hbm>>
    %dma_wait3A_352 = tpu.memref_squeeze %dma_wait3A_351 : memref<1x8x1024xf32, #tpu.memory_space<hbm>> -> memref<8x1024xf32, #tpu.memory_space<hbm>>
    tpu.wait_dma2 semaphore(%arg26 : memref<!tpu.dma_semaphore, #tpu.memory_space<semaphore_mem>>) src(%arg11 : memref<8x1024xf32, #tpu.memory_space<vmem>>) dst(%dma_wait3A_352 : memref<8x1024xf32, #tpu.memory_space<hbm>>)
    %dma_wait3A_353 = arith.constant 0 : i32
    %dma_wait3A_354 = arith.constant 0 : i32
    %dma_wait3A_355 = tpu.memref_slice %arg4[%dma_wait3A_353, %add3A_317, %dma_wait3A_354] : memref<1x2048x1024xf32, #tpu.memory_space<hbm>> -> memref<1x8x1024xf32, #tpu.memory_space<hbm>>
    %dma_wait3A_356 = tpu.memref_squeeze %dma_wait3A_355 : memref<1x8x1024xf32, #tpu.memory_space<hbm>> -> memref<8x1024xf32, #tpu.memory_space<hbm>>
    %dma_wait3A_357 = arith.constant 0 : i32
    %dma_wait3A_358 = tpu.memref_slice %arg4[%dma_wait3A_353, %add3A_317, %dma_wait3A_357] : memref<1x2048x1024xf32, #tpu.memory_space<hbm>> -> memref<1x8x1024xf32, #tpu.memory_space<hbm>>
    %dma_wait3A_359 = tpu.memref_squeeze %dma_wait3A_358 : memref<1x8x1024xf32, #tpu.memory_space<hbm>> -> memref<8x1024xf32, #tpu.memory_space<hbm>>
    tpu.wait_dma2 semaphore(%arg27 : memref<!tpu.dma_semaphore, #tpu.memory_space<semaphore_mem>>) src(%arg12 : memref<8x1024xf32, #tpu.memory_space<vmem>>) dst(%dma_wait3A_359 : memref<8x1024xf32, #tpu.memory_space<hbm>>)
    return
  }
}

module attributes {stable_mosaic.version = 14 : i64} {
  func.func @_tc_add_body(%arg0: i32, %arg1: i32, %arg2: memref<1x2048x1024xf32, #tpu.memory_space<vmem>>, %arg3: memref<2048x1024xf32, #tpu.memory_space<vmem>>, %arg4: memref<1x2048x1024xf32, #tpu.memory_space<vmem>>) attributes {dimension_semantics = [#tpu.dimension_semantics<arbitrary>, #tpu.dimension_semantics<arbitrary>], iteration_bounds = array<i64: 1, 3>, scalar_prefetch = 0 : i64, scratch_operands = 0 : i64, tpu.core_type = #tpu.core_type<tc>, window_params = [{transform_indices = @transform_0, window_bounds = array<i64: 1, 2048, 1024>}, {transform_indices = @transform_1, window_bounds = array<i64: 2048, 1024>}, {transform_indices = @transform_2, window_bounds = array<i64: 1, 2048, 1024>}]} {
    %get3A = arith.constant 0 : index
    %get3A_0 = arith.constant 0 : index
    %get3A_1 = arith.constant 0 : index
    %get3A_2 = vector.load %arg2[%get3A, %get3A_0, %get3A_1] : memref<1x2048x1024xf32, #tpu.memory_space<vmem>>, vector<1x2048x1024xf32>
    %get3A_3 = arith.constant 0 : index
    %get3A_4 = arith.constant 0 : index
    %get3A_5 = vector.load %arg3[%get3A_3, %get3A_4] : memref<2048x1024xf32, #tpu.memory_space<vmem>>, vector<2048x1024xf32>
    %broadcast_in_dim3A = vector.shape_cast %get3A_5 : vector<2048x1024xf32> to vector<1x2048x1024xf32>
    %add3A = arith.addf %get3A_2, %broadcast_in_dim3A : vector<1x2048x1024xf32>
    %swap3A = arith.constant 0 : index
    %swap3A_6 = arith.constant 0 : index
    %swap3A_7 = arith.constant 0 : index
    %swap3A_8 = vector.load %arg4[%swap3A, %swap3A_6, %swap3A_7] : memref<1x2048x1024xf32, #tpu.memory_space<vmem>>, vector<1x2048x1024xf32>
    tpu.vector_store %arg4[%swap3A, %swap3A_6, %swap3A_7], %add3A {strides = array<i32>} : memref<1x2048x1024xf32, #tpu.memory_space<vmem>>, vector<1x2048x1024xf32>,
    return
  }
  func.func @transform_0(%arg0: i32, %arg1: i32) -> (i32, i32, i32) {
    %add3A = arith.constant 1 : i32
    %add3A_0 = arith.addi %arg1, %add3A : i32
    %c0_i32 = arith.constant 0 : i32
    %c0_i32_1 = arith.constant 0 : i32
    return %add3A_0, %arg0, %c0_i32 : i32, i32, i32
  }
  func.func @transform_1(%arg0: i32, %arg1: i32) -> (i32, i32) {
    %c0_i32 = arith.constant 0 : i32
    %c0_i32_0 = arith.constant 0 : i32
    return %arg0, %c0_i32 : i32, i32
  }
  func.func @transform_2(%arg0: i32, %arg1: i32) -> (i32, i32, i32) {
    %add3A = arith.constant 1 : i32
    %add3A_0 = arith.addi %arg1, %add3A : i32
    %c0_i32 = arith.constant 0 : i32
    %c0_i32_1 = arith.constant 0 : i32
    return %add3A_0, %arg0, %c0_i32 : i32, i32, i32
  }
}

</mosaic_0001>

<sc_bundles>
// kernel: kernel.4.cloned.1.call-start
scs
__scs_entry_jumppad:
0x0: {  	(pc) =	sbr.rel $0x88, $3  }
0x1: {  	(tag) =	ssettag $0x0;
	lr =	simm.s32 $0x1  }
0x2: {  	[smem:$0x3F9F] =	sst lr;
	_ =	strace $0xD0000000  }
0x3: {  	_ = 	snop  }
0x4: {  	_ = 	snop  }
0x5: {  	_ = 	snop  }
0x6: {  	_ = 	snop  }
0x7: {  	_ = 	snop  }
__scs_overlays_trampoline_lowered:
0x8: {  	[smem:$0x3FAE] =	sst s0  }
0x9: {  	[smem:$0x3FAF] =	sst s1  }
0xa: {  	[smem:$0x3FB0] =	sst s2  }
0xb: {  	[smem:$0x3FB1] =	sst s3  }
0xc: {  	[smem:$0x3FB2] =	sst s4  }
0xd: {  	[smem:$0x3FB3] =	sst s5  }
0xe: {  	[smem:$0x3FB4] =	sst s6  }
0xf: {  	[smem:$0x3FB5] =	sst s7  }
0x10: {  	[smem:$0x3FB6] =	sst s8  }
0x11: {  	[smem:$0x3FB7] =	sst s9;
	s0 =	simm.s32 @!p0 $0x0  }
0x12: {  	s1 =	sld [smem:$0x3F9D];
	s0 =	simm.s32 @p0 $0x1  }
0x13: {  	[smem:$0x3FB8] =	sst s0;
	s0 =	simm.s32 @!p1 $0x0  }
0x14: {  	s2 =	sld [smem:$0x3F9C];
	s0 =	simm.s32 @p1 $0x1  }
0x15: {  	[smem:$0x3FB9] =	sst s0;
	s0 =	simm.s32 @!p2 $0x0  }
0x16: {  	s3 =	sld [smem:$0x3FDB];
	s0 =	simm.s32 @p2 $0x1  }
0x17: {  	s4 =	simm.s32 $0x1BF5;
	[smem:$0x3FBB] =	sst s0  }
0x18: {  	s0 =	sld [smem:$0x3F9E];
	_ =	swait.ge [sflag:s4], $0x0  }
0x19: {  	s7 =	sld [smem:$0x3F9F]  }
0x1a: {  	s8 =	sadd.s32 $0xFFFFE003, lr  }
0x1b: {  	s9 =	sadd.s32 $0xFFFFFEF7, lr;
	s5 =	simm.s32 $0xFFFFFFFF;
	p2 =	slt.u32 s8, $0xFFFFF086  }
0x1c: {  	p1 =	slt.u32 s9, $0xF7A;
	s5 =	simm.s32 @!p2 $0x0  }
0x1d: {  	s5 =	simm.s32 @p1 $0x1;
	p0 =	seq.s32 s7, s2  }
0x1e: {  	s7 =	smul.u32 @!p0 $0xF7A, s2;
	p2 =	seq.s32 @!p0 s5, $0x0  }
0x1f: {  	s9 =	smul.u32 $0xF7A, s1;
	s8 =	simm.s32 @!p0 $0x1BF5;
	p2 =	por !p2, p0  }
0x20: {  	[sflag:s8] =	ssyncset.s32 @!p0 $0xFFFFF086;
	s6 =	sadd.s32 @!p0 s3, s7;
	s7 =	simm.s32 @!p0 $0x108  }
0x21: {  	s3 =	sadd.s32 s3, s9;
	s6 =	sadd.s32 @!p0 $0x88, s6;
	s7 =	simm.s32 @p2 $0x1082  }
0x22: {  	[simem:s7], [sflag:s8] =	dma.local @!p0 [hbm:s6], $0xF7A  }
0x23: {  	s9 =	sor.u32 $0xD0000000, s2;
	s6 =	simm.s32 $0x108;
	_ =	swait.ge @!p0 [sflag:s8], $0x0  }
0x24: {  	s3 =	sadd.s32 $0x88, s3;
	s6 =	simm.s32 @!p1 $0x1082;
	[sflag:s4] =	ssyncset.s32 $0xFFFFF086  }
0x25: {  	[simem:s6], [sflag:s4] =	dma.local [hbm:s3], $0xF7A  }
0x26: {  	[smem:$0x3F9F] =	sst s1;
	(tag) =	ssettag s2;
	_ =	strace s9  }
0x27: {  	s1 =	sld [smem:$0x3FAF]  }
0x28: {  	s2 =	sld [smem:$0x3FB0]  }
0x29: {  	s4 =	sld [smem:$0x3FB2]  }
0x2a: {  	p0 =	seq.s32 s5, $0x0;
	s5 =	sld [smem:$0x3FB3]  }
0x2b: {  	s6 =	sld [smem:$0x3FB4]  }
0x2c: {  	s7 =	sld [smem:$0x3FB5]  }
0x2d: {  	s3 =	simm.s32 $0x108;
	s8 =	sld [smem:$0x3FB6]  }
0x2e: {  	s3 =	simm.s32 @!p0 $0x1082;
	s9 =	sld [smem:$0x3FB7]  }
0x2f: {  	lr =	sadd.s32 s0, s3;
	s0 =	sld [smem:$0x3FAE]  }
0x30: {  	s3 =	sld [smem:$0x3FB1]  }
0x31: {  	[smem:$0x3FBA] =	sst s10  }
0x32: {  	s10 =	sld [smem:$0x3FB8];
	_ =	sdelay $0x3  }
0x33: {  	p0 =	seq.s32 s10, $0x1;
	s10 =	sld [smem:$0x3FBA];
	_ =	sdelay $0x3  }
0x34: {  	[smem:$0x3FBA] =	sst s10  }
0x35: {  	s10 =	sld [smem:$0x3FB9];
	_ =	sdelay $0x3  }
0x36: {  	p1 =	seq.s32 s10, $0x1;
	s10 =	sld [smem:$0x3FBA];
	_ =	sdelay $0x3  }
0x37: {  	[smem:$0x3FBA] =	sst s10  }
0x38: {  	s10 =	sld [smem:$0x3FBB]  }
0x39: {  	_ = 	snop;
	(pc) =	sbr.ind lr, $3  }
0x3a: {  	_ = 	snop  }
0x3b: {  	_ = 	snop  }
0x3c: {  	p2 =	seq.s32 s10, $0x1;
	s10 =	sld [smem:$0x3FBA]  }
0x3d: {  	_ =	shalt  }
0x3e: {  	_ =	shalt  }
0x3f: {  	_ =	shalt  }
0x40: {  	_ =	shalt  }
0x41: {  	_ =	shalt  }
0x42: {  	_ =	shalt  }
0x43: {  	_ =	shalt  }
0x44: {  	_ =	shalt  }
0x45: {  	_ =	shalt  }
0x46: {  	_ =	shalt  }
0x47: {  	_ =	shalt  }
0x48: {  	_ =	shalt  }
0x49: {  	_ =	shalt  }
0x4a: {  	_ =	shalt  }
0x4b: {  	_ =	shalt  }
0x4c: {  	_ =	shalt  }
0x4d: {  	_ =	shalt  }
0x4e: {  	_ =	shalt  }
0x4f: {  	_ =	shalt  }
0x50: {  	_ =	shalt  }
0x51: {  	_ =	shalt  }
0x52: {  	_ =	shalt  }
0x53: {  	_ =	shalt  }
0x54: {  	_ =	shalt  }
0x55: {  	_ =	shalt  }
0x56: {  	_ =	shalt  }
0x57: {  	_ =	shalt  }
0x58: {  	_ =	shalt  }
0x59: {  	_ =	shalt  }
0x5a: {  	_ =	shalt  }
0x5b: {  	_ =	shalt  }
0x5c: {  	_ =	shalt  }
0x5d: {  	_ =	shalt  }
0x5e: {  	_ =	shalt  }
0x5f: {  	_ =	shalt  }
0x60: {  	_ =	shalt  }
0x61: {  	_ =	shalt  }
0x62: {  	_ =	shalt  }
0x63: {  	_ =	shalt  }
0x64: {  	_ =	shalt  }
0x65: {  	_ =	shalt  }
0x66: {  	_ =	shalt  }
0x67: {  	_ =	shalt  }
0x68: {  	_ =	shalt  }
0x69: {  	_ =	shalt  }
0x6a: {  	_ =	shalt  }
0x6b: {  	_ =	shalt  }
0x6c: {  	_ =	shalt  }
0x6d: {  	_ =	shalt  }
0x6e: {  	_ =	shalt  }
0x6f: {  	_ =	shalt  }
0x70: {  	_ =	shalt  }
0x71: {  	_ =	shalt  }
0x72: {  	_ =	shalt  }
0x73: {  	_ =	shalt  }
0x74: {  	_ =	shalt  }
0x75: {  	_ =	shalt  }
0x76: {  	_ =	shalt  }
0x77: {  	_ =	shalt  }
0x78: {  	_ =	shalt  }
0x79: {  	_ =	shalt  }
0x7a: {  	_ =	shalt  }
0x7b: {  	_ =	shalt  }
0x7c: {  	_ =	shalt  }
0x7d: {  	_ =	shalt  }
0x7e: {  	_ =	shalt  }
0x7f: {  	_ =	shalt  }
0x80: {  	_ =	shalt  }
0x81: {  	_ =	shalt  }
0x82: {  	_ =	shalt  }
0x83: {  	_ =	shalt  }
0x84: {  	_ =	shalt  }
0x85: {  	_ =	shalt  }
0x86: {  	_ =	shalt  }
0x87: {  	_ =	shalt  }
.Lfunc_end0:
.L_simem_size_0:
called_computation_lowered:
.L_overlay_start_0:
0x88: {  	s2 =	sld [smem:$0x3FD9]  }
0x89: {  	s3 =	sld [smem:$0x3FFE];
	_ =	sdelay $0x1  }
0x8a: {  	s1 =	srdreg.scid  }
0x8b: {  	s0 =	sand.u32 $0x1, s1  }
0x8c: {  	s17 =	sshll.u32 s0, $0xA;
	s2 =	sadd.s32 s3, s2  }
0x8d: {  	s2 =	sadd.s32 s2, s17  }
0x8e: {  	[smem:$0x3FC6] =	sst s2  }
0x8f: {  	_ = 	snop  }
0x90: {  	s2 =	sld [smem:$0x3FC9]  }
0x91: {  	s18 =	sld [smem:$0x3FC8];
	(tm) =	ssettm $0x1  }
0x92: {  	s4 =	sld [smem:$0x3FFB];
	_ =	sdelay $0x3  }
0x93: {  	_ =	strace s4  }
0x94: {  	s4 =	sld [smem:$0x3FFC];
	_ =	sdelay $0x3  }
0x95: {  	_ =	strace s4  }
0x96: {  	s4 =	sld [smem:$0x3FFD];
	_ =	sdelay $0x3  }
0x97: {  	_ =	strace s4  }
0x98: {  	_ =	strace $0x8FFFFFFF  }
0x99: {  	s19 =	sld [smem:$0x3FDB];
	_ =	sdelay $0x1  }
0x9a: {  	s5 =	simm.s32 $_scs_section_size  }
0x9b: {  	s6 =	simm.s32 $_size__tile_overlayer_lowered;
	s7 =	simm.s32 $_tile_overlayer_lowered  }
0x9c: {  	s22 =	simm.s32 $0x1BFF;
	s21 =	sshll.u32 s7, $0x1;
	s4 =	sadd.s32 s5, s19  }
0x9d: {  	s8 =	simm.s32 $0x0;
	s20 =	sshll.u32 s6, $0x1;
	s6 =	sadd.s32 s21, s4  }
0x9e: {  	[timem:s8], [sflag:s22] =	dma.local [hbm:s6], s20  }
0x9f: {  	_ =	swait.ge [sflag:s22], s20  }
0xa0: {  	s5 =	ssub.s32 $0x0, s20;
	[sflag:s22] =	ssyncset.done $0x0  }
0xa1: {  	[sflag:s22] =	ssyncadd.s32 s5;
	_ =	sdelay $0x1  }
0xa2: {  	s23 =	simm.s32 $0x1B8B  }
0xa3: {  	_ =	swait.ge [sflag:s23], $0x1  }
0xa4: {  	[sflag:s23] =	ssyncset.done $0x0  }
0xa5: {  	s25 =	simm.s32 $0x1B8E;
	s24 =	sld [smem:$0x3FFE];
	[sflag:s23] =	ssyncadd.s32 $0xFFFFFFFF  }
0xa6: {  	s26 =	simm.s32 $execute0_lowered;
	[smem:$0x3FD2] =	sst s25  }
0xa7: {  	s6 =	sshll.u32 s26, $0x1;
	_ =	strace $0x80000046;
	[dreg:$0x1] =	wrdreg $0xFFFFFFFF  }
0xa8: {  	s28 =	simm.s32 $_size_execute0_lowered;
	s4 =	sadd.s32 s4, s6;
	[dreg:$0x0] =	wrdreg $0x0  }
0xa9: {  	s6 =	sshll.u32 s28, $0x1;
	[dreg:$0x2] =	wrdreg s4  }
0xaa: {  	[dreg:$0x3] =	wrdreg s6  }
0xab: {  	[dreg:$0x4] =	wrdreg $0xC0  }
0xac: {  	_ =	task [dreg:s8], $0x5FFFF  }
0xad: {  	[dreg:$0x1] =	wrdreg $0xFFFFFFFF  }
0xae: {  	[dreg:$0x0] =	wrdreg $0x60  }
0xaf: {  	[dreg:$0x2] =	wrdreg s2  }
0xb0: {  	[dreg:$0x3] =	wrdreg s18  }
0xb1: {  	[dreg:$0x4] =	wrdreg s24  }
0xb2: {  	[dreg:$0x5] =	wrdreg $0x9  }
0xb3: {  	_ =	task.clear_ibuf [dreg:s8], $0x6FFFF;
	_ =	strace $0x90000046  }
0xb4: {  	s29 =	simm.s32 $0x9;
	_ =	strace $0x80000048  }
0xb5: {  	_ =	swait.ge [sflag:s29], $0x1  }
0xb6: {  	[sflag:s29] =	ssyncadd.s32 $0xFFFFFFFF  }
0xb7: {  	_ =	strace $0x90000048  }
0xb8: {  	_ =	sfence  }
0xb9: {  	s30 =	sld [smem:$0x0];
	_ =	sdelay $0x2  }
0xba: {  	s31 =	sshll.u32 s1, $0xD;
	s1 =	sshrl.u32 s1, $0x2  }
0xbb: {  	s3 =	sand.u32 $0x4000, s31;
	s1 =	sadd.s32 s1, s30  }
0xbc: {  	s0 =	sor.u32 s3, s0;
	s1 =	sshll.u32 s1, $0x11  }
0xbd: {  	s0 =	sor.u32 s1, s0  }
0xbe: {  	s0 =	sadd.s32 $0x8F2B, s0  }
0xbf: {  	[sflag:s0] =	ssyncadd.remote.s32 $0x1  }
0xc0: {  	_ =	sfence.sel $0xFFFF  }
0xc1: {  	[dreg:$0x0] =	wrdreg $0xFFFFFFFF;
	(pc) =	sbr.abs _section_cstart, $3  }
0xc2: {  	[dreg:$0x1] =	wrdreg $0xFFFFFFFF  }
0xc3: {  	_ =	task.clear_ibuf [dreg:s8], $0x2FFFF;
	_ =	strace $0x9FFFFFFF  }
0xc4: {  	(tm) =	ssettm $0x7FFFFFFF  }
0xc5: {  	_ =	shalt  }
tec
execute0_lowered:
.L_overlay_start_1:
0x0: {  	(tag) =	ssettag $0x1  }
0x1: {  	s0 =	rddreg [dreg:$0x0];
	s4 =	srdreg.scid  }
0x2: {  	s2 =	rddreg [dreg:$0x1];
	s6 =	stileid.u32;
	s4 =	sand.u32 $0x1, s4  }
0x3: {  	s6 =	sshll.u32 s6, $0xE;
	s5 =	ssub.s32 $0x2, s4;
	s4 =	sshll.u32 s4, $0xD  }
0x4: {  	s3 =	rddreg [dreg:$0x2];
	s1 =	simm.s32 $0x0;
	s4 =	sor.u32 s4, s6  }
0x5: {  	[smem:$0x7FF] =	sst s1;
	s22 =	sadd.s32 s0, s4  }
0x6: {  	s3 =	sadd.s32 $0x600, s3;
	s28 =	sadd.s32 s2, s4;
	[dreg:$0x4] =	wrdreg s22  }
0x7: {  	s6 =	sor.u32 $0x400, s4;
	s15 =	sadd.s32 s3, s4;
	[dreg:$0x9] =	wrdreg s28  }
0x8: {  	s24 =	sor.u32 $0x800, s4;
	s23 =	sadd.s32 s0, s6;
	[dreg:$0xe] =	wrdreg s15  }
0x9: {  	s25 =	sor.u32 $0xC00, s4;
	s8 =	sadd.s32 s0, s24;
	[dreg:$0x5] =	wrdreg s23  }
0xa: {  	s9 =	sor.u32 $0x1000, s4;
	s10 =	sadd.s32 s0, s25;
	[dreg:$0x6] =	wrdreg s8  }
0xb: {  	s29 =	simm.s32 $0x1;
	s26 =	sadd.s32 s0, s9;
	[dreg:$0x7] =	wrdreg s10  }
0xc: {  	s30 =	simm.s32 $0xB;
	s11 =	sadd.s32 s2, s6;
	[dreg:$0x8] =	wrdreg s26  }
0xd: {  	s31 =	simm.s32 $0x2;
	s12 =	sadd.s32 s2, s24;
	[dreg:$0xa] =	wrdreg s11  }
0xe: {  	s7 =	sshrl.u32 s5, $0x1;
	s13 =	sadd.s32 s2, s25;
	[dreg:$0xb] =	wrdreg s12  }
0xf: {  	s5 =	ssub.s32 s5, s7;
	s14 =	sadd.s32 s2, s9;
	[dreg:$0xc] =	wrdreg s13  }
0x10: {  	s17 =	sor.u32 $0x1800, s4;
	s6 =	sadd.s32 s3, s6;
	[dreg:$0xd] =	wrdreg s14  }
0x11: {  	s16 =	sor.u32 $0x1400, s4;
	s18 =	sadd.s32 s0, s17;
	[dreg:$0x10] =	wrdreg s6  }
0x12: {  	s4 =	sor.u32 $0x1C00, s4;
	s7 =	sadd.s32 s3, s24;
	[dreg:$0x11] =	wrdreg s18  }
0x13: {  	s19 =	sadd.s32 s2, s16;
	s20 =	sadd.s32 s2, s17;
	[dreg:$0x12] =	wrdreg s7  }
0x14: {  	s21 =	sadd.s32 s2, s4;
	s22 =	sadd.s32 s3, s25;
	[dreg:$0x14] =	wrdreg s19  }
0x15: {  	s24 =	sadd.s32 s3, s16;
	s25 =	sadd.s32 s3, s17;
	[dreg:$0x15] =	wrdreg s20  }
0x16: {  	s28 =	smax.u32 s5, $0x1;
	s2 =	simm.s32 $0x3;
	[dreg:$0x16] =	wrdreg s21  }
0x17: {  	s5 =	simm.s32 $0x5;
	s11 =	sadd.s32 s0, s16;
	[dreg:$0x17] =	wrdreg s22  }
0x18: {  	s0 =	sadd.s32 s0, s4;
	s23 =	sadd.s32 s3, s9;
	[dreg:$0x19] =	wrdreg s24  }
0x19: {  	[dreg:$0x1a] =	wrdreg s25;
	s26 =	sadd.s32 s3, s4;
	s19 =	simm.s32 $0xC  }
0x1a: {  	s3 =	simm.s32 $0xE;
	s6 =	simm.s32 $0xF;
	[dreg:$0xf] =	wrdreg s11  }
0x1b: {  	s7 =	simm.s32 $0x6;
	s8 =	simm.s32 $0x7;
	[dreg:$0x13] =	wrdreg s0  }
0x1c: {  	s9 =	simm.s32 $0x8;
	s10 =	simm.s32 $0x9;
	[dreg:$0x18] =	wrdreg s23  }
0x1d: {  	s12 =	simm.s32 $0x0;
	[dreg:$0x1b] =	wrdreg s26;
	s0 =	simm.s32 $0xD  }
0x1e: {  	s11 =	simm.s32 $0xA;
	_ =	strace $0x80000047;
	[dreg:$0x1c] =	wrdreg s28  }
.LBB2_1:
0x1f: {  	s4 =	rddreg [dreg:$0x4]  }
0x20: {  	[tilespmem:s1], [sflag:$0x1] =	stream.linear.gather [hbm4b:s4+s1], $0x2000, $0x38;
	[tilespmem:$0x1E000] =	vst v63  }
0x21: {  	s21 =	rddreg [dreg:$0x5];
	s13 =	simm.s32 $0x2000  }
0x22: {  	[tilespmem:s13], [sflag:$0x2] =	stream.linear.gather [hbm4b:s21+s1], $0x2000, $0x38;
	[tilespmem:$0x1E000] =	vst v63  }
0x23: {  	s22 =	rddreg [dreg:$0x6];
	s23 =	simm.s32 $0x4000  }
0x24: {  	[tilespmem:s23], [sflag:$0x3] =	stream.linear.gather [hbm4b:s22+s1], $0x2000, $0x38;
	[tilespmem:$0x1E000] =	vst v63  }
0x25: {  	s24 =	rddreg [dreg:$0x7];
	s25 =	simm.s32 $0x6000  }
0x26: {  	[tilespmem:s25], [sflag:$0x4] =	stream.linear.gather [hbm4b:s24+s1], $0x2000, $0x38;
	[tilespmem:$0x1E000] =	vst v63  }
0x27: {  	s26 =	rddreg [dreg:$0x8];
	s28 =	simm.s32 $0x8000  }
0x28: {  	[tilespmem:s28], [sflag:$0x5] =	stream.linear.gather [hbm4b:s26+s1], $0x2000, $0x38;
	[tilespmem:$0x1E000] =	vst v63  }
0x29: {  	s14 =	simm.s32 $0x14000;
	s13 =	rddreg [dreg:$0x9]  }
0x2a: {  	[tilespmem:s14], [sflag:$0xB] =	stream.linear.gather [hbm4b:s13+s1], $0x2000, $0x38;
	[tilespmem:$0x1E000] =	vst v63  }
0x2b: {  	s15 =	rddreg [dreg:$0xa];
	s16 =	simm.s32 $0x16000  }
0x2c: {  	[tilespmem:s16], [sflag:$0xC] =	stream.linear.gather [hbm4b:s15+s1], $0x2000, $0x38;
	[tilespmem:$0x1E000] =	vst v63  }
0x2d: {  	s17 =	rddreg [dreg:$0xb];
	s18 =	simm.s32 $0x18000  }
0x2e: {  	[tilespmem:s18], [sflag:$0xD] =	stream.linear.gather [hbm4b:s17+s1], $0x2000, $0x38;
	[tilespmem:$0x1E000] =	vst v63  }
0x2f: {  	s20 =	rddreg [dreg:$0xc];
	s21 =	simm.s32 $0x1A000  }
0x30: {  	[tilespmem:s21], [sflag:$0xE] =	stream.linear.gather [hbm4b:s20+s1], $0x2000, $0x38;
	[tilespmem:$0x1E000] =	vst v63  }
0x31: {  	s22 =	rddreg [dreg:$0xd];
	s23 =	simm.s32 $0x1C000  }
0x32: {  	[tilespmem:s23], [sflag:$0xF] =	stream.linear.gather [hbm4b:s22+s1], $0x2000, $0x38;
	[tilespmem:$0x1E000] =	vst v63  }
0x33: {  	_ =	swait.ge [sflag:s29], $0x2000  }
0x34: {  	[sflag:s29] =	ssyncset.done $0x0  }
0x35: {  	[sflag:s29] =	ssyncadd.s32 $0xFFFFE000  }
0x36: {  	s16 =	simm.s32 $0x0;
	_ =	swait.ge [sflag:s30], $0x2000  }
0x37: {  	s14 =	sand.u32 $0x1C00, s1;
	s24 =	sand.u32 $0x60, s16;
	[sflag:s30] =	ssyncset.done $0x0  }
0x38: {  	s13 =	sor.u32 s24, s14;
	[sflag:s30] =	ssyncadd.s32 $0xFFFFE000  }
0x39: {  	v0 =	vld [tilespmem:s13+$0x10]  }
0x3a: {  	v1 =	vld [tilespmem:s13+$0x14010]  }
0x3b: {  	v2 =	vld [tilespmem:s13+$0x90]  }
0x3c: {  	v3 =	vld [tilespmem:s13+$0x14090]  }
0x3d: {  	v4 =	vld [tilespmem:s13+$0x110]  }
0x3e: {  	v5 =	vld [tilespmem:s13+$0x14110]  }
0x3f: {  	v6 =	vld [tilespmem:s13+$0x190]  }
0x40: {  	v7 =	vld [tilespmem:s13+$0x14190]  }
0x41: {  	v8 =	vld [tilespmem:s13+$0x210]  }
0x42: {  	v9 =	vld [tilespmem:s13+$0x14210]  }
0x43: {  	v10 =	vld [tilespmem:s13+$0x290]  }
0x44: {  	v59 =	vld [tilespmem:s13+$0x180]  }
0x45: {  	v60 =	vld [tilespmem:s13+$0x14180]  }
0x46: {  	s20 =	simm.s32 $0x20;
	s21 =	simm.s32 $0x100;
	v61 =	vld [tilespmem:s13+$0x200]  }
0x47: {  	s26 =	sand.u32 $0x60, s20;
	s18 =	sand.u32 $0x1C00, s21;
	v11 =	vld [tilespmem:s13+$0x14200]  }
0x48: {  	s18 =	sor.u32 s26, s18;
	v12 =	vld [tilespmem:s13+$0x14280]  }
0x49: {  	v14 =	vld [tilespmem:s18+$0x10]  }
0x4a: {  	v15 =	vld [tilespmem:s18+$0x14010]  }
0x4b: {  	v16 =	vld [tilespmem:s18+$0x90]  }
0x4c: {  	v17 =	vld [tilespmem:s18+$0x14090]  }
0x4d: {  	v18 =	vld [tilespmem:s18+$0x110]  }
0x4e: {  	v19 =	vld [tilespmem:s18+$0x14110]  }
0x4f: {  	v20 =	vld [tilespmem:s18+$0x190]  }
0x50: {  	v21 =	vld [tilespmem:s18+$0x14190]  }
0x51: {  	v22 =	vld [tilespmem:s18+$0x210]  }
0x52: {  	v23 =	vld [tilespmem:s18+$0x14210]  }
0x53: {  	v0 =	vadd.f32 v1, v0;
	v1 =	vld [tilespmem:s13+$0x14290]  }
0x54: {  	v24 =	vld [tilespmem:s18+$0x290];
	v2 =	vadd.f32 v3, v2  }
0x55: {  	v62 =	vld [tilespmem:s18+$0x14290];
	[tilespmem:s13+$0xA010] =	vst v0;
	v0 =	vadd.f32 v5, v4  }
0x56: {  	s25 =	sand.u32 $0x3, s1;
	v25 =	vld [tilespmem:s18+$0x0];
	[tilespmem:s13+$0xA090] =	vst v2;
	v2 =	vadd.f32 v7, v6  }
0x57: {  	s14 =	sshll.u32 s25, $0x5;
	v63 =	vld [tilespmem:s18+$0x14000];
	[tilespmem:s13+$0xA110] =	vst v0;
	v0 =	vadd.f32 v9, v8  }
0x58: {  	s14 =	sadd.s32 $0x0, s14;
	v29 =	vld [tilespmem:s18+$0x80];
	[tilespmem:s13+$0xA190] =	vst v2;
	v1 =	vadd.f32 v1, v10  }
0x59: {  	s15 =	sadd.s32 $0x10, s14;
	v31 =	vld [tilespmem:s18+$0x14080];
	[tilespmem:s13+$0xA210] =	vst v0  }
0x5a: {  	s17 =	sor.u32 $0x300, s15;
	v33 =	vld [tilespmem:s18+$0x100];
	[tilespmem:s13+$0xA290] =	vst v1  }
0x5b: {  	v1 =	vld [tilespmem:s17+$0x0]  }
0x5c: {  	v6 =	vld [tilespmem:s17+$0x14000]  }
0x5d: {  	v3 =	vld [tilespmem:s13+$0x0]  }
0x5e: {  	v14 =	vadd.f32 v15, v14;
	v4 =	vld [tilespmem:s13+$0x14000]  }
0x5f: {  	v16 =	vadd.f32 v17, v16;
	v5 =	vld [tilespmem:s13+$0x80]  }
0x60: {  	v28 =	vadd.f32 v19, v18;
	v7 =	vld [tilespmem:s13+$0x14100];
	[tilespmem:s18+$0xA010] =	vst v14  }
0x61: {  	[tilespmem:s18+$0xA090] =	vst v16;
	v0 =	vld [tilespmem:s13+$0x100];
	v1 =	vadd.f32 v6, v1  }
0x62: {  	s28 =	simm.s32 $0x1;
	v30 =	vadd.f32 v21, v20;
	[tilespmem:s18+$0xA110] =	vst v28;
	v2 =	vld [tilespmem:s13+$0x14080]  }
0x63: {  	v34 =	vld [tilespmem:s18+$0x14100];
	v32 =	vadd.f32 v23, v22;
	[tilespmem:s17+$0xA000] =	vst v1;
	s17 =	sor.u32 $0x380, s15;
	s15 =	sand.u32 $0x3, s28  }
0x64: {  	v35 =	vld [tilespmem:s18+$0x200];
	v15 =	vadd.f32 v62, v24;
	[tilespmem:s18+$0xA190] =	vst v30;
	s15 =	sshll.u32 s15, $0x5  }
0x65: {  	[tilespmem:s18+$0xA210] =	vst v32;
	v3 =	vadd.f32 v4, v3;
	v4 =	vld [tilespmem:s18+$0x180];
	s22 =	sadd.s32 $0x100, s15  }
0x66: {  	[tilespmem:s18+$0xA290] =	vst v15;
	v0 =	vadd.f32 v7, v0;
	v7 =	vld [tilespmem:s18+$0x14180];
	s15 =	sadd.s32 $0x10, s22  }
0x67: {  	v2 =	vadd.f32 v2, v5;
	[tilespmem:s13+$0xA000] =	vst v3;
	v6 =	vld [tilespmem:s13+$0x280];
	s24 =	sor.u32 $0x300, s15  }
0x68: {  	[tilespmem:s13+$0xA100] =	vst v0;
	v0 =	vadd.f32 v11, v61;
	v5 =	vld [tilespmem:s24+$0x0]  }
0x69: {  	[tilespmem:s13+$0xA080] =	vst v2;
	v3 =	vld [tilespmem:s24+$0x14000]  }
0x6a: {  	v2 =	vadd.f32 v60, v59;
	[tilespmem:s13+$0xA200] =	vst v0;
	v0 =	vld [tilespmem:s18+$0x280]  }
0x6b: {  	v1 =	vld [tilespmem:s17+$0x0]  }
0x6c: {  	[tilespmem:s13+$0xA180] =	vst v2;
	v13 =	vld [tilespmem:s17+$0x14000];
	v2 =	vadd.f32 v12, v6  }
0x6d: {  	v6 =	vld [tilespmem:s18+$0x14200]  }
0x6e: {  	s23 =	sor.u32 $0x300, s14;
	[tilespmem:s13+$0xA280] =	vst v2;
	v2 =	vld [tilespmem:s18+$0x14280];
	v3 =	vadd.f32 v3, v5  }
0x6f: {  	s14 =	simm.s32 $0x200;
	s13 =	simm.s32 $0x40;
	v5 =	vld [tilespmem:s23+$0x0]  }
0x70: {  	s25 =	sand.u32 $0x1C00, s14;
	s4 =	sand.u32 $0x60, s13;
	[tilespmem:s24+$0xA000] =	vst v3;
	s24 =	sor.u32 $0x380, s15;
	v3 =	vld [tilespmem:s23+$0x14000]  }
0x71: {  	s15 =	sor.u32 s4, s25;
	v36 =	vld [tilespmem:s24+$0x0]  }
0x72: {  	v37 =	vld [tilespmem:s15+$0x10]  }
0x73: {  	v38 =	vld [tilespmem:s15+$0x14010]  }
0x74: {  	v39 =	vld [tilespmem:s15+$0x90]  }
0x75: {  	v40 =	vld [tilespmem:s15+$0x14090]  }
0x76: {  	v41 =	vld [tilespmem:s15+$0x110]  }
0x77: {  	v42 =	vld [tilespmem:s15+$0x14110]  }
0x78: {  	v43 =	vld [tilespmem:s15+$0x190]  }
0x79: {  	v44 =	vld [tilespmem:s15+$0x14190]  }
0x7a: {  	v17 =	vadd.f32 v63, v25;
	v45 =	vld [tilespmem:s15+$0x210]  }
0x7b: {  	v1 =	vadd.f32 v13, v1;
	v46 =	vld [tilespmem:s15+$0x14210]  }
0x7c: {  	[tilespmem:s18+$0xA000] =	vst v17;
	v59 =	vadd.f32 v34, v33;
	v47 =	vld [tilespmem:s15+$0x290]  }
0x7d: {  	[tilespmem:s17+$0xA000] =	vst v1;
	v1 =	vadd.f32 v31, v29;
	v48 =	vld [tilespmem:s15+$0x14290]  }
0x7e: {  	[tilespmem:s18+$0xA100] =	vst v59;
	v49 =	vld [tilespmem:s15+$0x0];
	v10 =	vadd.f32 v38, v37  }
0x7f: {  	[tilespmem:s18+$0xA080] =	vst v1;
	v50 =	vld [tilespmem:s15+$0x14000];
	v1 =	vadd.f32 v40, v39  }
0x80: {  	s17 =	simm.s32 $0x2;
	v52 =	vld [tilespmem:s15+$0x80];
	v51 =	vadd.f32 v42, v41;
	[tilespmem:s15+$0xA010] =	vst v10  }
0x81: {  	s26 =	sand.u32 $0x3, s17;
	v53 =	vld [tilespmem:s15+$0x14080];
	[tilespmem:s15+$0xA090] =	vst v1;
	v1 =	vadd.f32 v44, v43  }
0x82: {  	s25 =	sshll.u32 s26, $0x5;
	v55 =	vld [tilespmem:s24+$0x14000];
	v54 =	vadd.f32 v46, v45;
	[tilespmem:s15+$0xA110] =	vst v51  }
0x83: {  	v56 =	vld [tilespmem:s15+$0x100];
	s25 =	sadd.s32 $0x200, s25;
	[tilespmem:s15+$0xA190] =	vst v1;
	v1 =	vadd.f32 v48, v47  }
0x84: {  	v4 =	vadd.f32 v7, v4;
	v58 =	vld [tilespmem:s15+$0x14100];
	s26 =	sadd.s32 $0x10, s25;
	[tilespmem:s15+$0xA210] =	vst v54  }
0x85: {  	v6 =	vadd.f32 v6, v35;
	v60 =	vld [tilespmem:s15+$0x180];
	s28 =	sor.u32 $0x300, s26;
	[tilespmem:s15+$0xA290] =	vst v1  }
0x86: {  	[tilespmem:s18+$0xA180] =	vst v4;
	v0 =	vadd.f32 v2, v0;
	v61 =	vld [tilespmem:s28+$0x0]  }
0x87: {  	[tilespmem:s18+$0xA200] =	vst v6;
	v3 =	vadd.f32 v3, v5;
	v62 =	vld [tilespmem:s28+$0x14000]  }
0x88: {  	[tilespmem:s18+$0xA280] =	vst v0;
	v7 =	vld [tilespmem:s15+$0x14180];
	v1 =	vadd.f32 v53, v52  }
0x89: {  	v63 =	vld [tilespmem:s15+$0x200];
	v57 =	vadd.f32 v50, v49;
	[tilespmem:s23+$0xA000] =	vst v3  }
0x8a: {  	v2 =	vld [tilespmem:s15+$0x14200];
	[tilespmem:s15+$0xA080] =	vst v1;
	v1 =	vadd.f32 v58, v56  }
0x8b: {  	v0 =	vadd.f32 v55, v36;
	v3 =	vld [tilespmem:s15+$0x14280];
	[tilespmem:s15+$0xA000] =	vst v57  }
0x8c: {  	s16 =	sor.u32 s1, s16;
	s18 =	sor.u32 $0x300, s22;
	[tilespmem:s15+$0xA100] =	vst v1;
	v1 =	vld [tilespmem:s15+$0x280];
	v4 =	vadd.f32 v62, v61  }
0x8d: {  	s16 =	sor.u32 $0x380, s16;
	v5 =	vadd.f32 v7, v60;
	[tilespmem:s24+$0xA000] =	vst v0;
	v0 =	vld [tilespmem:s18+$0x0]  }
0x8e: {  	s20 =	sor.u32 s21, s20;
	s23 =	sor.u32 $0x380, s26;
	[tilespmem:s28+$0xA000] =	vst v4;
	s28 =	sor.u32 s14, s13;
	v4 =	vld [tilespmem:s18+$0x14000]  }
0x8f: {  	s20 =	sor.u32 $0x380, s20;
	s22 =	sor.u32 $0x300, s25;
	[tilespmem:s15+$0xA180] =	vst v5;
	v5 =	vadd.f32 v2, v63;
	s21 =	sor.u32 $0x380, s28;
	v2 =	vld [tilespmem:s23+$0x0]  }
.LBB2_2:
0x90: {  	s13 =	sadd.s32 $0x20, s13;
	v6 =	vld [tilespmem:s23+$0x14000];
	s14 =	sadd.s32 $0x100, s14  }
0x91: {  	s24 =	sand.u32 $0x60, s13;
	s25 =	sand.u32 $0x1C00, s14;
	s26 =	sor.u32 s14, s13;
	[tilespmem:s15+$0xA200] =	vst v5;
	v1 =	vadd.f32 v3, v1;
	v3 =	vld [tilespmem:s16+$0x0]  }
0x92: {  	p0 =	slt.u32 s13, $0x3E0;
	s24 =	sor.u32 s24, s25;
	s25 =	sor.u32 $0x380, s26;
	v5 =	vld [tilespmem:s16+$0x14000]  }
0x93: {  	v7 =	vld [tilespmem:s24+$0x10];
	[tilespmem:s15+$0xA280] =	vst v1;
	v0 =	vadd.f32 v4, v0;
	s15 =	smov.u32 s24  }
0x94: {  	v1 =	vld [tilespmem:s15+$0x14010]  }
0x95: {  	v4 =	vld [tilespmem:s15+$0x90];
	v2 =	vadd.f32 v6, v2;
	[tilespmem:s18+$0xA000] =	vst v0;
	s18 =	smov.u32 s22  }
0x96: {  	v0 =	vld [tilespmem:s15+$0x14090]  }
0x97: {  	v6 =	vld [tilespmem:s15+$0x110];
	[tilespmem:s23+$0xA000] =	vst v2;
	v2 =	vadd.f32 v5, v3  }
0x98: {  	v3 =	vld [tilespmem:s15+$0x14110]  }
0x99: {  	v5 =	vld [tilespmem:s15+$0x190];
	[tilespmem:s16+$0xA000] =	vst v2;
	s16 =	smov.u32 s20;
	s20 =	smov.u32 s21;
	s21 =	smov.u32 s25  }
0x9a: {  	v2 =	vld [tilespmem:s15+$0x14190]  }
0x9b: {  	v8 =	vld [tilespmem:s15+$0x210]  }
0x9c: {  	v9 =	vld [tilespmem:s15+$0x14210]  }
0x9d: {  	v10 =	vld [tilespmem:s15+$0x290]  }
0x9e: {  	v1 =	vadd.f32 v1, v7;
	v7 =	vld [tilespmem:s15+$0x14290]  }
0x9f: {  	v0 =	vadd.f32 v0, v4;
	v11 =	vld [tilespmem:s15+$0x0]  }
0xa0: {  	s17 =	sadd.s32 $0x1, s17;
	v4 =	vld [tilespmem:s15+$0x14000];
	[tilespmem:s15+$0xA010] =	vst v1;
	v1 =	vadd.f32 v3, v6  }
0xa1: {  	s22 =	sand.u32 $0x3, s17;
	v3 =	vld [tilespmem:s15+$0x80];
	[tilespmem:s15+$0xA090] =	vst v0;
	v0 =	vadd.f32 v2, v5  }
0xa2: {  	s22 =	sshll.u32 s22, $0x5;
	v2 =	vld [tilespmem:s15+$0x14080];
	[tilespmem:s15+$0xA110] =	vst v1;
	v1 =	vadd.f32 v9, v8  }
0xa3: {  	s23 =	sadd.s32 s22, s14;
	v5 =	vld [tilespmem:s15+$0x100];
	[tilespmem:s15+$0xA190] =	vst v0;
	v0 =	vadd.f32 v7, v10  }
0xa4: {  	s22 =	sor.u32 $0x300, s23;
	s23 =	sadd.s32 $0x10, s23;
	v6 =	vld [tilespmem:s15+$0x14100];
	[tilespmem:s15+$0xA210] =	vst v1  }
0xa5: {  	s24 =	sor.u32 $0x300, s23;
	v1 =	vadd.f32 v4, v11;
	v4 =	vld [tilespmem:s15+$0x180];
	[tilespmem:s15+$0xA290] =	vst v0  }
0xa6: {  	v0 =	vld [tilespmem:s24+$0x0]  }
0xa7: {  	[tilespmem:s15+$0xA000] =	vst v1;
	v1 =	vadd.f32 v2, v3;
	v2 =	vld [tilespmem:s24+$0x14000]  }
0xa8: {  	v7 =	vld [tilespmem:s15+$0x14180]  }
0xa9: {  	[tilespmem:s15+$0xA080] =	vst v1;
	v1 =	vadd.f32 v6, v5;
	v5 =	vld [tilespmem:s15+$0x200]  }
0xaa: {  	v6 =	vld [tilespmem:s15+$0x14200]  }
.Ltmp0:
0xab: {  	[tilespmem:s15+$0xA100] =	vst v1;
	v1 =	vld [tilespmem:s15+$0x280];
	(pc) =	sbr.rel @p0 .LBB2_2-.Ltmp0, $4  }
0xac: {  	v3 =	vld [tilespmem:s15+$0x14280];
	v2 =	vadd.f32 v2, v0  }
0xad: {  	v7 =	vadd.f32 v7, v4;
	v0 =	vld [tilespmem:s18+$0x0]  }
0xae: {  	s23 =	sor.u32 $0x380, s23;
	[tilespmem:s24+$0xA000] =	vst v2;
	v4 =	vld [tilespmem:s18+$0x14000]  }
0xaf: {  	[tilespmem:s15+$0xA180] =	vst v7;
	v5 =	vadd.f32 v6, v5;
	v2 =	vld [tilespmem:s23+$0x0]  }
0xb0: {  	_ = 	snop  }
0xb1: {  	v1 =	vadd.f32 v3, v1  }
0xb2: {  	[tilespmem:s15+$0xA200] =	vst v5  }
0xb3: {  	[tilespmem:s15+$0xA280] =	vst v1  }
0xb4: {  	v1 =	vld [tilespmem:s22+$0x0]  }
0xb5: {  	v3 =	vld [tilespmem:s22+$0x14000];
	_ =	sdelay $0x2  }
0xb6: {  	v6 =	vld [tilespmem:s16+$0x14000];
	v0 =	vadd.f32 v4, v0  }
0xb7: {  	v5 =	vld [tilespmem:s23+$0x14000]  }
0xb8: {  	v4 =	vld [tilespmem:s16+$0x0];
	[tilespmem:s18+$0xA000] =	vst v0;
	v0 =	vadd.f32 v3, v1  }
0xb9: {  	v1 =	vld [tilespmem:s20+$0x0]  }
0xba: {  	v3 =	vld [tilespmem:s20+$0x14000];
	[tilespmem:s22+$0xA000] =	vst v0  }
0xbb: {  	v0 =	vld [tilespmem:s21+$0x0]  }
0xbc: {  	v7 =	vld [tilespmem:s21+$0x14000];
	_ =	sdelay $0x1  }
0xbd: {  	v2 =	vadd.f32 v5, v2  }
0xbe: {  	v4 =	vadd.f32 v6, v4  }
0xbf: {  	[tilespmem:s23+$0xA000] =	vst v2;
	v1 =	vadd.f32 v3, v1  }
0xc0: {  	[tilespmem:s16+$0xA000] =	vst v4;
	v0 =	vadd.f32 v7, v0  }
0xc1: {  	[tilespmem:s20+$0xA000] =	vst v1  }
0xc2: {  	[tilespmem:s21+$0xA000] =	vst v0  }
0xc3: {  	s13 =	simm.s32 $0xA000;
	s16 =	simm.s32 $0x0;
	s4 =	rddreg [dreg:$0xe]  }
0xc4: {  	[hbm4b:s4+s16] =	stream.linear.scatter [tilespmem:s13], [sflag:$0x6], $0x2000, $0x38;
	[tilespmem:$0x1E000] =	vst v63  }
0xc5: {  	s21 =	rddreg [dreg:$0xf]  }
0xc6: {  	[tilespmem:s16], [sflag:$0x1] =	stream.linear.gather [hbm4b:s21+s16], $0x2000, $0x38;
	[tilespmem:$0x1E000] =	vst v63  }
0xc7: {  	s23 =	simm.s32 $0x14000;
	s22 =	rddreg [dreg:$0x14]  }
0xc8: {  	[tilespmem:s23], [sflag:$0xB] =	stream.linear.gather [hbm4b:s22+s16], $0x2000, $0x38;
	[tilespmem:$0x1E000] =	vst v63  }
0xc9: {  	_ =	swait.ge [sflag:s31], $0x2000  }
0xca: {  	[sflag:s31] =	ssyncset.done $0x0  }
0xcb: {  	[sflag:s31] =	ssyncadd.s32 $0xFFFFE000  }
0xcc: {  	s17 =	simm.s32 $0x0;
	_ =	swait.ge [sflag:s19], $0x2000  }
0xcd: {  	s24 =	sand.u32 $0x60, s17;
	s14 =	sand.u32 $0x1C00, s16;
	[sflag:s19] =	ssyncset.done $0x0  }
0xce: {  	s13 =	sor.u32 s24, s14;
	[sflag:s19] =	ssyncadd.s32 $0xFFFFE000  }
0xcf: {  	v0 =	vld [tilespmem:s13+$0x2010]  }
0xd0: {  	v1 =	vld [tilespmem:s13+$0x16010]  }
0xd1: {  	v2 =	vld [tilespmem:s13+$0x2090]  }
0xd2: {  	v3 =	vld [tilespmem:s13+$0x16090]  }
0xd3: {  	v4 =	vld [tilespmem:s13+$0x2110]  }
0xd4: {  	v5 =	vld [tilespmem:s13+$0x16110]  }
0xd5: {  	v6 =	vld [tilespmem:s13+$0x2190]  }
0xd6: {  	v7 =	vld [tilespmem:s13+$0x16190]  }
0xd7: {  	v8 =	vld [tilespmem:s13+$0x2210]  }
0xd8: {  	v9 =	vld [tilespmem:s13+$0x16210]  }
0xd9: {  	v10 =	vld [tilespmem:s13+$0x2290]  }
0xda: {  	v59 =	vld [tilespmem:s13+$0x2180]  }
0xdb: {  	v60 =	vld [tilespmem:s13+$0x16180]  }
0xdc: {  	s25 =	sand.u32 $0x3, s16;
	s20 =	simm.s32 $0x20;
	s21 =	simm.s32 $0x100;
	v61 =	vld [tilespmem:s13+$0x2200]  }
0xdd: {  	s14 =	sshll.u32 s25, $0x5;
	s24 =	sand.u32 $0x60, s20;
	s25 =	sand.u32 $0x1C00, s21;
	v11 =	vld [tilespmem:s13+$0x16200]  }
0xde: {  	s22 =	sor.u32 s24, s25;
	v12 =	vld [tilespmem:s13+$0x16280]  }
0xdf: {  	v14 =	vld [tilespmem:s22+$0x2010]  }
0xe0: {  	v15 =	vld [tilespmem:s22+$0x16010]  }
0xe1: {  	v16 =	vld [tilespmem:s22+$0x2090]  }
0xe2: {  	v17 =	vld [tilespmem:s22+$0x16090]  }
0xe3: {  	v18 =	vld [tilespmem:s22+$0x2110]  }
0xe4: {  	v19 =	vld [tilespmem:s22+$0x16110]  }
0xe5: {  	v20 =	vld [tilespmem:s22+$0x2190]  }
0xe6: {  	v21 =	vld [tilespmem:s22+$0x16190]  }
0xe7: {  	v22 =	vld [tilespmem:s22+$0x2210]  }
0xe8: {  	v23 =	vld [tilespmem:s22+$0x16210]  }
0xe9: {  	v24 =	vld [tilespmem:s22+$0x2290]  }
0xea: {  	v62 =	vld [tilespmem:s22+$0x16290]  }
0xeb: {  	v25 =	vld [tilespmem:s22+$0x2000]  }
0xec: {  	v63 =	vld [tilespmem:s22+$0x16000];
	v0 =	vadd.f32 v1, v0  }
0xed: {  	v29 =	vld [tilespmem:s22+$0x2080];
	v2 =	vadd.f32 v3, v2  }
0xee: {  	v31 =	vld [tilespmem:s22+$0x16080];
	v14 =	vadd.f32 v15, v14;
	[tilespmem:s13+$0xC010] =	vst v0  }
0xef: {  	v1 =	vld [tilespmem:s13+$0x16290];
	v16 =	vadd.f32 v17, v16;
	[tilespmem:s13+$0xC090] =	vst v2  }
0xf0: {  	v33 =	vld [tilespmem:s22+$0x2100];
	v28 =	vadd.f32 v19, v18;
	[tilespmem:s22+$0xC010] =	vst v14  }
0xf1: {  	v3 =	vld [tilespmem:s13+$0x2000];
	v0 =	vadd.f32 v5, v4;
	[tilespmem:s22+$0xC090] =	vst v16  }
0xf2: {  	s14 =	sadd.s32 $0x0, s14;
	v2 =	vadd.f32 v7, v6;
	v4 =	vld [tilespmem:s13+$0x16000];
	[tilespmem:s22+$0xC110] =	vst v28  }
0xf3: {  	s26 =	sadd.s32 $0x10, s14;
	v5 =	vld [tilespmem:s13+$0x2080];
	[tilespmem:s13+$0xC110] =	vst v0;
	v0 =	vadd.f32 v9, v8  }
0xf4: {  	s28 =	sor.u32 $0x300, s26;
	s4 =	sor.u32 $0x380, s26;
	s26 =	simm.s32 $0x1;
	v7 =	vld [tilespmem:s13+$0x16100];
	[tilespmem:s13+$0xC190] =	vst v2;
	v1 =	vadd.f32 v1, v10  }
0xf5: {  	s15 =	sand.u32 $0x3, s26;
	v30 =	vadd.f32 v21, v20;
	v2 =	vld [tilespmem:s13+$0x16080];
	[tilespmem:s13+$0xC210] =	vst v0  }
0xf6: {  	s15 =	sshll.u32 s15, $0x5;
	v32 =	vadd.f32 v23, v22;
	v0 =	vld [tilespmem:s13+$0x2100];
	[tilespmem:s13+$0xC290] =	vst v1  }
0xf7: {  	s23 =	sadd.s32 $0x100, s15;
	v15 =	vadd.f32 v62, v24;
	[tilespmem:s22+$0xC190] =	vst v30;
	v1 =	vld [tilespmem:s28+$0x2000]  }
0xf8: {  	s15 =	sadd.s32 $0x10, s23;
	[tilespmem:s22+$0xC210] =	vst v32;
	v6 =	vld [tilespmem:s28+$0x16000]  }
0xf9: {  	s25 =	sor.u32 $0x300, s15;
	v34 =	vld [tilespmem:s22+$0x16100];
	[tilespmem:s22+$0xC290] =	vst v15;
	v3 =	vadd.f32 v4, v3  }
0xfa: {  	v2 =	vadd.f32 v2, v5;
	v5 =	vld [tilespmem:s25+$0x2000]  }
0xfb: {  	[tilespmem:s13+$0xC000] =	vst v3;
	v3 =	vld [tilespmem:s25+$0x16000]  }
0xfc: {  	v35 =	vld [tilespmem:s22+$0x2200];
	v0 =	vadd.f32 v7, v0  }
0xfd: {  	v4 =	vld [tilespmem:s22+$0x2180];
	v1 =	vadd.f32 v6, v1  }
0xfe: {  	v7 =	vld [tilespmem:s22+$0x16180];
	[tilespmem:s13+$0xC100] =	vst v0;
	v0 =	vadd.f32 v11, v61  }
0xff: {  	v6 =	vld [tilespmem:s13+$0x2280];
	[tilespmem:s28+$0xC000] =	vst v1  }
0x100: {  	v3 =	vadd.f32 v3, v5;
	[tilespmem:s13+$0xC200] =	vst v0;
	v0 =	vld [tilespmem:s22+$0x2280]  }
0x101: {  	[tilespmem:s13+$0xC080] =	vst v2;
	v1 =	vld [tilespmem:s4+$0x2000]  }
0x102: {  	v2 =	vadd.f32 v60, v59;
	v13 =	vld [tilespmem:s4+$0x16000];
	[tilespmem:s25+$0xC000] =	vst v3;
	s25 =	sor.u32 $0x380, s15  }
0x103: {  	v36 =	vld [tilespmem:s25+$0x2000]  }
0x104: {  	[tilespmem:s13+$0xC180] =	vst v2;
	v55 =	vld [tilespmem:s25+$0x16000];
	v2 =	vadd.f32 v12, v6  }
0x105: {  	v6 =	vld [tilespmem:s22+$0x16200]  }
0x106: {  	s24 =	sor.u32 $0x300, s14;
	s14 =	simm.s32 $0x200;
	[tilespmem:s13+$0xC280] =	vst v2;
	v2 =	vld [tilespmem:s22+$0x16280];
	s13 =	simm.s32 $0x40  }
0x107: {  	s26 =	sand.u32 $0x1C00, s14;
	v5 =	vld [tilespmem:s24+$0x2000];
	s28 =	sand.u32 $0x60, s13  }
0x108: {  	v3 =	vld [tilespmem:s24+$0x16000];
	s15 =	sor.u32 s28, s26  }
0x109: {  	v37 =	vld [tilespmem:s15+$0x2010]  }
0x10a: {  	v38 =	vld [tilespmem:s15+$0x16010]  }
0x10b: {  	v39 =	vld [tilespmem:s15+$0x2090]  }
0x10c: {  	v40 =	vld [tilespmem:s15+$0x16090]  }
0x10d: {  	v41 =	vld [tilespmem:s15+$0x2110]  }
0x10e: {  	v42 =	vld [tilespmem:s15+$0x16110]  }
0x10f: {  	v43 =	vld [tilespmem:s15+$0x2190]  }
0x110: {  	v17 =	vadd.f32 v63, v25;
	v44 =	vld [tilespmem:s15+$0x16190]  }
0x111: {  	v1 =	vadd.f32 v13, v1;
	v45 =	vld [tilespmem:s15+$0x2210]  }
0x112: {  	[tilespmem:s22+$0xC000] =	vst v17;
	v59 =	vadd.f32 v34, v33;
	v46 =	vld [tilespmem:s15+$0x16210]  }
0x113: {  	v47 =	vld [tilespmem:s15+$0x2290];
	[tilespmem:s4+$0xC000] =	vst v1;
	v1 =	vadd.f32 v31, v29  }
0x114: {  	[tilespmem:s22+$0xC100] =	vst v59;
	v48 =	vld [tilespmem:s15+$0x16290];
	v10 =	vadd.f32 v38, v37  }
0x115: {  	v49 =	vld [tilespmem:s15+$0x2000];
	[tilespmem:s22+$0xC080] =	vst v1;
	v1 =	vadd.f32 v40, v39  }
0x116: {  	s18 =	simm.s32 $0x2;
	v50 =	vld [tilespmem:s15+$0x16000];
	v51 =	vadd.f32 v42, v41;
	[tilespmem:s15+$0xC010] =	vst v10  }
0x117: {  	v52 =	vld [tilespmem:s15+$0x2080];
	s4 =	sand.u32 $0x3, s18;
	[tilespmem:s15+$0xC090] =	vst v1;
	v1 =	vadd.f32 v44, v43  }
0x118: {  	v53 =	vld [tilespmem:s15+$0x16080];
	s26 =	sshll.u32 s4, $0x5;
	v54 =	vadd.f32 v46, v45;
	[tilespmem:s15+$0xC110] =	vst v51  }
0x119: {  	v56 =	vld [tilespmem:s15+$0x2100];
	s26 =	sadd.s32 $0x200, s26;
	[tilespmem:s15+$0xC190] =	vst v1;
	v1 =	vadd.f32 v48, v47  }
0x11a: {  	v4 =	vadd.f32 v7, v4;
	v58 =	vld [tilespmem:s15+$0x16100];
	s28 =	sadd.s32 $0x10, s26;
	[tilespmem:s15+$0xC210] =	vst v54  }
0x11b: {  	v60 =	vld [tilespmem:s15+$0x2180];
	v6 =	vadd.f32 v6, v35;
	s4 =	sor.u32 $0x300, s28;
	[tilespmem:s15+$0xC290] =	vst v1  }
0x11c: {  	[tilespmem:s22+$0xC180] =	vst v4;
	v0 =	vadd.f32 v2, v0;
	v61 =	vld [tilespmem:s4+$0x2000]  }
0x11d: {  	[tilespmem:s22+$0xC200] =	vst v6;
	v3 =	vadd.f32 v3, v5;
	v62 =	vld [tilespmem:s4+$0x16000]  }
0x11e: {  	v7 =	vld [tilespmem:s15+$0x16180];
	[tilespmem:s22+$0xC280] =	vst v0;
	v1 =	vadd.f32 v53, v52  }
0x11f: {  	v63 =	vld [tilespmem:s15+$0x2200];
	v0 =	vadd.f32 v55, v36;
	[tilespmem:s24+$0xC000] =	vst v3  }
0x120: {  	v2 =	vld [tilespmem:s15+$0x16200];
	[tilespmem:s15+$0xC080] =	vst v1;
	v1 =	vadd.f32 v58, v56  }
0x121: {  	v57 =	vadd.f32 v50, v49;
	v3 =	vld [tilespmem:s15+$0x16280];
	[tilespmem:s25+$0xC000] =	vst v0  }
0x122: {  	s16 =	sor.u32 s16, s17;
	s22 =	sor.u32 $0x300, s23;
	[tilespmem:s15+$0xC100] =	vst v1;
	v1 =	vld [tilespmem:s15+$0x2280];
	v4 =	vadd.f32 v62, v61  }
0x123: {  	s16 =	sor.u32 $0x380, s16;
	v5 =	vadd.f32 v7, v60;
	v0 =	vld [tilespmem:s22+$0x2000];
	[tilespmem:s15+$0xC000] =	vst v57  }
0x124: {  	s23 =	sor.u32 $0x380, s28;
	s24 =	sor.u32 s21, s20;
	s25 =	sor.u32 s14, s13;
	[tilespmem:s4+$0xC000] =	vst v4;
	v4 =	vld [tilespmem:s22+$0x16000]  }
0x125: {  	s21 =	sor.u32 $0x300, s26;
	s17 =	sor.u32 $0x380, s24;
	s20 =	sor.u32 $0x380, s25;
	[tilespmem:s15+$0xC180] =	vst v5;
	v5 =	vadd.f32 v2, v63;
	v2 =	vld [tilespmem:s23+$0x2000]  }
.LBB2_4:
0x126: {  	s13 =	sadd.s32 $0x20, s13;
	v6 =	vld [tilespmem:s23+$0x16000];
	s14 =	sadd.s32 $0x100, s14  }
0x127: {  	s4 =	sand.u32 $0x60, s13;
	s24 =	sand.u32 $0x1C00, s14;
	s25 =	sor.u32 s14, s13;
	[tilespmem:s15+$0xC200] =	vst v5;
	v1 =	vadd.f32 v3, v1;
	v3 =	vld [tilespmem:s16+$0x2000]  }
0x128: {  	p0 =	slt.u32 s13, $0x3E0;
	s4 =	sor.u32 s4, s24;
	s24 =	sor.u32 $0x380, s25;
	v5 =	vld [tilespmem:s16+$0x16000]  }
0x129: {  	v7 =	vld [tilespmem:s4+$0x2010];
	[tilespmem:s15+$0xC280] =	vst v1;
	v0 =	vadd.f32 v4, v0;
	s15 =	smov.u32 s4  }
0x12a: {  	v1 =	vld [tilespmem:s15+$0x16010]  }
0x12b: {  	v4 =	vld [tilespmem:s15+$0x2090];
	v2 =	vadd.f32 v6, v2;
	[tilespmem:s22+$0xC000] =	vst v0;
	s22 =	smov.u32 s21  }
0x12c: {  	v0 =	vld [tilespmem:s15+$0x16090]  }
0x12d: {  	v6 =	vld [tilespmem:s15+$0x2110];
	[tilespmem:s23+$0xC000] =	vst v2;
	v2 =	vadd.f32 v5, v3  }
0x12e: {  	v3 =	vld [tilespmem:s15+$0x16110]  }
0x12f: {  	v5 =	vld [tilespmem:s15+$0x2190];
	[tilespmem:s16+$0xC000] =	vst v2;
	s16 =	smov.u32 s17;
	s17 =	smov.u32 s20;
	s20 =	smov.u32 s24  }
0x130: {  	v2 =	vld [tilespmem:s15+$0x16190]  }
0x131: {  	v8 =	vld [tilespmem:s15+$0x2210]  }
0x132: {  	v9 =	vld [tilespmem:s15+$0x16210]  }
0x133: {  	v10 =	vld [tilespmem:s15+$0x2290]  }
0x134: {  	v1 =	vadd.f32 v1, v7;
	v7 =	vld [tilespmem:s15+$0x16290]  }
0x135: {  	v0 =	vadd.f32 v0, v4;
	v11 =	vld [tilespmem:s15+$0x2000]  }
0x136: {  	s18 =	sadd.s32 $0x1, s18;
	v4 =	vld [tilespmem:s15+$0x16000];
	[tilespmem:s15+$0xC010] =	vst v1;
	v1 =	vadd.f32 v3, v6  }
0x137: {  	s4 =	sand.u32 $0x3, s18;
	v3 =	vld [tilespmem:s15+$0x2080];
	[tilespmem:s15+$0xC090] =	vst v0;
	v0 =	vadd.f32 v2, v5  }
0x138: {  	s4 =	sshll.u32 s4, $0x5;
	v2 =	vld [tilespmem:s15+$0x16080];
	[tilespmem:s15+$0xC110] =	vst v1;
	v1 =	vadd.f32 v9, v8  }
0x139: {  	s4 =	sadd.s32 s4, s14;
	v5 =	vld [tilespmem:s15+$0x2100];
	[tilespmem:s15+$0xC190] =	vst v0;
	v0 =	vadd.f32 v7, v10  }
0x13a: {  	s21 =	sor.u32 $0x300, s4;
	s4 =	sadd.s32 $0x10, s4;
	v6 =	vld [tilespmem:s15+$0x16100];
	[tilespmem:s15+$0xC210] =	vst v1  }
0x13b: {  	s23 =	sor.u32 $0x300, s4;
	v1 =	vadd.f32 v4, v11;
	v4 =	vld [tilespmem:s15+$0x2180];
	[tilespmem:s15+$0xC290] =	vst v0  }
0x13c: {  	v0 =	vld [tilespmem:s23+$0x2000]  }
0x13d: {  	[tilespmem:s15+$0xC000] =	vst v1;
	v1 =	vadd.f32 v2, v3;
	v2 =	vld [tilespmem:s23+$0x16000]  }
0x13e: {  	v7 =	vld [tilespmem:s15+$0x16180]  }
0x13f: {  	[tilespmem:s15+$0xC080] =	vst v1;
	v1 =	vadd.f32 v6, v5;
	v5 =	vld [tilespmem:s15+$0x2200]  }
0x140: {  	v6 =	vld [tilespmem:s15+$0x16200]  }
.Ltmp1:
0x141: {  	[tilespmem:s15+$0xC100] =	vst v1;
	v1 =	vld [tilespmem:s15+$0x2280];
	(pc) =	sbr.rel @p0 .LBB2_4-.Ltmp1, $4  }
0x142: {  	v3 =	vld [tilespmem:s15+$0x16280];
	v2 =	vadd.f32 v2, v0  }
0x143: {  	v7 =	vadd.f32 v7, v4;
	v0 =	vld [tilespmem:s22+$0x2000]  }
0x144: {  	[tilespmem:s23+$0xC000] =	vst v2;
	s23 =	sor.u32 $0x380, s4;
	v4 =	vld [tilespmem:s22+$0x16000]  }
0x145: {  	[tilespmem:s15+$0xC180] =	vst v7;
	v5 =	vadd.f32 v6, v5;
	v2 =	vld [tilespmem:s23+$0x2000]  }
0x146: {  	_ = 	snop  }
0x147: {  	v1 =	vadd.f32 v3, v1  }
0x148: {  	[tilespmem:s15+$0xC200] =	vst v5  }
0x149: {  	[tilespmem:s15+$0xC280] =	vst v1  }
0x14a: {  	v1 =	vld [tilespmem:s21+$0x2000]  }
0x14b: {  	v3 =	vld [tilespmem:s21+$0x16000];
	_ =	sdelay $0x2  }
0x14c: {  	v6 =	vld [tilespmem:s16+$0x16000];
	v0 =	vadd.f32 v4, v0  }
0x14d: {  	v5 =	vld [tilespmem:s23+$0x16000]  }
0x14e: {  	v4 =	vld [tilespmem:s16+$0x2000];
	[tilespmem:s22+$0xC000] =	vst v0;
	v0 =	vadd.f32 v3, v1  }
0x14f: {  	v1 =	vld [tilespmem:s17+$0x2000]  }
0x150: {  	v3 =	vld [tilespmem:s17+$0x16000];
	[tilespmem:s21+$0xC000] =	vst v0  }
0x151: {  	v0 =	vld [tilespmem:s20+$0x2000]  }
0x152: {  	v7 =	vld [tilespmem:s20+$0x16000];
	_ =	sdelay $0x1  }
0x153: {  	v2 =	vadd.f32 v5, v2  }
0x154: {  	v4 =	vadd.f32 v6, v4  }
0x155: {  	[tilespmem:s23+$0xC000] =	vst v2;
	v1 =	vadd.f32 v3, v1  }
0x156: {  	[tilespmem:s16+$0xC000] =	vst v4;
	v0 =	vadd.f32 v7, v0  }
0x157: {  	[tilespmem:s17+$0xC000] =	vst v1  }
0x158: {  	[tilespmem:s20+$0xC000] =	vst v0  }
0x159: {  	s13 =	simm.s32 $0xC000;
	s16 =	simm.s32 $0x0;
	s4 =	rddreg [dreg:$0x10]  }
0x15a: {  	[hbm4b:s4+s16] =	stream.linear.scatter [tilespmem:s13], [sflag:$0x7], $0x2000, $0x38;
	[tilespmem:$0x1E000] =	vst v63  }
0x15b: {  	s15 =	simm.s32 $0x2000;
	s14 =	rddreg [dreg:$0x11]  }
0x15c: {  	[tilespmem:s15], [sflag:$0x2] =	stream.linear.gather [hbm4b:s14+s16], $0x2000, $0x38;
	[tilespmem:$0x1E000] =	vst v63  }
0x15d: {  	s18 =	simm.s32 $0x16000;
	s17 =	rddreg [dreg:$0x15]  }
0x15e: {  	[tilespmem:s18], [sflag:$0xC] =	stream.linear.gather [hbm4b:s17+s16], $0x2000, $0x38;
	[tilespmem:$0x1E000] =	vst v63  }
0x15f: {  	_ =	swait.ge [sflag:s2], $0x2000  }
0x160: {  	[sflag:s2] =	ssyncset.done $0x0  }
0x161: {  	[sflag:s2] =	ssyncadd.s32 $0xFFFFE000  }
0x162: {  	s17 =	simm.s32 $0x0;
	_ =	swait.ge [sflag:s0], $0x2000  }
0x163: {  	s21 =	sand.u32 $0x1C00, s16;
	s20 =	sand.u32 $0x60, s17;
	[sflag:s0] =	ssyncset.done $0x0  }
0x164: {  	s13 =	sor.u32 s20, s21;
	[sflag:s0] =	ssyncadd.s32 $0xFFFFE000  }
0x165: {  	v0 =	vld [tilespmem:s13+$0x4010]  }
0x166: {  	v1 =	vld [tilespmem:s13+$0x18010]  }
0x167: {  	v2 =	vld [tilespmem:s13+$0x4090]  }
0x168: {  	v3 =	vld [tilespmem:s13+$0x18090]  }
0x169: {  	v4 =	vld [tilespmem:s13+$0x4110]  }
0x16a: {  	v5 =	vld [tilespmem:s13+$0x18110]  }
0x16b: {  	v6 =	vld [tilespmem:s13+$0x4190]  }
0x16c: {  	v7 =	vld [tilespmem:s13+$0x18190]  }
0x16d: {  	v8 =	vld [tilespmem:s13+$0x4210]  }
0x16e: {  	v9 =	vld [tilespmem:s13+$0x18210]  }
0x16f: {  	v10 =	vld [tilespmem:s13+$0x4290]  }
0x170: {  	v59 =	vld [tilespmem:s13+$0x4180]  }
0x171: {  	v60 =	vld [tilespmem:s13+$0x18180]  }
0x172: {  	s20 =	simm.s32 $0x20;
	s21 =	simm.s32 $0x100;
	v61 =	vld [tilespmem:s13+$0x4200]  }
0x173: {  	s22 =	sand.u32 $0x3, s16;
	s24 =	sand.u32 $0x60, s20;
	s25 =	sand.u32 $0x1C00, s21;
	v11 =	vld [tilespmem:s13+$0x18200]  }
0x174: {  	s4 =	sshll.u32 s22, $0x5;
	s22 =	sor.u32 s24, s25;
	v12 =	vld [tilespmem:s13+$0x18280]  }
0x175: {  	v14 =	vld [tilespmem:s22+$0x4010]  }
0x176: {  	v15 =	vld [tilespmem:s22+$0x18010]  }
0x177: {  	v16 =	vld [tilespmem:s22+$0x4090]  }
0x178: {  	v17 =	vld [tilespmem:s22+$0x18090]  }
0x179: {  	v18 =	vld [tilespmem:s22+$0x4110]  }
0x17a: {  	v19 =	vld [tilespmem:s22+$0x18110]  }
0x17b: {  	v20 =	vld [tilespmem:s22+$0x4190]  }
0x17c: {  	v21 =	vld [tilespmem:s22+$0x18190]  }
0x17d: {  	v22 =	vld [tilespmem:s22+$0x4210]  }
0x17e: {  	v23 =	vld [tilespmem:s22+$0x18210]  }
0x17f: {  	v24 =	vld [tilespmem:s22+$0x4290]  }
0x180: {  	v62 =	vld [tilespmem:s22+$0x18290]  }
0x181: {  	v25 =	vld [tilespmem:s22+$0x4000]  }
0x182: {  	v0 =	vadd.f32 v1, v0;
	v1 =	vld [tilespmem:s13+$0x18290]  }
0x183: {  	v63 =	vld [tilespmem:s22+$0x18000];
	v2 =	vadd.f32 v3, v2  }
0x184: {  	v29 =	vld [tilespmem:s22+$0x4080];
	[tilespmem:s13+$0xE010] =	vst v0;
	v0 =	vadd.f32 v5, v4  }
0x185: {  	v31 =	vld [tilespmem:s22+$0x18080];
	[tilespmem:s13+$0xE090] =	vst v2;
	v2 =	vadd.f32 v7, v6  }
0x186: {  	v33 =	vld [tilespmem:s22+$0x4100];
	[tilespmem:s13+$0xE110] =	vst v0;
	v0 =	vadd.f32 v9, v8  }
0x187: {  	s14 =	sadd.s32 $0x0, s4;
	v3 =	vld [tilespmem:s13+$0x4000];
	[tilespmem:s13+$0xE190] =	vst v2;
	v1 =	vadd.f32 v1, v10  }
0x188: {  	s4 =	sadd.s32 $0x10, s14;
	v7 =	vld [tilespmem:s13+$0x18100];
	[tilespmem:s13+$0xE210] =	vst v0  }
0x189: {  	s23 =	sor.u32 $0x300, s4;
	v0 =	vld [tilespmem:s13+$0x4100];
	[tilespmem:s13+$0xE290] =	vst v1  }
0x18a: {  	v14 =	vadd.f32 v15, v14;
	v1 =	vld [tilespmem:s23+$0x4000]  }
0x18b: {  	v16 =	vadd.f32 v17, v16;
	v6 =	vld [tilespmem:s23+$0x18000]  }
0x18c: {  	v28 =	vadd.f32 v19, v18;
	v4 =	vld [tilespmem:s13+$0x18000];
	[tilespmem:s22+$0xE010] =	vst v14  }
0x18d: {  	v30 =	vadd.f32 v21, v20;
	v5 =	vld [tilespmem:s13+$0x4080];
	[tilespmem:s22+$0xE090] =	vst v16  }
0x18e: {  	v32 =	vadd.f32 v23, v22;
	[tilespmem:s22+$0xE110] =	vst v28;
	v2 =	vld [tilespmem:s13+$0x18080]  }
0x18f: {  	s26 =	simm.s32 $0x1;
	v34 =	vld [tilespmem:s22+$0x18100];
	[tilespmem:s22+$0xE190] =	vst v30;
	v0 =	vadd.f32 v7, v0  }
0x190: {  	s18 =	sor.u32 $0x380, s4;
	s4 =	sand.u32 $0x3, s26;
	v35 =	vld [tilespmem:s22+$0x4200];
	[tilespmem:s22+$0xE210] =	vst v32;
	v1 =	vadd.f32 v6, v1  }
0x191: {  	s4 =	sshll.u32 s4, $0x5;
	v15 =	vadd.f32 v62, v24;
	v3 =	vadd.f32 v4, v3;
	v4 =	vld [tilespmem:s22+$0x4180];
	[tilespmem:s13+$0xE100] =	vst v0  }
0x192: {  	v6 =	vld [tilespmem:s13+$0x4280];
	v0 =	vadd.f32 v11, v61;
	[tilespmem:s23+$0xE000] =	vst v1;
	s23 =	sadd.s32 $0x100, s4  }
0x193: {  	[tilespmem:s22+$0xE290] =	vst v15;
	v2 =	vadd.f32 v2, v5;
	v7 =	vld [tilespmem:s22+$0x18180];
	s4 =	sadd.s32 $0x10, s23  }
0x194: {  	[tilespmem:s13+$0xE200] =	vst v0;
	v0 =	vld [tilespmem:s22+$0x4280];
	s28 =	sor.u32 $0x300, s4  }
0x195: {  	[tilespmem:s13+$0xE080] =	vst v2;
	v2 =	vadd.f32 v60, v59;
	v5 =	vld [tilespmem:s28+$0x4000]  }
0x196: {  	[tilespmem:s13+$0xE000] =	vst v3;
	v3 =	vld [tilespmem:s28+$0x18000]  }
0x197: {  	[tilespmem:s13+$0xE180] =	vst v2;
	v1 =	vld [tilespmem:s18+$0x4000];
	v2 =	vadd.f32 v12, v6  }
0x198: {  	v13 =	vld [tilespmem:s18+$0x18000]  }
0x199: {  	s24 =	sor.u32 $0x300, s14;
	s14 =	simm.s32 $0x200;
	v6 =	vld [tilespmem:s22+$0x18200];
	[tilespmem:s13+$0xE280] =	vst v2;
	s13 =	simm.s32 $0x40  }
0x19a: {  	s26 =	sand.u32 $0x1C00, s14;
	v2 =	vld [tilespmem:s22+$0x18280];
	s15 =	sand.u32 $0x60, s13  }
0x19b: {  	s15 =	sor.u32 s15, s26;
	v3 =	vadd.f32 v3, v5;
	v5 =	vld [tilespmem:s24+$0x4000]  }
0x19c: {  	v37 =	vld [tilespmem:s15+$0x4010]  }
0x19d: {  	v38 =	vld [tilespmem:s15+$0x18010]  }
0x19e: {  	v39 =	vld [tilespmem:s15+$0x4090]  }
0x19f: {  	v40 =	vld [tilespmem:s15+$0x18090]  }
0x1a0: {  	v41 =	vld [tilespmem:s15+$0x4110]  }
0x1a1: {  	v42 =	vld [tilespmem:s15+$0x18110]  }
0x1a2: {  	v43 =	vld [tilespmem:s15+$0x4190]  }
0x1a3: {  	v44 =	vld [tilespmem:s15+$0x18190]  }
0x1a4: {  	v45 =	vld [tilespmem:s15+$0x4210]  }
0x1a5: {  	v17 =	vadd.f32 v63, v25;
	v46 =	vld [tilespmem:s15+$0x18210]  }
0x1a6: {  	v59 =	vadd.f32 v34, v33;
	v47 =	vld [tilespmem:s15+$0x4290]  }
0x1a7: {  	[tilespmem:s22+$0xE000] =	vst v17;
	v1 =	vadd.f32 v13, v1;
	v48 =	vld [tilespmem:s15+$0x18290]  }
0x1a8: {  	[tilespmem:s22+$0xE100] =	vst v59;
	v49 =	vld [tilespmem:s15+$0x4000]  }
0x1a9: {  	[tilespmem:s18+$0xE000] =	vst v1;
	v1 =	vadd.f32 v31, v29;
	v50 =	vld [tilespmem:s15+$0x18000]  }
0x1aa: {  	v52 =	vld [tilespmem:s15+$0x4080];
	[tilespmem:s28+$0xE000] =	vst v3;
	v10 =	vadd.f32 v38, v37  }
0x1ab: {  	v53 =	vld [tilespmem:s15+$0x18080];
	[tilespmem:s22+$0xE080] =	vst v1;
	v1 =	vadd.f32 v40, v39  }
0x1ac: {  	s18 =	simm.s32 $0x2;
	v56 =	vld [tilespmem:s15+$0x4100];
	v51 =	vadd.f32 v42, v41;
	[tilespmem:s15+$0xE010] =	vst v10  }
0x1ad: {  	v58 =	vld [tilespmem:s15+$0x18100];
	s28 =	sand.u32 $0x3, s18;
	[tilespmem:s15+$0xE090] =	vst v1;
	v1 =	vadd.f32 v44, v43  }
0x1ae: {  	s25 =	sor.u32 $0x380, s4;
	v60 =	vld [tilespmem:s15+$0x4180];
	s4 =	sshll.u32 s28, $0x5;
	v54 =	vadd.f32 v46, v45;
	[tilespmem:s15+$0xE110] =	vst v51  }
0x1af: {  	v3 =	vld [tilespmem:s24+$0x18000];
	s4 =	sadd.s32 $0x200, s4;
	[tilespmem:s15+$0xE190] =	vst v1;
	v1 =	vadd.f32 v48, v47  }
0x1b0: {  	v4 =	vadd.f32 v7, v4;
	v36 =	vld [tilespmem:s25+$0x4000];
	s26 =	sadd.s32 $0x10, s4;
	[tilespmem:s15+$0xE210] =	vst v54  }
0x1b1: {  	v6 =	vadd.f32 v6, v35;
	v55 =	vld [tilespmem:s25+$0x18000];
	s28 =	sor.u32 $0x300, s26;
	[tilespmem:s15+$0xE290] =	vst v1  }
0x1b2: {  	[tilespmem:s22+$0xE180] =	vst v4;
	v0 =	vadd.f32 v2, v0;
	v61 =	vld [tilespmem:s28+$0x4000]  }
0x1b3: {  	[tilespmem:s22+$0xE200] =	vst v6;
	v57 =	vadd.f32 v50, v49;
	v62 =	vld [tilespmem:s28+$0x18000]  }
0x1b4: {  	v7 =	vld [tilespmem:s15+$0x18180];
	[tilespmem:s22+$0xE280] =	vst v0;
	v1 =	vadd.f32 v53, v52  }
0x1b5: {  	v63 =	vld [tilespmem:s15+$0x4200];
	[tilespmem:s15+$0xE000] =	vst v57;
	v3 =	vadd.f32 v3, v5  }
0x1b6: {  	v2 =	vld [tilespmem:s15+$0x18200];
	[tilespmem:s15+$0xE080] =	vst v1;
	v1 =	vadd.f32 v58, v56  }
0x1b7: {  	v0 =	vadd.f32 v55, v36;
	[tilespmem:s24+$0xE000] =	vst v3;
	v3 =	vld [tilespmem:s15+$0x18280]  }
0x1b8: {  	s16 =	sor.u32 s16, s17;
	s22 =	sor.u32 $0x300, s23;
	[tilespmem:s15+$0xE100] =	vst v1;
	v1 =	vld [tilespmem:s15+$0x4280];
	v4 =	vadd.f32 v62, v61  }
0x1b9: {  	s16 =	sor.u32 $0x380, s16;
	v5 =	vadd.f32 v7, v60;
	[tilespmem:s25+$0xE000] =	vst v0;
	v0 =	vld [tilespmem:s22+$0x4000]  }
0x1ba: {  	s23 =	sor.u32 $0x380, s26;
	s24 =	sor.u32 s21, s20;
	s25 =	sor.u32 s14, s13;
	[tilespmem:s28+$0xE000] =	vst v4;
	v4 =	vld [tilespmem:s22+$0x18000]  }
0x1bb: {  	s21 =	sor.u32 $0x300, s4;
	[tilespmem:s15+$0xE180] =	vst v5;
	v5 =	vadd.f32 v2, v63;
	s17 =	sor.u32 $0x380, s24;
	s20 =	sor.u32 $0x380, s25;
	v2 =	vld [tilespmem:s23+$0x4000]  }
.LBB2_6:
0x1bc: {  	s13 =	sadd.s32 $0x20, s13;
	v6 =	vld [tilespmem:s23+$0x18000];
	s14 =	sadd.s32 $0x100, s14  }
0x1bd: {  	s4 =	sand.u32 $0x60, s13;
	s24 =	sand.u32 $0x1C00, s14;
	s25 =	sor.u32 s14, s13;
	[tilespmem:s15+$0xE200] =	vst v5;
	v1 =	vadd.f32 v3, v1;
	v3 =	vld [tilespmem:s16+$0x4000]  }
0x1be: {  	p0 =	slt.u32 s13, $0x3E0;
	s4 =	sor.u32 s4, s24;
	s24 =	sor.u32 $0x380, s25;
	v5 =	vld [tilespmem:s16+$0x18000]  }
0x1bf: {  	v7 =	vld [tilespmem:s4+$0x4010];
	[tilespmem:s15+$0xE280] =	vst v1;
	v0 =	vadd.f32 v4, v0;
	s15 =	smov.u32 s4  }
0x1c0: {  	v1 =	vld [tilespmem:s15+$0x18010]  }
0x1c1: {  	v4 =	vld [tilespmem:s15+$0x4090];
	v2 =	vadd.f32 v6, v2;
	[tilespmem:s22+$0xE000] =	vst v0;
	s22 =	smov.u32 s21  }
0x1c2: {  	v0 =	vld [tilespmem:s15+$0x18090]  }
0x1c3: {  	v6 =	vld [tilespmem:s15+$0x4110];
	[tilespmem:s23+$0xE000] =	vst v2;
	v2 =	vadd.f32 v5, v3  }
0x1c4: {  	v3 =	vld [tilespmem:s15+$0x18110]  }
0x1c5: {  	v5 =	vld [tilespmem:s15+$0x4190];
	[tilespmem:s16+$0xE000] =	vst v2;
	s16 =	smov.u32 s17;
	s17 =	smov.u32 s20;
	s20 =	smov.u32 s24  }
0x1c6: {  	v2 =	vld [tilespmem:s15+$0x18190]  }
0x1c7: {  	v8 =	vld [tilespmem:s15+$0x4210]  }
0x1c8: {  	v9 =	vld [tilespmem:s15+$0x18210]  }
0x1c9: {  	v10 =	vld [tilespmem:s15+$0x4290]  }
0x1ca: {  	v1 =	vadd.f32 v1, v7;
	v7 =	vld [tilespmem:s15+$0x18290]  }
0x1cb: {  	v0 =	vadd.f32 v0, v4;
	v11 =	vld [tilespmem:s15+$0x4000]  }
0x1cc: {  	s18 =	sadd.s32 $0x1, s18;
	v4 =	vld [tilespmem:s15+$0x18000];
	[tilespmem:s15+$0xE010] =	vst v1;
	v1 =	vadd.f32 v3, v6  }
0x1cd: {  	s4 =	sand.u32 $0x3, s18;
	v3 =	vld [tilespmem:s15+$0x4080];
	[tilespmem:s15+$0xE090] =	vst v0;
	v0 =	vadd.f32 v2, v5  }
0x1ce: {  	s4 =	sshll.u32 s4, $0x5;
	v2 =	vld [tilespmem:s15+$0x18080];
	[tilespmem:s15+$0xE110] =	vst v1;
	v1 =	vadd.f32 v9, v8  }
0x1cf: {  	s4 =	sadd.s32 s4, s14;
	v5 =	vld [tilespmem:s15+$0x4100];
	[tilespmem:s15+$0xE190] =	vst v0;
	v0 =	vadd.f32 v7, v10  }
0x1d0: {  	s21 =	sor.u32 $0x300, s4;
	s4 =	sadd.s32 $0x10, s4;
	v6 =	vld [tilespmem:s15+$0x18100];
	[tilespmem:s15+$0xE210] =	vst v1  }
0x1d1: {  	s23 =	sor.u32 $0x300, s4;
	v1 =	vadd.f32 v4, v11;
	v4 =	vld [tilespmem:s15+$0x4180];
	[tilespmem:s15+$0xE290] =	vst v0  }
0x1d2: {  	v0 =	vld [tilespmem:s23+$0x4000]  }
0x1d3: {  	[tilespmem:s15+$0xE000] =	vst v1;
	v1 =	vadd.f32 v2, v3;
	v2 =	vld [tilespmem:s23+$0x18000]  }
0x1d4: {  	v7 =	vld [tilespmem:s15+$0x18180]  }
0x1d5: {  	[tilespmem:s15+$0xE080] =	vst v1;
	v1 =	vadd.f32 v6, v5;
	v5 =	vld [tilespmem:s15+$0x4200]  }
0x1d6: {  	v6 =	vld [tilespmem:s15+$0x18200]  }
.Ltmp2:
0x1d7: {  	[tilespmem:s15+$0xE100] =	vst v1;
	v1 =	vld [tilespmem:s15+$0x4280];
	(pc) =	sbr.rel @p0 .LBB2_6-.Ltmp2, $4  }
0x1d8: {  	v3 =	vld [tilespmem:s15+$0x18280];
	v2 =	vadd.f32 v2, v0  }
0x1d9: {  	v7 =	vadd.f32 v7, v4;
	v0 =	vld [tilespmem:s22+$0x4000]  }
0x1da: {  	[tilespmem:s23+$0xE000] =	vst v2;
	s23 =	sor.u32 $0x380, s4;
	v4 =	vld [tilespmem:s22+$0x18000]  }
0x1db: {  	[tilespmem:s15+$0xE180] =	vst v7;
	v5 =	vadd.f32 v6, v5;
	v2 =	vld [tilespmem:s23+$0x4000]  }
0x1dc: {  	_ = 	snop  }
0x1dd: {  	v1 =	vadd.f32 v3, v1  }
0x1de: {  	[tilespmem:s15+$0xE200] =	vst v5  }
0x1df: {  	[tilespmem:s15+$0xE280] =	vst v1  }
0x1e0: {  	v1 =	vld [tilespmem:s21+$0x4000]  }
0x1e1: {  	v3 =	vld [tilespmem:s21+$0x18000];
	_ =	sdelay $0x2  }
0x1e2: {  	v6 =	vld [tilespmem:s16+$0x18000];
	v0 =	vadd.f32 v4, v0  }
0x1e3: {  	v5 =	vld [tilespmem:s23+$0x18000]  }
0x1e4: {  	v4 =	vld [tilespmem:s16+$0x4000];
	[tilespmem:s22+$0xE000] =	vst v0;
	v0 =	vadd.f32 v3, v1  }
0x1e5: {  	v1 =	vld [tilespmem:s17+$0x4000]  }
0x1e6: {  	v3 =	vld [tilespmem:s17+$0x18000];
	[tilespmem:s21+$0xE000] =	vst v0  }
0x1e7: {  	v0 =	vld [tilespmem:s20+$0x4000]  }
0x1e8: {  	v7 =	vld [tilespmem:s20+$0x18000];
	_ =	sdelay $0x1  }
0x1e9: {  	v2 =	vadd.f32 v5, v2  }
0x1ea: {  	v4 =	vadd.f32 v6, v4  }
0x1eb: {  	[tilespmem:s23+$0xE000] =	vst v2;
	v1 =	vadd.f32 v3, v1  }
0x1ec: {  	[tilespmem:s16+$0xE000] =	vst v4;
	v0 =	vadd.f32 v7, v0  }
0x1ed: {  	[tilespmem:s17+$0xE000] =	vst v1  }
0x1ee: {  	[tilespmem:s20+$0xE000] =	vst v0  }
0x1ef: {  	s13 =	simm.s32 $0xE000;
	s16 =	simm.s32 $0x0;
	s4 =	rddreg [dreg:$0x12]  }
0x1f0: {  	[hbm4b:s4+s16] =	stream.linear.scatter [tilespmem:s13], [sflag:$0x8], $0x2000, $0x38;
	[tilespmem:$0x1E000] =	vst v63  }
0x1f1: {  	s14 =	simm.s32 $0x4000;
	s13 =	rddreg [dreg:$0x13]  }
0x1f2: {  	[tilespmem:s14], [sflag:$0x3] =	stream.linear.gather [hbm4b:s13+s16], $0x2000, $0x38;
	[tilespmem:$0x1E000] =	vst v63  }
0x1f3: {  	s18 =	simm.s32 $0x4;
	s17 =	simm.s32 $0x18000;
	s15 =	rddreg [dreg:$0x16]  }
0x1f4: {  	[tilespmem:s17], [sflag:$0xD] =	stream.linear.gather [hbm4b:s15+s16], $0x2000, $0x38;
	[tilespmem:$0x1E000] =	vst v63  }
0x1f5: {  	_ =	swait.ge [sflag:s18], $0x2000  }
0x1f6: {  	[sflag:s18] =	ssyncset.done $0x0  }
0x1f7: {  	[sflag:s18] =	ssyncadd.s32 $0xFFFFE000  }
0x1f8: {  	s17 =	simm.s32 $0x0;
	_ =	swait.ge [sflag:s3], $0x2000  }
0x1f9: {  	s21 =	sand.u32 $0x1C00, s16;
	s20 =	sand.u32 $0x60, s17;
	[sflag:s3] =	ssyncset.done $0x0  }
0x1fa: {  	s13 =	sor.u32 s20, s21;
	[sflag:s3] =	ssyncadd.s32 $0xFFFFE000  }
0x1fb: {  	v0 =	vld [tilespmem:s13+$0x6010]  }
0x1fc: {  	v1 =	vld [tilespmem:s13+$0x1A010]  }
0x1fd: {  	v2 =	vld [tilespmem:s13+$0x6090]  }
0x1fe: {  	v3 =	vld [tilespmem:s13+$0x1A090]  }
0x1ff: {  	v4 =	vld [tilespmem:s13+$0x6110]  }
0x200: {  	v5 =	vld [tilespmem:s13+$0x1A110]  }
0x201: {  	v6 =	vld [tilespmem:s13+$0x6190]  }
0x202: {  	v7 =	vld [tilespmem:s13+$0x1A190]  }
0x203: {  	v8 =	vld [tilespmem:s13+$0x6210]  }
0x204: {  	v9 =	vld [tilespmem:s13+$0x1A210]  }
0x205: {  	v10 =	vld [tilespmem:s13+$0x6290]  }
0x206: {  	v59 =	vld [tilespmem:s13+$0x6180]  }
0x207: {  	v60 =	vld [tilespmem:s13+$0x1A180]  }
0x208: {  	s20 =	simm.s32 $0x20;
	s21 =	simm.s32 $0x100;
	v61 =	vld [tilespmem:s13+$0x6200]  }
0x209: {  	s22 =	sand.u32 $0x3, s16;
	s24 =	sand.u32 $0x60, s20;
	s25 =	sand.u32 $0x1C00, s21;
	v11 =	vld [tilespmem:s13+$0x1A200]  }
0x20a: {  	s4 =	sshll.u32 s22, $0x5;
	s22 =	sor.u32 s24, s25;
	v12 =	vld [tilespmem:s13+$0x1A280]  }
0x20b: {  	v14 =	vld [tilespmem:s22+$0x6010]  }
0x20c: {  	v15 =	vld [tilespmem:s22+$0x1A010]  }
0x20d: {  	v16 =	vld [tilespmem:s22+$0x6090]  }
0x20e: {  	v17 =	vld [tilespmem:s22+$0x1A090]  }
0x20f: {  	v18 =	vld [tilespmem:s22+$0x6110]  }
0x210: {  	v19 =	vld [tilespmem:s22+$0x1A110]  }
0x211: {  	v20 =	vld [tilespmem:s22+$0x6190]  }
0x212: {  	v21 =	vld [tilespmem:s22+$0x1A190]  }
0x213: {  	v22 =	vld [tilespmem:s22+$0x6210]  }
0x214: {  	v23 =	vld [tilespmem:s22+$0x1A210]  }
0x215: {  	v24 =	vld [tilespmem:s22+$0x6290]  }
0x216: {  	v62 =	vld [tilespmem:s22+$0x1A290]  }
0x217: {  	v25 =	vld [tilespmem:s22+$0x6000]  }
0x218: {  	v0 =	vadd.f32 v1, v0;
	v1 =	vld [tilespmem:s13+$0x1A290]  }
0x219: {  	v63 =	vld [tilespmem:s22+$0x1A000];
	v2 =	vadd.f32 v3, v2  }
0x21a: {  	v29 =	vld [tilespmem:s22+$0x6080];
	[tilespmem:s13+$0x10010] =	vst v0;
	v0 =	vadd.f32 v5, v4  }
0x21b: {  	v31 =	vld [tilespmem:s22+$0x1A080];
	[tilespmem:s13+$0x10090] =	vst v2;
	v2 =	vadd.f32 v7, v6  }
0x21c: {  	v33 =	vld [tilespmem:s22+$0x6100];
	[tilespmem:s13+$0x10110] =	vst v0;
	v0 =	vadd.f32 v9, v8  }
0x21d: {  	s14 =	sadd.s32 $0x0, s4;
	v3 =	vld [tilespmem:s13+$0x6000];
	[tilespmem:s13+$0x10190] =	vst v2;
	v1 =	vadd.f32 v1, v10  }
0x21e: {  	s4 =	sadd.s32 $0x10, s14;
	v7 =	vld [tilespmem:s13+$0x1A100];
	[tilespmem:s13+$0x10210] =	vst v0  }
0x21f: {  	s23 =	sor.u32 $0x300, s4;
	v0 =	vld [tilespmem:s13+$0x6100];
	[tilespmem:s13+$0x10290] =	vst v1  }
0x220: {  	v14 =	vadd.f32 v15, v14;
	v1 =	vld [tilespmem:s23+$0x6000]  }
0x221: {  	v16 =	vadd.f32 v17, v16;
	v6 =	vld [tilespmem:s23+$0x1A000]  }
0x222: {  	v28 =	vadd.f32 v19, v18;
	v4 =	vld [tilespmem:s13+$0x1A000];
	[tilespmem:s22+$0x10010] =	vst v14  }
0x223: {  	v30 =	vadd.f32 v21, v20;
	v5 =	vld [tilespmem:s13+$0x6080];
	[tilespmem:s22+$0x10090] =	vst v16  }
0x224: {  	v32 =	vadd.f32 v23, v22;
	[tilespmem:s22+$0x10110] =	vst v28;
	v2 =	vld [tilespmem:s13+$0x1A080]  }
0x225: {  	s26 =	simm.s32 $0x1;
	v34 =	vld [tilespmem:s22+$0x1A100];
	[tilespmem:s22+$0x10190] =	vst v30;
	v0 =	vadd.f32 v7, v0  }
0x226: {  	s18 =	sor.u32 $0x380, s4;
	s4 =	sand.u32 $0x3, s26;
	v35 =	vld [tilespmem:s22+$0x6200];
	[tilespmem:s22+$0x10210] =	vst v32;
	v1 =	vadd.f32 v6, v1  }
0x227: {  	s4 =	sshll.u32 s4, $0x5;
	v15 =	vadd.f32 v62, v24;
	v3 =	vadd.f32 v4, v3;
	v4 =	vld [tilespmem:s22+$0x6180];
	[tilespmem:s13+$0x10100] =	vst v0  }
0x228: {  	v6 =	vld [tilespmem:s13+$0x6280];
	v0 =	vadd.f32 v11, v61;
	[tilespmem:s23+$0x10000] =	vst v1;
	s23 =	sadd.s32 $0x100, s4  }
0x229: {  	[tilespmem:s22+$0x10290] =	vst v15;
	v2 =	vadd.f32 v2, v5;
	v7 =	vld [tilespmem:s22+$0x1A180];
	s4 =	sadd.s32 $0x10, s23  }
0x22a: {  	[tilespmem:s13+$0x10200] =	vst v0;
	v0 =	vld [tilespmem:s22+$0x6280];
	s28 =	sor.u32 $0x300, s4  }
0x22b: {  	[tilespmem:s13+$0x10080] =	vst v2;
	v2 =	vadd.f32 v60, v59;
	v5 =	vld [tilespmem:s28+$0x6000]  }
0x22c: {  	[tilespmem:s13+$0x10000] =	vst v3;
	v3 =	vld [tilespmem:s28+$0x1A000]  }
0x22d: {  	[tilespmem:s13+$0x10180] =	vst v2;
	v1 =	vld [tilespmem:s18+$0x6000];
	v2 =	vadd.f32 v12, v6  }
0x22e: {  	v13 =	vld [tilespmem:s18+$0x1A000]  }
0x22f: {  	s24 =	sor.u32 $0x300, s14;
	s14 =	simm.s32 $0x200;
	v6 =	vld [tilespmem:s22+$0x1A200];
	[tilespmem:s13+$0x10280] =	vst v2;
	s13 =	simm.s32 $0x40  }
0x230: {  	s26 =	sand.u32 $0x1C00, s14;
	v2 =	vld [tilespmem:s22+$0x1A280];
	s15 =	sand.u32 $0x60, s13  }
0x231: {  	s15 =	sor.u32 s15, s26;
	v3 =	vadd.f32 v3, v5;
	v5 =	vld [tilespmem:s24+$0x6000]  }
0x232: {  	v37 =	vld [tilespmem:s15+$0x6010]  }
0x233: {  	v38 =	vld [tilespmem:s15+$0x1A010]  }
0x234: {  	v39 =	vld [tilespmem:s15+$0x6090]  }
0x235: {  	v40 =	vld [tilespmem:s15+$0x1A090]  }
0x236: {  	v41 =	vld [tilespmem:s15+$0x6110]  }
0x237: {  	v42 =	vld [tilespmem:s15+$0x1A110]  }
0x238: {  	v43 =	vld [tilespmem:s15+$0x6190]  }
0x239: {  	v44 =	vld [tilespmem:s15+$0x1A190]  }
0x23a: {  	v45 =	vld [tilespmem:s15+$0x6210]  }
0x23b: {  	v17 =	vadd.f32 v63, v25;
	v46 =	vld [tilespmem:s15+$0x1A210]  }
0x23c: {  	v59 =	vadd.f32 v34, v33;
	v47 =	vld [tilespmem:s15+$0x6290]  }
0x23d: {  	[tilespmem:s22+$0x10000] =	vst v17;
	v1 =	vadd.f32 v13, v1;
	v48 =	vld [tilespmem:s15+$0x1A290]  }
0x23e: {  	[tilespmem:s22+$0x10100] =	vst v59;
	v49 =	vld [tilespmem:s15+$0x6000]  }
0x23f: {  	[tilespmem:s18+$0x10000] =	vst v1;
	v1 =	vadd.f32 v31, v29;
	v50 =	vld [tilespmem:s15+$0x1A000]  }
0x240: {  	v52 =	vld [tilespmem:s15+$0x6080];
	[tilespmem:s28+$0x10000] =	vst v3;
	v10 =	vadd.f32 v38, v37  }
0x241: {  	v53 =	vld [tilespmem:s15+$0x1A080];
	[tilespmem:s22+$0x10080] =	vst v1;
	v1 =	vadd.f32 v40, v39  }
0x242: {  	s18 =	simm.s32 $0x2;
	v56 =	vld [tilespmem:s15+$0x6100];
	v51 =	vadd.f32 v42, v41;
	[tilespmem:s15+$0x10010] =	vst v10  }
0x243: {  	v58 =	vld [tilespmem:s15+$0x1A100];
	s28 =	sand.u32 $0x3, s18;
	[tilespmem:s15+$0x10090] =	vst v1;
	v1 =	vadd.f32 v44, v43  }
0x244: {  	s25 =	sor.u32 $0x380, s4;
	v60 =	vld [tilespmem:s15+$0x6180];
	s4 =	sshll.u32 s28, $0x5;
	v54 =	vadd.f32 v46, v45;
	[tilespmem:s15+$0x10110] =	vst v51  }
0x245: {  	v3 =	vld [tilespmem:s24+$0x1A000];
	s4 =	sadd.s32 $0x200, s4;
	[tilespmem:s15+$0x10190] =	vst v1;
	v1 =	vadd.f32 v48, v47  }
0x246: {  	v4 =	vadd.f32 v7, v4;
	v36 =	vld [tilespmem:s25+$0x6000];
	s26 =	sadd.s32 $0x10, s4;
	[tilespmem:s15+$0x10210] =	vst v54  }
0x247: {  	v6 =	vadd.f32 v6, v35;
	v55 =	vld [tilespmem:s25+$0x1A000];
	s28 =	sor.u32 $0x300, s26;
	[tilespmem:s15+$0x10290] =	vst v1  }
0x248: {  	[tilespmem:s22+$0x10180] =	vst v4;
	v0 =	vadd.f32 v2, v0;
	v61 =	vld [tilespmem:s28+$0x6000]  }
0x249: {  	[tilespmem:s22+$0x10200] =	vst v6;
	v57 =	vadd.f32 v50, v49;
	v62 =	vld [tilespmem:s28+$0x1A000]  }
0x24a: {  	v7 =	vld [tilespmem:s15+$0x1A180];
	[tilespmem:s22+$0x10280] =	vst v0;
	v1 =	vadd.f32 v53, v52  }
0x24b: {  	v63 =	vld [tilespmem:s15+$0x6200];
	[tilespmem:s15+$0x10000] =	vst v57;
	v3 =	vadd.f32 v3, v5  }
0x24c: {  	v2 =	vld [tilespmem:s15+$0x1A200];
	[tilespmem:s15+$0x10080] =	vst v1;
	v1 =	vadd.f32 v58, v56  }
0x24d: {  	v0 =	vadd.f32 v55, v36;
	[tilespmem:s24+$0x10000] =	vst v3;
	v3 =	vld [tilespmem:s15+$0x1A280]  }
0x24e: {  	s16 =	sor.u32 s16, s17;
	s22 =	sor.u32 $0x300, s23;
	[tilespmem:s15+$0x10100] =	vst v1;
	v1 =	vld [tilespmem:s15+$0x6280];
	v4 =	vadd.f32 v62, v61  }
0x24f: {  	s16 =	sor.u32 $0x380, s16;
	v5 =	vadd.f32 v7, v60;
	[tilespmem:s25+$0x10000] =	vst v0;
	v0 =	vld [tilespmem:s22+$0x6000]  }
0x250: {  	s23 =	sor.u32 $0x380, s26;
	s24 =	sor.u32 s21, s20;
	s25 =	sor.u32 s14, s13;
	[tilespmem:s28+$0x10000] =	vst v4;
	v4 =	vld [tilespmem:s22+$0x1A000]  }
0x251: {  	s21 =	sor.u32 $0x300, s4;
	[tilespmem:s15+$0x10180] =	vst v5;
	v5 =	vadd.f32 v2, v63;
	s17 =	sor.u32 $0x380, s24;
	s20 =	sor.u32 $0x380, s25;
	v2 =	vld [tilespmem:s23+$0x6000]  }
.LBB2_8:
0x252: {  	s13 =	sadd.s32 $0x20, s13;
	v6 =	vld [tilespmem:s23+$0x1A000];
	s14 =	sadd.s32 $0x100, s14  }
0x253: {  	s4 =	sand.u32 $0x60, s13;
	s24 =	sand.u32 $0x1C00, s14;
	s25 =	sor.u32 s14, s13;
	[tilespmem:s15+$0x10200] =	vst v5;
	v1 =	vadd.f32 v3, v1;
	v3 =	vld [tilespmem:s16+$0x6000]  }
0x254: {  	p0 =	slt.u32 s13, $0x3E0;
	s4 =	sor.u32 s4, s24;
	s24 =	sor.u32 $0x380, s25;
	v5 =	vld [tilespmem:s16+$0x1A000]  }
0x255: {  	v7 =	vld [tilespmem:s4+$0x6010];
	[tilespmem:s15+$0x10280] =	vst v1;
	v0 =	vadd.f32 v4, v0;
	s15 =	smov.u32 s4  }
0x256: {  	v1 =	vld [tilespmem:s15+$0x1A010]  }
0x257: {  	v4 =	vld [tilespmem:s15+$0x6090];
	v2 =	vadd.f32 v6, v2;
	[tilespmem:s22+$0x10000] =	vst v0;
	s22 =	smov.u32 s21  }
0x258: {  	v0 =	vld [tilespmem:s15+$0x1A090]  }
0x259: {  	v6 =	vld [tilespmem:s15+$0x6110];
	[tilespmem:s23+$0x10000] =	vst v2;
	v2 =	vadd.f32 v5, v3  }
0x25a: {  	v3 =	vld [tilespmem:s15+$0x1A110]  }
0x25b: {  	v5 =	vld [tilespmem:s15+$0x6190];
	[tilespmem:s16+$0x10000] =	vst v2;
	s16 =	smov.u32 s17;
	s17 =	smov.u32 s20;
	s20 =	smov.u32 s24  }
0x25c: {  	v2 =	vld [tilespmem:s15+$0x1A190]  }
0x25d: {  	v8 =	vld [tilespmem:s15+$0x6210]  }
0x25e: {  	v9 =	vld [tilespmem:s15+$0x1A210]  }
0x25f: {  	v10 =	vld [tilespmem:s15+$0x6290]  }
0x260: {  	v1 =	vadd.f32 v1, v7;
	v7 =	vld [tilespmem:s15+$0x1A290]  }
0x261: {  	v0 =	vadd.f32 v0, v4;
	v11 =	vld [tilespmem:s15+$0x6000]  }
0x262: {  	s18 =	sadd.s32 $0x1, s18;
	v4 =	vld [tilespmem:s15+$0x1A000];
	[tilespmem:s15+$0x10010] =	vst v1;
	v1 =	vadd.f32 v3, v6  }
0x263: {  	s4 =	sand.u32 $0x3, s18;
	v3 =	vld [tilespmem:s15+$0x6080];
	[tilespmem:s15+$0x10090] =	vst v0;
	v0 =	vadd.f32 v2, v5  }
0x264: {  	s4 =	sshll.u32 s4, $0x5;
	v2 =	vld [tilespmem:s15+$0x1A080];
	[tilespmem:s15+$0x10110] =	vst v1;
	v1 =	vadd.f32 v9, v8  }
0x265: {  	s4 =	sadd.s32 s4, s14;
	v5 =	vld [tilespmem:s15+$0x6100];
	[tilespmem:s15+$0x10190] =	vst v0;
	v0 =	vadd.f32 v7, v10  }
0x266: {  	s21 =	sor.u32 $0x300, s4;
	s4 =	sadd.s32 $0x10, s4;
	v6 =	vld [tilespmem:s15+$0x1A100];
	[tilespmem:s15+$0x10210] =	vst v1  }
0x267: {  	s23 =	sor.u32 $0x300, s4;
	v1 =	vadd.f32 v4, v11;
	v4 =	vld [tilespmem:s15+$0x6180];
	[tilespmem:s15+$0x10290] =	vst v0  }
0x268: {  	v0 =	vld [tilespmem:s23+$0x6000]  }
0x269: {  	[tilespmem:s15+$0x10000] =	vst v1;
	v1 =	vadd.f32 v2, v3;
	v2 =	vld [tilespmem:s23+$0x1A000]  }
0x26a: {  	v7 =	vld [tilespmem:s15+$0x1A180]  }
0x26b: {  	[tilespmem:s15+$0x10080] =	vst v1;
	v1 =	vadd.f32 v6, v5;
	v5 =	vld [tilespmem:s15+$0x6200]  }
0x26c: {  	v6 =	vld [tilespmem:s15+$0x1A200]  }
.Ltmp3:
0x26d: {  	[tilespmem:s15+$0x10100] =	vst v1;
	v1 =	vld [tilespmem:s15+$0x6280];
	(pc) =	sbr.rel @p0 .LBB2_8-.Ltmp3, $4  }
0x26e: {  	v3 =	vld [tilespmem:s15+$0x1A280];
	v2 =	vadd.f32 v2, v0  }
0x26f: {  	v7 =	vadd.f32 v7, v4;
	v0 =	vld [tilespmem:s22+$0x6000]  }
0x270: {  	[tilespmem:s23+$0x10000] =	vst v2;
	s23 =	sor.u32 $0x380, s4;
	v4 =	vld [tilespmem:s22+$0x1A000]  }
0x271: {  	[tilespmem:s15+$0x10180] =	vst v7;
	v5 =	vadd.f32 v6, v5;
	v2 =	vld [tilespmem:s23+$0x6000]  }
0x272: {  	_ = 	snop  }
0x273: {  	v1 =	vadd.f32 v3, v1  }
0x274: {  	[tilespmem:s15+$0x10200] =	vst v5  }
0x275: {  	[tilespmem:s15+$0x10280] =	vst v1  }
0x276: {  	v1 =	vld [tilespmem:s21+$0x6000]  }
0x277: {  	v3 =	vld [tilespmem:s21+$0x1A000];
	_ =	sdelay $0x2  }
0x278: {  	v6 =	vld [tilespmem:s16+$0x1A000];
	v0 =	vadd.f32 v4, v0  }
0x279: {  	v5 =	vld [tilespmem:s23+$0x1A000]  }
0x27a: {  	v4 =	vld [tilespmem:s16+$0x6000];
	[tilespmem:s22+$0x10000] =	vst v0;
	v0 =	vadd.f32 v3, v1  }
0x27b: {  	v1 =	vld [tilespmem:s17+$0x6000]  }
0x27c: {  	v3 =	vld [tilespmem:s17+$0x1A000];
	[tilespmem:s21+$0x10000] =	vst v0  }
0x27d: {  	v0 =	vld [tilespmem:s20+$0x6000]  }
0x27e: {  	v7 =	vld [tilespmem:s20+$0x1A000];
	_ =	sdelay $0x1  }
0x27f: {  	v2 =	vadd.f32 v5, v2  }
0x280: {  	v4 =	vadd.f32 v6, v4  }
0x281: {  	[tilespmem:s23+$0x10000] =	vst v2;
	v1 =	vadd.f32 v3, v1  }
0x282: {  	[tilespmem:s16+$0x10000] =	vst v4;
	v0 =	vadd.f32 v7, v0  }
0x283: {  	[tilespmem:s17+$0x10000] =	vst v1  }
0x284: {  	[tilespmem:s20+$0x10000] =	vst v0  }
0x285: {  	s13 =	simm.s32 $0x10000;
	s16 =	simm.s32 $0x0;
	s4 =	rddreg [dreg:$0x17]  }
0x286: {  	[hbm4b:s4+s16] =	stream.linear.scatter [tilespmem:s13], [sflag:$0x9], $0x2000, $0x38;
	[tilespmem:$0x1E000] =	vst v63  }
0x287: {  	_ =	swait.ge [sflag:s5], $0x2000  }
0x288: {  	[sflag:s5] =	ssyncset.done $0x0  }
0x289: {  	[sflag:s5] =	ssyncadd.s32 $0xFFFFE000  }
0x28a: {  	s17 =	simm.s32 $0x0;
	_ =	swait.ge [sflag:s6], $0x2000  }
0x28b: {  	s21 =	sand.u32 $0x1C00, s16;
	s20 =	sand.u32 $0x60, s17;
	[sflag:s6] =	ssyncset.done $0x0  }
0x28c: {  	s13 =	sor.u32 s20, s21;
	[sflag:s6] =	ssyncadd.s32 $0xFFFFE000  }
0x28d: {  	v0 =	vld [tilespmem:s13+$0x8010]  }
0x28e: {  	v1 =	vld [tilespmem:s13+$0x1C010]  }
0x28f: {  	v2 =	vld [tilespmem:s13+$0x8090]  }
0x290: {  	v3 =	vld [tilespmem:s13+$0x1C090]  }
0x291: {  	v4 =	vld [tilespmem:s13+$0x8110]  }
0x292: {  	v5 =	vld [tilespmem:s13+$0x1C110]  }
0x293: {  	v6 =	vld [tilespmem:s13+$0x8190]  }
0x294: {  	v7 =	vld [tilespmem:s13+$0x1C190]  }
0x295: {  	v8 =	vld [tilespmem:s13+$0x8210]  }
0x296: {  	v9 =	vld [tilespmem:s13+$0x1C210]  }
0x297: {  	v10 =	vld [tilespmem:s13+$0x8290]  }
0x298: {  	v59 =	vld [tilespmem:s13+$0x8180]  }
0x299: {  	v60 =	vld [tilespmem:s13+$0x1C180]  }
0x29a: {  	s20 =	simm.s32 $0x20;
	s21 =	simm.s32 $0x100;
	v61 =	vld [tilespmem:s13+$0x8200]  }
0x29b: {  	s22 =	sand.u32 $0x3, s16;
	s24 =	sand.u32 $0x60, s20;
	s25 =	sand.u32 $0x1C00, s21;
	v11 =	vld [tilespmem:s13+$0x1C200]  }
0x29c: {  	s4 =	sshll.u32 s22, $0x5;
	s22 =	sor.u32 s24, s25;
	v12 =	vld [tilespmem:s13+$0x1C280]  }
0x29d: {  	v14 =	vld [tilespmem:s22+$0x8010]  }
0x29e: {  	v15 =	vld [tilespmem:s22+$0x1C010]  }
0x29f: {  	v16 =	vld [tilespmem:s22+$0x8090]  }
0x2a0: {  	v17 =	vld [tilespmem:s22+$0x1C090]  }
0x2a1: {  	v18 =	vld [tilespmem:s22+$0x8110]  }
0x2a2: {  	v19 =	vld [tilespmem:s22+$0x1C110]  }
0x2a3: {  	v20 =	vld [tilespmem:s22+$0x8190]  }
0x2a4: {  	v21 =	vld [tilespmem:s22+$0x1C190]  }
0x2a5: {  	v22 =	vld [tilespmem:s22+$0x8210]  }
0x2a6: {  	v23 =	vld [tilespmem:s22+$0x1C210]  }
0x2a7: {  	v24 =	vld [tilespmem:s22+$0x8290]  }
0x2a8: {  	v62 =	vld [tilespmem:s22+$0x1C290]  }
0x2a9: {  	v25 =	vld [tilespmem:s22+$0x8000]  }
0x2aa: {  	v0 =	vadd.f32 v1, v0;
	v1 =	vld [tilespmem:s13+$0x1C290]  }
0x2ab: {  	v63 =	vld [tilespmem:s22+$0x1C000];
	v2 =	vadd.f32 v3, v2  }
0x2ac: {  	v29 =	vld [tilespmem:s22+$0x8080];
	[tilespmem:s13+$0x12010] =	vst v0;
	v0 =	vadd.f32 v5, v4  }
0x2ad: {  	v31 =	vld [tilespmem:s22+$0x1C080];
	[tilespmem:s13+$0x12090] =	vst v2;
	v2 =	vadd.f32 v7, v6  }
0x2ae: {  	v33 =	vld [tilespmem:s22+$0x8100];
	[tilespmem:s13+$0x12110] =	vst v0;
	v0 =	vadd.f32 v9, v8  }
0x2af: {  	s14 =	sadd.s32 $0x0, s4;
	v3 =	vld [tilespmem:s13+$0x8000];
	[tilespmem:s13+$0x12190] =	vst v2;
	v1 =	vadd.f32 v1, v10  }
0x2b0: {  	s4 =	sadd.s32 $0x10, s14;
	v7 =	vld [tilespmem:s13+$0x1C100];
	[tilespmem:s13+$0x12210] =	vst v0  }
0x2b1: {  	s23 =	sor.u32 $0x300, s4;
	v0 =	vld [tilespmem:s13+$0x8100];
	[tilespmem:s13+$0x12290] =	vst v1  }
0x2b2: {  	v14 =	vadd.f32 v15, v14;
	v1 =	vld [tilespmem:s23+$0x8000]  }
0x2b3: {  	v16 =	vadd.f32 v17, v16;
	v6 =	vld [tilespmem:s23+$0x1C000]  }
0x2b4: {  	v28 =	vadd.f32 v19, v18;
	v4 =	vld [tilespmem:s13+$0x1C000];
	[tilespmem:s22+$0x12010] =	vst v14  }
0x2b5: {  	v30 =	vadd.f32 v21, v20;
	v5 =	vld [tilespmem:s13+$0x8080];
	[tilespmem:s22+$0x12090] =	vst v16  }
0x2b6: {  	v32 =	vadd.f32 v23, v22;
	[tilespmem:s22+$0x12110] =	vst v28;
	v2 =	vld [tilespmem:s13+$0x1C080]  }
0x2b7: {  	s26 =	simm.s32 $0x1;
	v34 =	vld [tilespmem:s22+$0x1C100];
	[tilespmem:s22+$0x12190] =	vst v30;
	v0 =	vadd.f32 v7, v0  }
0x2b8: {  	s18 =	sor.u32 $0x380, s4;
	s4 =	sand.u32 $0x3, s26;
	v35 =	vld [tilespmem:s22+$0x8200];
	[tilespmem:s22+$0x12210] =	vst v32;
	v1 =	vadd.f32 v6, v1  }
0x2b9: {  	s4 =	sshll.u32 s4, $0x5;
	v15 =	vadd.f32 v62, v24;
	v3 =	vadd.f32 v4, v3;
	v4 =	vld [tilespmem:s22+$0x8180];
	[tilespmem:s13+$0x12100] =	vst v0  }
0x2ba: {  	v6 =	vld [tilespmem:s13+$0x8280];
	v0 =	vadd.f32 v11, v61;
	[tilespmem:s23+$0x12000] =	vst v1;
	s23 =	sadd.s32 $0x100, s4  }
0x2bb: {  	[tilespmem:s22+$0x12290] =	vst v15;
	v2 =	vadd.f32 v2, v5;
	v7 =	vld [tilespmem:s22+$0x1C180];
	s4 =	sadd.s32 $0x10, s23  }
0x2bc: {  	[tilespmem:s13+$0x12200] =	vst v0;
	v0 =	vld [tilespmem:s22+$0x8280];
	s28 =	sor.u32 $0x300, s4  }
0x2bd: {  	[tilespmem:s13+$0x12080] =	vst v2;
	v2 =	vadd.f32 v60, v59;
	v5 =	vld [tilespmem:s28+$0x8000]  }
0x2be: {  	[tilespmem:s13+$0x12000] =	vst v3;
	v3 =	vld [tilespmem:s28+$0x1C000]  }
0x2bf: {  	[tilespmem:s13+$0x12180] =	vst v2;
	v1 =	vld [tilespmem:s18+$0x8000];
	v2 =	vadd.f32 v12, v6  }
0x2c0: {  	v13 =	vld [tilespmem:s18+$0x1C000]  }
0x2c1: {  	s24 =	sor.u32 $0x300, s14;
	s14 =	simm.s32 $0x200;
	v6 =	vld [tilespmem:s22+$0x1C200];
	[tilespmem:s13+$0x12280] =	vst v2;
	s13 =	simm.s32 $0x40  }
0x2c2: {  	s26 =	sand.u32 $0x1C00, s14;
	v2 =	vld [tilespmem:s22+$0x1C280];
	s15 =	sand.u32 $0x60, s13  }
0x2c3: {  	s15 =	sor.u32 s15, s26;
	v3 =	vadd.f32 v3, v5;
	v5 =	vld [tilespmem:s24+$0x8000]  }
0x2c4: {  	v37 =	vld [tilespmem:s15+$0x8010]  }
0x2c5: {  	v38 =	vld [tilespmem:s15+$0x1C010]  }
0x2c6: {  	v39 =	vld [tilespmem:s15+$0x8090]  }
0x2c7: {  	v40 =	vld [tilespmem:s15+$0x1C090]  }
0x2c8: {  	v41 =	vld [tilespmem:s15+$0x8110]  }
0x2c9: {  	v42 =	vld [tilespmem:s15+$0x1C110]  }
0x2ca: {  	v43 =	vld [tilespmem:s15+$0x8190]  }
0x2cb: {  	v44 =	vld [tilespmem:s15+$0x1C190]  }
0x2cc: {  	v45 =	vld [tilespmem:s15+$0x8210]  }
0x2cd: {  	v17 =	vadd.f32 v63, v25;
	v46 =	vld [tilespmem:s15+$0x1C210]  }
0x2ce: {  	v59 =	vadd.f32 v34, v33;
	v47 =	vld [tilespmem:s15+$0x8290]  }
0x2cf: {  	[tilespmem:s22+$0x12000] =	vst v17;
	v1 =	vadd.f32 v13, v1;
	v48 =	vld [tilespmem:s15+$0x1C290]  }
0x2d0: {  	[tilespmem:s22+$0x12100] =	vst v59;
	v49 =	vld [tilespmem:s15+$0x8000]  }
0x2d1: {  	[tilespmem:s18+$0x12000] =	vst v1;
	v1 =	vadd.f32 v31, v29;
	v50 =	vld [tilespmem:s15+$0x1C000]  }
0x2d2: {  	v52 =	vld [tilespmem:s15+$0x8080];
	[tilespmem:s28+$0x12000] =	vst v3;
	v10 =	vadd.f32 v38, v37  }
0x2d3: {  	v53 =	vld [tilespmem:s15+$0x1C080];
	[tilespmem:s22+$0x12080] =	vst v1;
	v1 =	vadd.f32 v40, v39  }
0x2d4: {  	s18 =	simm.s32 $0x2;
	v56 =	vld [tilespmem:s15+$0x8100];
	v51 =	vadd.f32 v42, v41;
	[tilespmem:s15+$0x12010] =	vst v10  }
0x2d5: {  	v58 =	vld [tilespmem:s15+$0x1C100];
	s28 =	sand.u32 $0x3, s18;
	[tilespmem:s15+$0x12090] =	vst v1;
	v1 =	vadd.f32 v44, v43  }
0x2d6: {  	s25 =	sor.u32 $0x380, s4;
	v60 =	vld [tilespmem:s15+$0x8180];
	s4 =	sshll.u32 s28, $0x5;
	v54 =	vadd.f32 v46, v45;
	[tilespmem:s15+$0x12110] =	vst v51  }
0x2d7: {  	v3 =	vld [tilespmem:s24+$0x1C000];
	s4 =	sadd.s32 $0x200, s4;
	[tilespmem:s15+$0x12190] =	vst v1;
	v1 =	vadd.f32 v48, v47  }
0x2d8: {  	v4 =	vadd.f32 v7, v4;
	v36 =	vld [tilespmem:s25+$0x8000];
	s26 =	sadd.s32 $0x10, s4;
	[tilespmem:s15+$0x12210] =	vst v54  }
0x2d9: {  	v6 =	vadd.f32 v6, v35;
	v55 =	vld [tilespmem:s25+$0x1C000];
	s28 =	sor.u32 $0x300, s26;
	[tilespmem:s15+$0x12290] =	vst v1  }
0x2da: {  	[tilespmem:s22+$0x12180] =	vst v4;
	v0 =	vadd.f32 v2, v0;
	v61 =	vld [tilespmem:s28+$0x8000]  }
0x2db: {  	[tilespmem:s22+$0x12200] =	vst v6;
	v57 =	vadd.f32 v50, v49;
	v62 =	vld [tilespmem:s28+$0x1C000]  }
0x2dc: {  	v7 =	vld [tilespmem:s15+$0x1C180];
	[tilespmem:s22+$0x12280] =	vst v0;
	v1 =	vadd.f32 v53, v52  }
0x2dd: {  	v63 =	vld [tilespmem:s15+$0x8200];
	[tilespmem:s15+$0x12000] =	vst v57;
	v3 =	vadd.f32 v3, v5  }
0x2de: {  	v2 =	vld [tilespmem:s15+$0x1C200];
	[tilespmem:s15+$0x12080] =	vst v1;
	v1 =	vadd.f32 v58, v56  }
0x2df: {  	v0 =	vadd.f32 v55, v36;
	[tilespmem:s24+$0x12000] =	vst v3;
	v3 =	vld [tilespmem:s15+$0x1C280]  }
0x2e0: {  	s16 =	sor.u32 s16, s17;
	s22 =	sor.u32 $0x300, s23;
	[tilespmem:s15+$0x12100] =	vst v1;
	v1 =	vld [tilespmem:s15+$0x8280];
	v4 =	vadd.f32 v62, v61  }
0x2e1: {  	s16 =	sor.u32 $0x380, s16;
	v5 =	vadd.f32 v7, v60;
	[tilespmem:s25+$0x12000] =	vst v0;
	v0 =	vld [tilespmem:s22+$0x8000]  }
0x2e2: {  	s23 =	sor.u32 $0x380, s26;
	s24 =	sor.u32 s21, s20;
	s25 =	sor.u32 s14, s13;
	[tilespmem:s28+$0x12000] =	vst v4;
	v4 =	vld [tilespmem:s22+$0x1C000]  }
0x2e3: {  	s21 =	sor.u32 $0x300, s4;
	[tilespmem:s15+$0x12180] =	vst v5;
	v5 =	vadd.f32 v2, v63;
	s17 =	sor.u32 $0x380, s24;
	s20 =	sor.u32 $0x380, s25;
	v2 =	vld [tilespmem:s23+$0x8000]  }
.LBB2_10:
0x2e4: {  	s13 =	sadd.s32 $0x20, s13;
	v6 =	vld [tilespmem:s23+$0x1C000];
	s14 =	sadd.s32 $0x100, s14  }
0x2e5: {  	s4 =	sand.u32 $0x60, s13;
	s24 =	sand.u32 $0x1C00, s14;
	s25 =	sor.u32 s14, s13;
	[tilespmem:s15+$0x12200] =	vst v5;
	v1 =	vadd.f32 v3, v1;
	v3 =	vld [tilespmem:s16+$0x8000]  }
0x2e6: {  	p0 =	slt.u32 s13, $0x3E0;
	s4 =	sor.u32 s4, s24;
	s24 =	sor.u32 $0x380, s25;
	v5 =	vld [tilespmem:s16+$0x1C000]  }
0x2e7: {  	v7 =	vld [tilespmem:s4+$0x8010];
	[tilespmem:s15+$0x12280] =	vst v1;
	v0 =	vadd.f32 v4, v0;
	s15 =	smov.u32 s4  }
0x2e8: {  	v1 =	vld [tilespmem:s15+$0x1C010]  }
0x2e9: {  	v4 =	vld [tilespmem:s15+$0x8090];
	v2 =	vadd.f32 v6, v2;
	[tilespmem:s22+$0x12000] =	vst v0;
	s22 =	smov.u32 s21  }
0x2ea: {  	v0 =	vld [tilespmem:s15+$0x1C090]  }
0x2eb: {  	v6 =	vld [tilespmem:s15+$0x8110];
	[tilespmem:s23+$0x12000] =	vst v2;
	v2 =	vadd.f32 v5, v3  }
0x2ec: {  	v3 =	vld [tilespmem:s15+$0x1C110]  }
0x2ed: {  	v5 =	vld [tilespmem:s15+$0x8190];
	[tilespmem:s16+$0x12000] =	vst v2;
	s16 =	smov.u32 s17;
	s17 =	smov.u32 s20;
	s20 =	smov.u32 s24  }
0x2ee: {  	v2 =	vld [tilespmem:s15+$0x1C190]  }
0x2ef: {  	v8 =	vld [tilespmem:s15+$0x8210]  }
0x2f0: {  	v9 =	vld [tilespmem:s15+$0x1C210]  }
0x2f1: {  	v10 =	vld [tilespmem:s15+$0x8290]  }
0x2f2: {  	v1 =	vadd.f32 v1, v7;
	v7 =	vld [tilespmem:s15+$0x1C290]  }
0x2f3: {  	v0 =	vadd.f32 v0, v4;
	v11 =	vld [tilespmem:s15+$0x8000]  }
0x2f4: {  	s18 =	sadd.s32 $0x1, s18;
	v4 =	vld [tilespmem:s15+$0x1C000];
	[tilespmem:s15+$0x12010] =	vst v1;
	v1 =	vadd.f32 v3, v6  }
0x2f5: {  	s4 =	sand.u32 $0x3, s18;
	v3 =	vld [tilespmem:s15+$0x8080];
	[tilespmem:s15+$0x12090] =	vst v0;
	v0 =	vadd.f32 v2, v5  }
0x2f6: {  	s4 =	sshll.u32 s4, $0x5;
	v2 =	vld [tilespmem:s15+$0x1C080];
	[tilespmem:s15+$0x12110] =	vst v1;
	v1 =	vadd.f32 v9, v8  }
0x2f7: {  	s4 =	sadd.s32 s4, s14;
	v5 =	vld [tilespmem:s15+$0x8100];
	[tilespmem:s15+$0x12190] =	vst v0;
	v0 =	vadd.f32 v7, v10  }
0x2f8: {  	s21 =	sor.u32 $0x300, s4;
	s4 =	sadd.s32 $0x10, s4;
	v6 =	vld [tilespmem:s15+$0x1C100];
	[tilespmem:s15+$0x12210] =	vst v1  }
0x2f9: {  	s23 =	sor.u32 $0x300, s4;
	v1 =	vadd.f32 v4, v11;
	v4 =	vld [tilespmem:s15+$0x8180];
	[tilespmem:s15+$0x12290] =	vst v0  }
0x2fa: {  	v0 =	vld [tilespmem:s23+$0x8000]  }
0x2fb: {  	[tilespmem:s15+$0x12000] =	vst v1;
	v1 =	vadd.f32 v2, v3;
	v2 =	vld [tilespmem:s23+$0x1C000]  }
0x2fc: {  	v7 =	vld [tilespmem:s15+$0x1C180]  }
0x2fd: {  	[tilespmem:s15+$0x12080] =	vst v1;
	v1 =	vadd.f32 v6, v5;
	v5 =	vld [tilespmem:s15+$0x8200]  }
0x2fe: {  	v6 =	vld [tilespmem:s15+$0x1C200]  }
.Ltmp4:
0x2ff: {  	[tilespmem:s15+$0x12100] =	vst v1;
	v1 =	vld [tilespmem:s15+$0x8280];
	(pc) =	sbr.rel @p0 .LBB2_10-.Ltmp4, $4  }
0x300: {  	v3 =	vld [tilespmem:s15+$0x1C280];
	v2 =	vadd.f32 v2, v0  }
0x301: {  	v7 =	vadd.f32 v7, v4;
	v0 =	vld [tilespmem:s22+$0x8000]  }
0x302: {  	[tilespmem:s23+$0x12000] =	vst v2;
	s23 =	sor.u32 $0x380, s4;
	v4 =	vld [tilespmem:s22+$0x1C000]  }
0x303: {  	[tilespmem:s15+$0x12180] =	vst v7;
	v5 =	vadd.f32 v6, v5;
	v2 =	vld [tilespmem:s23+$0x8000]  }
0x304: {  	_ = 	snop  }
0x305: {  	v1 =	vadd.f32 v3, v1  }
0x306: {  	[tilespmem:s15+$0x12200] =	vst v5  }
0x307: {  	[tilespmem:s15+$0x12280] =	vst v1  }
0x308: {  	v1 =	vld [tilespmem:s21+$0x8000]  }
0x309: {  	v3 =	vld [tilespmem:s21+$0x1C000];
	_ =	sdelay $0x2  }
0x30a: {  	v6 =	vld [tilespmem:s16+$0x1C000];
	v0 =	vadd.f32 v4, v0  }
0x30b: {  	v5 =	vld [tilespmem:s23+$0x1C000]  }
0x30c: {  	v4 =	vld [tilespmem:s16+$0x8000];
	[tilespmem:s22+$0x12000] =	vst v0;
	v0 =	vadd.f32 v3, v1  }
0x30d: {  	v1 =	vld [tilespmem:s17+$0x8000]  }
0x30e: {  	v3 =	vld [tilespmem:s17+$0x1C000];
	[tilespmem:s21+$0x12000] =	vst v0  }
0x30f: {  	v0 =	vld [tilespmem:s20+$0x8000]  }
0x310: {  	v7 =	vld [tilespmem:s20+$0x1C000];
	_ =	sdelay $0x1  }
0x311: {  	v2 =	vadd.f32 v5, v2  }
0x312: {  	v4 =	vadd.f32 v6, v4  }
0x313: {  	[tilespmem:s23+$0x12000] =	vst v2;
	v1 =	vadd.f32 v3, v1  }
0x314: {  	[tilespmem:s16+$0x12000] =	vst v4;
	v0 =	vadd.f32 v7, v0  }
0x315: {  	[tilespmem:s17+$0x12000] =	vst v1  }
0x316: {  	[tilespmem:s20+$0x12000] =	vst v0  }
0x317: {  	s13 =	simm.s32 $0x12000;
	s16 =	simm.s32 $0x0;
	s4 =	rddreg [dreg:$0x18]  }
0x318: {  	[hbm4b:s4+s16] =	stream.linear.scatter [tilespmem:s13], [sflag:$0xA], $0x2000, $0x38;
	[tilespmem:$0x1E000] =	vst v63  }
0x319: {  	_ =	swait.ge [sflag:s29], $0x2000  }
0x31a: {  	[sflag:s29] =	ssyncset.done $0x0  }
0x31b: {  	[sflag:s29] =	ssyncadd.s32 $0xFFFFE000  }
0x31c: {  	_ =	swait.ge [sflag:s30], $0x2000  }
0x31d: {  	[sflag:s30] =	ssyncset.done $0x0  }
0x31e: {  	[sflag:s30] =	ssyncadd.s32 $0xFFFFE000  }
0x31f: {  	s17 =	simm.s32 $0x0;
	_ =	swait.ge [sflag:s7], $0x2000  }
0x320: {  	s21 =	sand.u32 $0x1C00, s16;
	s20 =	sand.u32 $0x60, s17;
	[sflag:s7] =	ssyncset.done $0x0  }
0x321: {  	s13 =	sor.u32 s20, s21;
	[sflag:s7] =	ssyncadd.s32 $0xFFFFE000  }
0x322: {  	v0 =	vld [tilespmem:s13+$0x10]  }
0x323: {  	v1 =	vld [tilespmem:s13+$0x14010]  }
0x324: {  	v2 =	vld [tilespmem:s13+$0x90]  }
0x325: {  	v3 =	vld [tilespmem:s13+$0x14090]  }
0x326: {  	v4 =	vld [tilespmem:s13+$0x110]  }
0x327: {  	v5 =	vld [tilespmem:s13+$0x14110]  }
0x328: {  	v6 =	vld [tilespmem:s13+$0x190]  }
0x329: {  	v7 =	vld [tilespmem:s13+$0x14190]  }
0x32a: {  	v8 =	vld [tilespmem:s13+$0x210]  }
0x32b: {  	v9 =	vld [tilespmem:s13+$0x14210]  }
0x32c: {  	v10 =	vld [tilespmem:s13+$0x290]  }
0x32d: {  	v59 =	vld [tilespmem:s13+$0x180]  }
0x32e: {  	v60 =	vld [tilespmem:s13+$0x14180]  }
0x32f: {  	s20 =	simm.s32 $0x20;
	s21 =	simm.s32 $0x100;
	v61 =	vld [tilespmem:s13+$0x200]  }
0x330: {  	s22 =	sand.u32 $0x3, s16;
	s24 =	sand.u32 $0x60, s20;
	s25 =	sand.u32 $0x1C00, s21;
	v11 =	vld [tilespmem:s13+$0x14200]  }
0x331: {  	s4 =	sshll.u32 s22, $0x5;
	s22 =	sor.u32 s24, s25;
	v12 =	vld [tilespmem:s13+$0x14280]  }
0x332: {  	v14 =	vld [tilespmem:s22+$0x10]  }
0x333: {  	v15 =	vld [tilespmem:s22+$0x14010]  }
0x334: {  	v16 =	vld [tilespmem:s22+$0x90]  }
0x335: {  	v17 =	vld [tilespmem:s22+$0x14090]  }
0x336: {  	v18 =	vld [tilespmem:s22+$0x110]  }
0x337: {  	v19 =	vld [tilespmem:s22+$0x14110]  }
0x338: {  	v20 =	vld [tilespmem:s22+$0x190]  }
0x339: {  	v21 =	vld [tilespmem:s22+$0x14190]  }
0x33a: {  	v22 =	vld [tilespmem:s22+$0x210]  }
0x33b: {  	v23 =	vld [tilespmem:s22+$0x14210]  }
0x33c: {  	v24 =	vld [tilespmem:s22+$0x290]  }
0x33d: {  	v62 =	vld [tilespmem:s22+$0x14290]  }
0x33e: {  	v25 =	vld [tilespmem:s22+$0x0]  }
0x33f: {  	v0 =	vadd.f32 v1, v0;
	v1 =	vld [tilespmem:s13+$0x14290]  }
0x340: {  	v63 =	vld [tilespmem:s22+$0x14000];
	v2 =	vadd.f32 v3, v2  }
0x341: {  	v29 =	vld [tilespmem:s22+$0x80];
	[tilespmem:s13+$0xA010] =	vst v0;
	v0 =	vadd.f32 v5, v4  }
0x342: {  	v31 =	vld [tilespmem:s22+$0x14080];
	[tilespmem:s13+$0xA090] =	vst v2;
	v2 =	vadd.f32 v7, v6  }
0x343: {  	v33 =	vld [tilespmem:s22+$0x100];
	[tilespmem:s13+$0xA110] =	vst v0;
	v0 =	vadd.f32 v9, v8  }
0x344: {  	s14 =	sadd.s32 $0x0, s4;
	v3 =	vld [tilespmem:s13+$0x0];
	[tilespmem:s13+$0xA190] =	vst v2;
	v1 =	vadd.f32 v1, v10  }
0x345: {  	s4 =	sadd.s32 $0x10, s14;
	v7 =	vld [tilespmem:s13+$0x14100];
	[tilespmem:s13+$0xA210] =	vst v0  }
0x346: {  	s23 =	sor.u32 $0x300, s4;
	v0 =	vld [tilespmem:s13+$0x100];
	[tilespmem:s13+$0xA290] =	vst v1  }
0x347: {  	v14 =	vadd.f32 v15, v14;
	v1 =	vld [tilespmem:s23+$0x0]  }
0x348: {  	v16 =	vadd.f32 v17, v16;
	v6 =	vld [tilespmem:s23+$0x14000]  }
0x349: {  	v28 =	vadd.f32 v19, v18;
	v4 =	vld [tilespmem:s13+$0x14000];
	[tilespmem:s22+$0xA010] =	vst v14  }
0x34a: {  	v30 =	vadd.f32 v21, v20;
	v5 =	vld [tilespmem:s13+$0x80];
	[tilespmem:s22+$0xA090] =	vst v16  }
0x34b: {  	v32 =	vadd.f32 v23, v22;
	[tilespmem:s22+$0xA110] =	vst v28;
	v2 =	vld [tilespmem:s13+$0x14080]  }
0x34c: {  	s26 =	simm.s32 $0x1;
	v34 =	vld [tilespmem:s22+$0x14100];
	[tilespmem:s22+$0xA190] =	vst v30;
	v0 =	vadd.f32 v7, v0  }
0x34d: {  	s18 =	sor.u32 $0x380, s4;
	s4 =	sand.u32 $0x3, s26;
	v35 =	vld [tilespmem:s22+$0x200];
	[tilespmem:s22+$0xA210] =	vst v32;
	v1 =	vadd.f32 v6, v1  }
0x34e: {  	s4 =	sshll.u32 s4, $0x5;
	v15 =	vadd.f32 v62, v24;
	v3 =	vadd.f32 v4, v3;
	v4 =	vld [tilespmem:s22+$0x180];
	[tilespmem:s13+$0xA100] =	vst v0  }
0x34f: {  	v6 =	vld [tilespmem:s13+$0x280];
	v0 =	vadd.f32 v11, v61;
	[tilespmem:s23+$0xA000] =	vst v1;
	s23 =	sadd.s32 $0x100, s4  }
0x350: {  	[tilespmem:s22+$0xA290] =	vst v15;
	v2 =	vadd.f32 v2, v5;
	v7 =	vld [tilespmem:s22+$0x14180];
	s4 =	sadd.s32 $0x10, s23  }
0x351: {  	[tilespmem:s13+$0xA200] =	vst v0;
	v0 =	vld [tilespmem:s22+$0x280];
	s28 =	sor.u32 $0x300, s4  }
0x352: {  	[tilespmem:s13+$0xA080] =	vst v2;
	v2 =	vadd.f32 v60, v59;
	v5 =	vld [tilespmem:s28+$0x0]  }
0x353: {  	[tilespmem:s13+$0xA000] =	vst v3;
	v3 =	vld [tilespmem:s28+$0x14000]  }
0x354: {  	[tilespmem:s13+$0xA180] =	vst v2;
	v1 =	vld [tilespmem:s18+$0x0];
	v2 =	vadd.f32 v12, v6  }
0x355: {  	v13 =	vld [tilespmem:s18+$0x14000]  }
0x356: {  	s24 =	sor.u32 $0x300, s14;
	s14 =	simm.s32 $0x200;
	v6 =	vld [tilespmem:s22+$0x14200];
	[tilespmem:s13+$0xA280] =	vst v2;
	s13 =	simm.s32 $0x40  }
0x357: {  	s26 =	sand.u32 $0x1C00, s14;
	v2 =	vld [tilespmem:s22+$0x14280];
	s15 =	sand.u32 $0x60, s13  }
0x358: {  	s15 =	sor.u32 s15, s26;
	v3 =	vadd.f32 v3, v5;
	v5 =	vld [tilespmem:s24+$0x0]  }
0x359: {  	v37 =	vld [tilespmem:s15+$0x10]  }
0x35a: {  	v38 =	vld [tilespmem:s15+$0x14010]  }
0x35b: {  	v39 =	vld [tilespmem:s15+$0x90]  }
0x35c: {  	v40 =	vld [tilespmem:s15+$0x14090]  }
0x35d: {  	v41 =	vld [tilespmem:s15+$0x110]  }
0x35e: {  	v42 =	vld [tilespmem:s15+$0x14110]  }
0x35f: {  	v43 =	vld [tilespmem:s15+$0x190]  }
0x360: {  	v44 =	vld [tilespmem:s15+$0x14190]  }
0x361: {  	v45 =	vld [tilespmem:s15+$0x210]  }
0x362: {  	v17 =	vadd.f32 v63, v25;
	v46 =	vld [tilespmem:s15+$0x14210]  }
0x363: {  	v59 =	vadd.f32 v34, v33;
	v47 =	vld [tilespmem:s15+$0x290]  }
0x364: {  	[tilespmem:s22+$0xA000] =	vst v17;
	v1 =	vadd.f32 v13, v1;
	v48 =	vld [tilespmem:s15+$0x14290]  }
0x365: {  	[tilespmem:s22+$0xA100] =	vst v59;
	v49 =	vld [tilespmem:s15+$0x0]  }
0x366: {  	[tilespmem:s18+$0xA000] =	vst v1;
	v1 =	vadd.f32 v31, v29;
	v50 =	vld [tilespmem:s15+$0x14000]  }
0x367: {  	v52 =	vld [tilespmem:s15+$0x80];
	[tilespmem:s28+$0xA000] =	vst v3;
	v10 =	vadd.f32 v38, v37  }
0x368: {  	v53 =	vld [tilespmem:s15+$0x14080];
	[tilespmem:s22+$0xA080] =	vst v1;
	v1 =	vadd.f32 v40, v39  }
0x369: {  	s18 =	simm.s32 $0x2;
	v56 =	vld [tilespmem:s15+$0x100];
	v51 =	vadd.f32 v42, v41;
	[tilespmem:s15+$0xA010] =	vst v10  }
0x36a: {  	v58 =	vld [tilespmem:s15+$0x14100];
	s28 =	sand.u32 $0x3, s18;
	[tilespmem:s15+$0xA090] =	vst v1;
	v1 =	vadd.f32 v44, v43  }
0x36b: {  	s25 =	sor.u32 $0x380, s4;
	v60 =	vld [tilespmem:s15+$0x180];
	s4 =	sshll.u32 s28, $0x5;
	v54 =	vadd.f32 v46, v45;
	[tilespmem:s15+$0xA110] =	vst v51  }
0x36c: {  	v3 =	vld [tilespmem:s24+$0x14000];
	s4 =	sadd.s32 $0x200, s4;
	[tilespmem:s15+$0xA190] =	vst v1;
	v1 =	vadd.f32 v48, v47  }
0x36d: {  	v4 =	vadd.f32 v7, v4;
	v36 =	vld [tilespmem:s25+$0x0];
	s26 =	sadd.s32 $0x10, s4;
	[tilespmem:s15+$0xA210] =	vst v54  }
0x36e: {  	v6 =	vadd.f32 v6, v35;
	v55 =	vld [tilespmem:s25+$0x14000];
	s28 =	sor.u32 $0x300, s26;
	[tilespmem:s15+$0xA290] =	vst v1  }
0x36f: {  	[tilespmem:s22+$0xA180] =	vst v4;
	v0 =	vadd.f32 v2, v0;
	v61 =	vld [tilespmem:s28+$0x0]  }
0x370: {  	[tilespmem:s22+$0xA200] =	vst v6;
	v57 =	vadd.f32 v50, v49;
	v62 =	vld [tilespmem:s28+$0x14000]  }
0x371: {  	v7 =	vld [tilespmem:s15+$0x14180];
	[tilespmem:s22+$0xA280] =	vst v0;
	v1 =	vadd.f32 v53, v52  }
0x372: {  	v63 =	vld [tilespmem:s15+$0x200];
	[tilespmem:s15+$0xA000] =	vst v57;
	v3 =	vadd.f32 v3, v5  }
0x373: {  	v2 =	vld [tilespmem:s15+$0x14200];
	[tilespmem:s15+$0xA080] =	vst v1;
	v1 =	vadd.f32 v58, v56  }
0x374: {  	v0 =	vadd.f32 v55, v36;
	[tilespmem:s24+$0xA000] =	vst v3;
	v3 =	vld [tilespmem:s15+$0x14280]  }
0x375: {  	s16 =	sor.u32 s16, s17;
	s22 =	sor.u32 $0x300, s23;
	[tilespmem:s15+$0xA100] =	vst v1;
	v1 =	vld [tilespmem:s15+$0x280];
	v4 =	vadd.f32 v62, v61  }
0x376: {  	s16 =	sor.u32 $0x380, s16;
	v5 =	vadd.f32 v7, v60;
	[tilespmem:s25+$0xA000] =	vst v0;
	v0 =	vld [tilespmem:s22+$0x0]  }
0x377: {  	s23 =	sor.u32 $0x380, s26;
	s24 =	sor.u32 s21, s20;
	s25 =	sor.u32 s14, s13;
	[tilespmem:s28+$0xA000] =	vst v4;
	v4 =	vld [tilespmem:s22+$0x14000]  }
0x378: {  	s21 =	sor.u32 $0x300, s4;
	[tilespmem:s15+$0xA180] =	vst v5;
	v5 =	vadd.f32 v2, v63;
	s17 =	sor.u32 $0x380, s24;
	s20 =	sor.u32 $0x380, s25;
	v2 =	vld [tilespmem:s23+$0x0]  }
.LBB2_12:
0x379: {  	s13 =	sadd.s32 $0x20, s13;
	v6 =	vld [tilespmem:s23+$0x14000];
	s14 =	sadd.s32 $0x100, s14  }
0x37a: {  	s4 =	sand.u32 $0x60, s13;
	s24 =	sand.u32 $0x1C00, s14;
	s25 =	sor.u32 s14, s13;
	[tilespmem:s15+$0xA200] =	vst v5;
	v1 =	vadd.f32 v3, v1;
	v3 =	vld [tilespmem:s16+$0x0]  }
0x37b: {  	p0 =	slt.u32 s13, $0x3E0;
	s4 =	sor.u32 s4, s24;
	s24 =	sor.u32 $0x380, s25;
	v5 =	vld [tilespmem:s16+$0x14000]  }
0x37c: {  	v7 =	vld [tilespmem:s4+$0x10];
	[tilespmem:s15+$0xA280] =	vst v1;
	v0 =	vadd.f32 v4, v0;
	s15 =	smov.u32 s4  }
0x37d: {  	v1 =	vld [tilespmem:s15+$0x14010]  }
0x37e: {  	v4 =	vld [tilespmem:s15+$0x90];
	v2 =	vadd.f32 v6, v2;
	[tilespmem:s22+$0xA000] =	vst v0;
	s22 =	smov.u32 s21  }
0x37f: {  	v0 =	vld [tilespmem:s15+$0x14090]  }
0x380: {  	v6 =	vld [tilespmem:s15+$0x110];
	[tilespmem:s23+$0xA000] =	vst v2;
	v2 =	vadd.f32 v5, v3  }
0x381: {  	v3 =	vld [tilespmem:s15+$0x14110]  }
0x382: {  	v5 =	vld [tilespmem:s15+$0x190];
	[tilespmem:s16+$0xA000] =	vst v2;
	s16 =	smov.u32 s17;
	s17 =	smov.u32 s20;
	s20 =	smov.u32 s24  }
0x383: {  	v2 =	vld [tilespmem:s15+$0x14190]  }
0x384: {  	v8 =	vld [tilespmem:s15+$0x210]  }
0x385: {  	v9 =	vld [tilespmem:s15+$0x14210]  }
0x386: {  	v10 =	vld [tilespmem:s15+$0x290]  }
0x387: {  	v1 =	vadd.f32 v1, v7;
	v7 =	vld [tilespmem:s15+$0x14290]  }
0x388: {  	v0 =	vadd.f32 v0, v4;
	v11 =	vld [tilespmem:s15+$0x0]  }
0x389: {  	s18 =	sadd.s32 $0x1, s18;
	v4 =	vld [tilespmem:s15+$0x14000];
	[tilespmem:s15+$0xA010] =	vst v1;
	v1 =	vadd.f32 v3, v6  }
0x38a: {  	s4 =	sand.u32 $0x3, s18;
	v3 =	vld [tilespmem:s15+$0x80];
	[tilespmem:s15+$0xA090] =	vst v0;
	v0 =	vadd.f32 v2, v5  }
0x38b: {  	s4 =	sshll.u32 s4, $0x5;
	v2 =	vld [tilespmem:s15+$0x14080];
	[tilespmem:s15+$0xA110] =	vst v1;
	v1 =	vadd.f32 v9, v8  }
0x38c: {  	s4 =	sadd.s32 s4, s14;
	v5 =	vld [tilespmem:s15+$0x100];
	[tilespmem:s15+$0xA190] =	vst v0;
	v0 =	vadd.f32 v7, v10  }
0x38d: {  	s21 =	sor.u32 $0x300, s4;
	s4 =	sadd.s32 $0x10, s4;
	v6 =	vld [tilespmem:s15+$0x14100];
	[tilespmem:s15+$0xA210] =	vst v1  }
0x38e: {  	s23 =	sor.u32 $0x300, s4;
	v1 =	vadd.f32 v4, v11;
	v4 =	vld [tilespmem:s15+$0x180];
	[tilespmem:s15+$0xA290] =	vst v0  }
0x38f: {  	v0 =	vld [tilespmem:s23+$0x0]  }
0x390: {  	[tilespmem:s15+$0xA000] =	vst v1;
	v1 =	vadd.f32 v2, v3;
	v2 =	vld [tilespmem:s23+$0x14000]  }
0x391: {  	v7 =	vld [tilespmem:s15+$0x14180]  }
0x392: {  	[tilespmem:s15+$0xA080] =	vst v1;
	v1 =	vadd.f32 v6, v5;
	v5 =	vld [tilespmem:s15+$0x200]  }
0x393: {  	v6 =	vld [tilespmem:s15+$0x14200]  }
.Ltmp5:
0x394: {  	[tilespmem:s15+$0xA100] =	vst v1;
	v1 =	vld [tilespmem:s15+$0x280];
	(pc) =	sbr.rel @p0 .LBB2_12-.Ltmp5, $4  }
0x395: {  	v3 =	vld [tilespmem:s15+$0x14280];
	v2 =	vadd.f32 v2, v0  }
0x396: {  	v7 =	vadd.f32 v7, v4;
	v0 =	vld [tilespmem:s22+$0x0]  }
0x397: {  	[tilespmem:s23+$0xA000] =	vst v2;
	s23 =	sor.u32 $0x380, s4;
	v4 =	vld [tilespmem:s22+$0x14000]  }
0x398: {  	[tilespmem:s15+$0xA180] =	vst v7;
	v5 =	vadd.f32 v6, v5;
	v2 =	vld [tilespmem:s23+$0x0]  }
0x399: {  	_ = 	snop  }
0x39a: {  	v1 =	vadd.f32 v3, v1  }
0x39b: {  	[tilespmem:s15+$0xA200] =	vst v5  }
0x39c: {  	[tilespmem:s15+$0xA280] =	vst v1  }
0x39d: {  	v1 =	vld [tilespmem:s21+$0x0]  }
0x39e: {  	v3 =	vld [tilespmem:s21+$0x14000];
	_ =	sdelay $0x2  }
0x39f: {  	v6 =	vld [tilespmem:s16+$0x14000];
	v0 =	vadd.f32 v4, v0  }
0x3a0: {  	v5 =	vld [tilespmem:s23+$0x14000]  }
0x3a1: {  	v4 =	vld [tilespmem:s16+$0x0];
	[tilespmem:s22+$0xA000] =	vst v0;
	v0 =	vadd.f32 v3, v1  }
0x3a2: {  	v1 =	vld [tilespmem:s17+$0x0]  }
0x3a3: {  	v3 =	vld [tilespmem:s17+$0x14000];
	[tilespmem:s21+$0xA000] =	vst v0  }
0x3a4: {  	v0 =	vld [tilespmem:s20+$0x0]  }
0x3a5: {  	v7 =	vld [tilespmem:s20+$0x14000];
	_ =	sdelay $0x1  }
0x3a6: {  	v2 =	vadd.f32 v5, v2  }
0x3a7: {  	v4 =	vadd.f32 v6, v4  }
0x3a8: {  	[tilespmem:s23+$0xA000] =	vst v2;
	v1 =	vadd.f32 v3, v1  }
0x3a9: {  	[tilespmem:s16+$0xA000] =	vst v4;
	v0 =	vadd.f32 v7, v0  }
0x3aa: {  	[tilespmem:s17+$0xA000] =	vst v1  }
0x3ab: {  	[tilespmem:s20+$0xA000] =	vst v0  }
0x3ac: {  	s13 =	simm.s32 $0xA000;
	s16 =	simm.s32 $0x0;
	s4 =	rddreg [dreg:$0x19]  }
0x3ad: {  	[hbm4b:s4+s16] =	stream.linear.scatter [tilespmem:s13], [sflag:$0x6], $0x2000, $0x38;
	[tilespmem:$0x1E000] =	vst v63  }
0x3ae: {  	_ =	swait.ge [sflag:s31], $0x2000  }
0x3af: {  	[sflag:s31] =	ssyncset.done $0x0  }
0x3b0: {  	[sflag:s31] =	ssyncadd.s32 $0xFFFFE000  }
0x3b1: {  	_ =	swait.ge [sflag:s19], $0x2000  }
0x3b2: {  	[sflag:s19] =	ssyncset.done $0x0  }
0x3b3: {  	[sflag:s19] =	ssyncadd.s32 $0xFFFFE000  }
0x3b4: {  	s17 =	simm.s32 $0x0;
	_ =	swait.ge [sflag:s8], $0x2000  }
0x3b5: {  	s21 =	sand.u32 $0x1C00, s16;
	s20 =	sand.u32 $0x60, s17;
	[sflag:s8] =	ssyncset.done $0x0  }
0x3b6: {  	s13 =	sor.u32 s20, s21;
	[sflag:s8] =	ssyncadd.s32 $0xFFFFE000  }
0x3b7: {  	v0 =	vld [tilespmem:s13+$0x2010]  }
0x3b8: {  	v1 =	vld [tilespmem:s13+$0x16010]  }
0x3b9: {  	v2 =	vld [tilespmem:s13+$0x2090]  }
0x3ba: {  	v3 =	vld [tilespmem:s13+$0x16090]  }
0x3bb: {  	v4 =	vld [tilespmem:s13+$0x2110]  }
0x3bc: {  	v5 =	vld [tilespmem:s13+$0x16110]  }
0x3bd: {  	v6 =	vld [tilespmem:s13+$0x2190]  }
0x3be: {  	v7 =	vld [tilespmem:s13+$0x16190]  }
0x3bf: {  	v8 =	vld [tilespmem:s13+$0x2210]  }
0x3c0: {  	v9 =	vld [tilespmem:s13+$0x16210]  }
0x3c1: {  	v10 =	vld [tilespmem:s13+$0x2290]  }
0x3c2: {  	v59 =	vld [tilespmem:s13+$0x2180]  }
0x3c3: {  	v60 =	vld [tilespmem:s13+$0x16180]  }
0x3c4: {  	s20 =	simm.s32 $0x20;
	s21 =	simm.s32 $0x100;
	v61 =	vld [tilespmem:s13+$0x2200]  }
0x3c5: {  	s22 =	sand.u32 $0x3, s16;
	s24 =	sand.u32 $0x60, s20;
	s25 =	sand.u32 $0x1C00, s21;
	v11 =	vld [tilespmem:s13+$0x16200]  }
0x3c6: {  	s4 =	sshll.u32 s22, $0x5;
	s22 =	sor.u32 s24, s25;
	v12 =	vld [tilespmem:s13+$0x16280]  }
0x3c7: {  	v14 =	vld [tilespmem:s22+$0x2010]  }
0x3c8: {  	v15 =	vld [tilespmem:s22+$0x16010]  }
0x3c9: {  	v16 =	vld [tilespmem:s22+$0x2090]  }
0x3ca: {  	v17 =	vld [tilespmem:s22+$0x16090]  }
0x3cb: {  	v18 =	vld [tilespmem:s22+$0x2110]  }
0x3cc: {  	v19 =	vld [tilespmem:s22+$0x16110]  }
0x3cd: {  	v20 =	vld [tilespmem:s22+$0x2190]  }
0x3ce: {  	v21 =	vld [tilespmem:s22+$0x16190]  }
0x3cf: {  	v22 =	vld [tilespmem:s22+$0x2210]  }
0x3d0: {  	v23 =	vld [tilespmem:s22+$0x16210]  }
0x3d1: {  	v24 =	vld [tilespmem:s22+$0x2290]  }
0x3d2: {  	v62 =	vld [tilespmem:s22+$0x16290]  }
0x3d3: {  	v25 =	vld [tilespmem:s22+$0x2000]  }
0x3d4: {  	v0 =	vadd.f32 v1, v0;
	v1 =	vld [tilespmem:s13+$0x16290]  }
0x3d5: {  	v63 =	vld [tilespmem:s22+$0x16000];
	v2 =	vadd.f32 v3, v2  }
0x3d6: {  	v29 =	vld [tilespmem:s22+$0x2080];
	[tilespmem:s13+$0xC010] =	vst v0;
	v0 =	vadd.f32 v5, v4  }
0x3d7: {  	v31 =	vld [tilespmem:s22+$0x16080];
	[tilespmem:s13+$0xC090] =	vst v2;
	v2 =	vadd.f32 v7, v6  }
0x3d8: {  	v33 =	vld [tilespmem:s22+$0x2100];
	[tilespmem:s13+$0xC110] =	vst v0;
	v0 =	vadd.f32 v9, v8  }
0x3d9: {  	s14 =	sadd.s32 $0x0, s4;
	v3 =	vld [tilespmem:s13+$0x2000];
	[tilespmem:s13+$0xC190] =	vst v2;
	v1 =	vadd.f32 v1, v10  }
0x3da: {  	s4 =	sadd.s32 $0x10, s14;
	v7 =	vld [tilespmem:s13+$0x16100];
	[tilespmem:s13+$0xC210] =	vst v0  }
0x3db: {  	s23 =	sor.u32 $0x300, s4;
	v0 =	vld [tilespmem:s13+$0x2100];
	[tilespmem:s13+$0xC290] =	vst v1  }
0x3dc: {  	v14 =	vadd.f32 v15, v14;
	v1 =	vld [tilespmem:s23+$0x2000]  }
0x3dd: {  	v16 =	vadd.f32 v17, v16;
	v6 =	vld [tilespmem:s23+$0x16000]  }
0x3de: {  	v28 =	vadd.f32 v19, v18;
	v4 =	vld [tilespmem:s13+$0x16000];
	[tilespmem:s22+$0xC010] =	vst v14  }
0x3df: {  	v30 =	vadd.f32 v21, v20;
	v5 =	vld [tilespmem:s13+$0x2080];
	[tilespmem:s22+$0xC090] =	vst v16  }
0x3e0: {  	v32 =	vadd.f32 v23, v22;
	[tilespmem:s22+$0xC110] =	vst v28;
	v2 =	vld [tilespmem:s13+$0x16080]  }
0x3e1: {  	s26 =	simm.s32 $0x1;
	v34 =	vld [tilespmem:s22+$0x16100];
	[tilespmem:s22+$0xC190] =	vst v30;
	v0 =	vadd.f32 v7, v0  }
0x3e2: {  	s18 =	sor.u32 $0x380, s4;
	s4 =	sand.u32 $0x3, s26;
	v35 =	vld [tilespmem:s22+$0x2200];
	[tilespmem:s22+$0xC210] =	vst v32;
	v1 =	vadd.f32 v6, v1  }
0x3e3: {  	s4 =	sshll.u32 s4, $0x5;
	v15 =	vadd.f32 v62, v24;
	v3 =	vadd.f32 v4, v3;
	v4 =	vld [tilespmem:s22+$0x2180];
	[tilespmem:s13+$0xC100] =	vst v0  }
0x3e4: {  	v6 =	vld [tilespmem:s13+$0x2280];
	v0 =	vadd.f32 v11, v61;
	[tilespmem:s23+$0xC000] =	vst v1;
	s23 =	sadd.s32 $0x100, s4  }
0x3e5: {  	[tilespmem:s22+$0xC290] =	vst v15;
	v2 =	vadd.f32 v2, v5;
	v7 =	vld [tilespmem:s22+$0x16180];
	s4 =	sadd.s32 $0x10, s23  }
0x3e6: {  	[tilespmem:s13+$0xC200] =	vst v0;
	v0 =	vld [tilespmem:s22+$0x2280];
	s28 =	sor.u32 $0x300, s4  }
0x3e7: {  	[tilespmem:s13+$0xC080] =	vst v2;
	v2 =	vadd.f32 v60, v59;
	v5 =	vld [tilespmem:s28+$0x2000]  }
0x3e8: {  	[tilespmem:s13+$0xC000] =	vst v3;
	v3 =	vld [tilespmem:s28+$0x16000]  }
0x3e9: {  	[tilespmem:s13+$0xC180] =	vst v2;
	v1 =	vld [tilespmem:s18+$0x2000];
	v2 =	vadd.f32 v12, v6  }
0x3ea: {  	v13 =	vld [tilespmem:s18+$0x16000]  }
0x3eb: {  	s24 =	sor.u32 $0x300, s14;
	s14 =	simm.s32 $0x200;
	v6 =	vld [tilespmem:s22+$0x16200];
	[tilespmem:s13+$0xC280] =	vst v2;
	s13 =	simm.s32 $0x40  }
0x3ec: {  	s26 =	sand.u32 $0x1C00, s14;
	v2 =	vld [tilespmem:s22+$0x16280];
	s15 =	sand.u32 $0x60, s13  }
0x3ed: {  	s15 =	sor.u32 s15, s26;
	v3 =	vadd.f32 v3, v5;
	v5 =	vld [tilespmem:s24+$0x2000]  }
0x3ee: {  	v37 =	vld [tilespmem:s15+$0x2010]  }
0x3ef: {  	v38 =	vld [tilespmem:s15+$0x16010]  }
0x3f0: {  	v39 =	vld [tilespmem:s15+$0x2090]  }
0x3f1: {  	v40 =	vld [tilespmem:s15+$0x16090]  }
0x3f2: {  	v41 =	vld [tilespmem:s15+$0x2110]  }
0x3f3: {  	v42 =	vld [tilespmem:s15+$0x16110]  }
0x3f4: {  	v43 =	vld [tilespmem:s15+$0x2190]  }
0x3f5: {  	v44 =	vld [tilespmem:s15+$0x16190]  }
0x3f6: {  	v45 =	vld [tilespmem:s15+$0x2210]  }
0x3f7: {  	v17 =	vadd.f32 v63, v25;
	v46 =	vld [tilespmem:s15+$0x16210]  }
0x3f8: {  	v59 =	vadd.f32 v34, v33;
	v47 =	vld [tilespmem:s15+$0x2290]  }
0x3f9: {  	[tilespmem:s22+$0xC000] =	vst v17;
	v1 =	vadd.f32 v13, v1;
	v48 =	vld [tilespmem:s15+$0x16290]  }
0x3fa: {  	[tilespmem:s22+$0xC100] =	vst v59;
	v49 =	vld [tilespmem:s15+$0x2000]  }
0x3fb: {  	[tilespmem:s18+$0xC000] =	vst v1;
	v1 =	vadd.f32 v31, v29;
	v50 =	vld [tilespmem:s15+$0x16000]  }
0x3fc: {  	v52 =	vld [tilespmem:s15+$0x2080];
	[tilespmem:s28+$0xC000] =	vst v3;
	v10 =	vadd.f32 v38, v37  }
0x3fd: {  	v53 =	vld [tilespmem:s15+$0x16080];
	[tilespmem:s22+$0xC080] =	vst v1;
	v1 =	vadd.f32 v40, v39  }
0x3fe: {  	s18 =	simm.s32 $0x2;
	v56 =	vld [tilespmem:s15+$0x2100];
	v51 =	vadd.f32 v42, v41;
	[tilespmem:s15+$0xC010] =	vst v10  }
0x3ff: {  	v58 =	vld [tilespmem:s15+$0x16100];
	s28 =	sand.u32 $0x3, s18;
	[tilespmem:s15+$0xC090] =	vst v1;
	v1 =	vadd.f32 v44, v43  }
0x400: {  	s25 =	sor.u32 $0x380, s4;
	v60 =	vld [tilespmem:s15+$0x2180];
	s4 =	sshll.u32 s28, $0x5;
	v54 =	vadd.f32 v46, v45;
	[tilespmem:s15+$0xC110] =	vst v51  }
0x401: {  	v3 =	vld [tilespmem:s24+$0x16000];
	s4 =	sadd.s32 $0x200, s4;
	[tilespmem:s15+$0xC190] =	vst v1;
	v1 =	vadd.f32 v48, v47  }
0x402: {  	v4 =	vadd.f32 v7, v4;
	v36 =	vld [tilespmem:s25+$0x2000];
	s26 =	sadd.s32 $0x10, s4;
	[tilespmem:s15+$0xC210] =	vst v54  }
0x403: {  	v6 =	vadd.f32 v6, v35;
	v55 =	vld [tilespmem:s25+$0x16000];
	s28 =	sor.u32 $0x300, s26;
	[tilespmem:s15+$0xC290] =	vst v1  }
0x404: {  	[tilespmem:s22+$0xC180] =	vst v4;
	v0 =	vadd.f32 v2, v0;
	v61 =	vld [tilespmem:s28+$0x2000]  }
0x405: {  	[tilespmem:s22+$0xC200] =	vst v6;
	v57 =	vadd.f32 v50, v49;
	v62 =	vld [tilespmem:s28+$0x16000]  }
0x406: {  	v7 =	vld [tilespmem:s15+$0x16180];
	[tilespmem:s22+$0xC280] =	vst v0;
	v1 =	vadd.f32 v53, v52  }
0x407: {  	v63 =	vld [tilespmem:s15+$0x2200];
	[tilespmem:s15+$0xC000] =	vst v57;
	v3 =	vadd.f32 v3, v5  }
0x408: {  	v2 =	vld [tilespmem:s15+$0x16200];
	[tilespmem:s15+$0xC080] =	vst v1;
	v1 =	vadd.f32 v58, v56  }
0x409: {  	v0 =	vadd.f32 v55, v36;
	[tilespmem:s24+$0xC000] =	vst v3;
	v3 =	vld [tilespmem:s15+$0x16280]  }
0x40a: {  	s16 =	sor.u32 s16, s17;
	s22 =	sor.u32 $0x300, s23;
	[tilespmem:s15+$0xC100] =	vst v1;
	v1 =	vld [tilespmem:s15+$0x2280];
	v4 =	vadd.f32 v62, v61  }
0x40b: {  	s16 =	sor.u32 $0x380, s16;
	v5 =	vadd.f32 v7, v60;
	[tilespmem:s25+$0xC000] =	vst v0;
	v0 =	vld [tilespmem:s22+$0x2000]  }
0x40c: {  	s23 =	sor.u32 $0x380, s26;
	s24 =	sor.u32 s21, s20;
	s25 =	sor.u32 s14, s13;
	[tilespmem:s28+$0xC000] =	vst v4;
	v4 =	vld [tilespmem:s22+$0x16000]  }
0x40d: {  	s21 =	sor.u32 $0x300, s4;
	[tilespmem:s15+$0xC180] =	vst v5;
	v5 =	vadd.f32 v2, v63;
	s17 =	sor.u32 $0x380, s24;
	s20 =	sor.u32 $0x380, s25;
	v2 =	vld [tilespmem:s23+$0x2000]  }
.LBB2_14:
0x40e: {  	s13 =	sadd.s32 $0x20, s13;
	v6 =	vld [tilespmem:s23+$0x16000];
	s14 =	sadd.s32 $0x100, s14  }
0x40f: {  	s4 =	sand.u32 $0x60, s13;
	s24 =	sand.u32 $0x1C00, s14;
	s25 =	sor.u32 s14, s13;
	[tilespmem:s15+$0xC200] =	vst v5;
	v1 =	vadd.f32 v3, v1;
	v3 =	vld [tilespmem:s16+$0x2000]  }
0x410: {  	p0 =	slt.u32 s13, $0x3E0;
	s4 =	sor.u32 s4, s24;
	s24 =	sor.u32 $0x380, s25;
	v5 =	vld [tilespmem:s16+$0x16000]  }
0x411: {  	v7 =	vld [tilespmem:s4+$0x2010];
	[tilespmem:s15+$0xC280] =	vst v1;
	v0 =	vadd.f32 v4, v0;
	s15 =	smov.u32 s4  }
0x412: {  	v1 =	vld [tilespmem:s15+$0x16010]  }
0x413: {  	v4 =	vld [tilespmem:s15+$0x2090];
	v2 =	vadd.f32 v6, v2;
	[tilespmem:s22+$0xC000] =	vst v0;
	s22 =	smov.u32 s21  }
0x414: {  	v0 =	vld [tilespmem:s15+$0x16090]  }
0x415: {  	v6 =	vld [tilespmem:s15+$0x2110];
	[tilespmem:s23+$0xC000] =	vst v2;
	v2 =	vadd.f32 v5, v3  }
0x416: {  	v3 =	vld [tilespmem:s15+$0x16110]  }
0x417: {  	v5 =	vld [tilespmem:s15+$0x2190];
	[tilespmem:s16+$0xC000] =	vst v2;
	s16 =	smov.u32 s17;
	s17 =	smov.u32 s20;
	s20 =	smov.u32 s24  }
0x418: {  	v2 =	vld [tilespmem:s15+$0x16190]  }
0x419: {  	v8 =	vld [tilespmem:s15+$0x2210]  }
0x41a: {  	v9 =	vld [tilespmem:s15+$0x16210]  }
0x41b: {  	v10 =	vld [tilespmem:s15+$0x2290]  }
0x41c: {  	v1 =	vadd.f32 v1, v7;
	v7 =	vld [tilespmem:s15+$0x16290]  }
0x41d: {  	v0 =	vadd.f32 v0, v4;
	v11 =	vld [tilespmem:s15+$0x2000]  }
0x41e: {  	s18 =	sadd.s32 $0x1, s18;
	v4 =	vld [tilespmem:s15+$0x16000];
	[tilespmem:s15+$0xC010] =	vst v1;
	v1 =	vadd.f32 v3, v6  }
0x41f: {  	s4 =	sand.u32 $0x3, s18;
	v3 =	vld [tilespmem:s15+$0x2080];
	[tilespmem:s15+$0xC090] =	vst v0;
	v0 =	vadd.f32 v2, v5  }
0x420: {  	s4 =	sshll.u32 s4, $0x5;
	v2 =	vld [tilespmem:s15+$0x16080];
	[tilespmem:s15+$0xC110] =	vst v1;
	v1 =	vadd.f32 v9, v8  }
0x421: {  	s4 =	sadd.s32 s4, s14;
	v5 =	vld [tilespmem:s15+$0x2100];
	[tilespmem:s15+$0xC190] =	vst v0;
	v0 =	vadd.f32 v7, v10  }
0x422: {  	s21 =	sor.u32 $0x300, s4;
	s4 =	sadd.s32 $0x10, s4;
	v6 =	vld [tilespmem:s15+$0x16100];
	[tilespmem:s15+$0xC210] =	vst v1  }
0x423: {  	s23 =	sor.u32 $0x300, s4;
	v1 =	vadd.f32 v4, v11;
	v4 =	vld [tilespmem:s15+$0x2180];
	[tilespmem:s15+$0xC290] =	vst v0  }
0x424: {  	v0 =	vld [tilespmem:s23+$0x2000]  }
0x425: {  	[tilespmem:s15+$0xC000] =	vst v1;
	v1 =	vadd.f32 v2, v3;
	v2 =	vld [tilespmem:s23+$0x16000]  }
0x426: {  	v7 =	vld [tilespmem:s15+$0x16180]  }
0x427: {  	[tilespmem:s15+$0xC080] =	vst v1;
	v1 =	vadd.f32 v6, v5;
	v5 =	vld [tilespmem:s15+$0x2200]  }
0x428: {  	v6 =	vld [tilespmem:s15+$0x16200]  }
.Ltmp6:
0x429: {  	[tilespmem:s15+$0xC100] =	vst v1;
	v1 =	vld [tilespmem:s15+$0x2280];
	(pc) =	sbr.rel @p0 .LBB2_14-.Ltmp6, $4  }
0x42a: {  	v3 =	vld [tilespmem:s15+$0x16280];
	v2 =	vadd.f32 v2, v0  }
0x42b: {  	v7 =	vadd.f32 v7, v4;
	v0 =	vld [tilespmem:s22+$0x2000]  }
0x42c: {  	[tilespmem:s23+$0xC000] =	vst v2;
	s23 =	sor.u32 $0x380, s4;
	v4 =	vld [tilespmem:s22+$0x16000]  }
0x42d: {  	[tilespmem:s15+$0xC180] =	vst v7;
	v5 =	vadd.f32 v6, v5;
	v2 =	vld [tilespmem:s23+$0x2000]  }
0x42e: {  	_ = 	snop  }
0x42f: {  	v1 =	vadd.f32 v3, v1  }
0x430: {  	[tilespmem:s15+$0xC200] =	vst v5  }
0x431: {  	[tilespmem:s15+$0xC280] =	vst v1  }
0x432: {  	v1 =	vld [tilespmem:s21+$0x2000]  }
0x433: {  	v3 =	vld [tilespmem:s21+$0x16000];
	_ =	sdelay $0x2  }
0x434: {  	v6 =	vld [tilespmem:s16+$0x16000];
	v0 =	vadd.f32 v4, v0  }
0x435: {  	v5 =	vld [tilespmem:s23+$0x16000]  }
0x436: {  	v4 =	vld [tilespmem:s16+$0x2000];
	[tilespmem:s22+$0xC000] =	vst v0;
	v0 =	vadd.f32 v3, v1  }
0x437: {  	v1 =	vld [tilespmem:s17+$0x2000]  }
0x438: {  	v3 =	vld [tilespmem:s17+$0x16000];
	[tilespmem:s21+$0xC000] =	vst v0  }
0x439: {  	v0 =	vld [tilespmem:s20+$0x2000]  }
0x43a: {  	v7 =	vld [tilespmem:s20+$0x16000];
	_ =	sdelay $0x1  }
0x43b: {  	v2 =	vadd.f32 v5, v2  }
0x43c: {  	v4 =	vadd.f32 v6, v4  }
0x43d: {  	[tilespmem:s23+$0xC000] =	vst v2;
	v1 =	vadd.f32 v3, v1  }
0x43e: {  	[tilespmem:s16+$0xC000] =	vst v4;
	v0 =	vadd.f32 v7, v0  }
0x43f: {  	[tilespmem:s17+$0xC000] =	vst v1  }
0x440: {  	[tilespmem:s20+$0xC000] =	vst v0  }
0x441: {  	s13 =	simm.s32 $0xC000;
	s16 =	simm.s32 $0x0;
	s4 =	rddreg [dreg:$0x1a]  }
0x442: {  	[hbm4b:s4+s16] =	stream.linear.scatter [tilespmem:s13], [sflag:$0x7], $0x2000, $0x38;
	[tilespmem:$0x1E000] =	vst v63  }
0x443: {  	_ =	swait.ge [sflag:s2], $0x2000  }
0x444: {  	[sflag:s2] =	ssyncset.done $0x0  }
0x445: {  	[sflag:s2] =	ssyncadd.s32 $0xFFFFE000  }
0x446: {  	_ =	swait.ge [sflag:s0], $0x2000  }
0x447: {  	[sflag:s0] =	ssyncset.done $0x0  }
0x448: {  	[sflag:s0] =	ssyncadd.s32 $0xFFFFE000  }
0x449: {  	s17 =	simm.s32 $0x0;
	_ =	swait.ge [sflag:s9], $0x2000  }
0x44a: {  	s21 =	sand.u32 $0x1C00, s16;
	s20 =	sand.u32 $0x60, s17;
	[sflag:s9] =	ssyncset.done $0x0  }
0x44b: {  	s13 =	sor.u32 s20, s21;
	[sflag:s9] =	ssyncadd.s32 $0xFFFFE000  }
0x44c: {  	v0 =	vld [tilespmem:s13+$0x4010]  }
0x44d: {  	v1 =	vld [tilespmem:s13+$0x18010]  }
0x44e: {  	v2 =	vld [tilespmem:s13+$0x4090]  }
0x44f: {  	v3 =	vld [tilespmem:s13+$0x18090]  }
0x450: {  	v4 =	vld [tilespmem:s13+$0x4110]  }
0x451: {  	v5 =	vld [tilespmem:s13+$0x18110]  }
0x452: {  	v6 =	vld [tilespmem:s13+$0x4190]  }
0x453: {  	v7 =	vld [tilespmem:s13+$0x18190]  }
0x454: {  	v8 =	vld [tilespmem:s13+$0x4210]  }
0x455: {  	v9 =	vld [tilespmem:s13+$0x18210]  }
0x456: {  	v10 =	vld [tilespmem:s13+$0x4290]  }
0x457: {  	v59 =	vld [tilespmem:s13+$0x4180]  }
0x458: {  	v60 =	vld [tilespmem:s13+$0x18180]  }
0x459: {  	s20 =	simm.s32 $0x20;
	s21 =	simm.s32 $0x100;
	v61 =	vld [tilespmem:s13+$0x4200]  }
0x45a: {  	s22 =	sand.u32 $0x3, s16;
	s24 =	sand.u32 $0x60, s20;
	s25 =	sand.u32 $0x1C00, s21;
	v11 =	vld [tilespmem:s13+$0x18200]  }
0x45b: {  	s4 =	sshll.u32 s22, $0x5;
	s22 =	sor.u32 s24, s25;
	v12 =	vld [tilespmem:s13+$0x18280]  }
0x45c: {  	v14 =	vld [tilespmem:s22+$0x4010]  }
0x45d: {  	v15 =	vld [tilespmem:s22+$0x18010]  }
0x45e: {  	v16 =	vld [tilespmem:s22+$0x4090]  }
0x45f: {  	v17 =	vld [tilespmem:s22+$0x18090]  }
0x460: {  	v18 =	vld [tilespmem:s22+$0x4110]  }
0x461: {  	v19 =	vld [tilespmem:s22+$0x18110]  }
0x462: {  	v20 =	vld [tilespmem:s22+$0x4190]  }
0x463: {  	v21 =	vld [tilespmem:s22+$0x18190]  }
0x464: {  	v22 =	vld [tilespmem:s22+$0x4210]  }
0x465: {  	v23 =	vld [tilespmem:s22+$0x18210]  }
0x466: {  	v24 =	vld [tilespmem:s22+$0x4290]  }
0x467: {  	v62 =	vld [tilespmem:s22+$0x18290]  }
0x468: {  	v25 =	vld [tilespmem:s22+$0x4000]  }
0x469: {  	v0 =	vadd.f32 v1, v0;
	v1 =	vld [tilespmem:s13+$0x18290]  }
0x46a: {  	v63 =	vld [tilespmem:s22+$0x18000];
	v2 =	vadd.f32 v3, v2  }
0x46b: {  	v29 =	vld [tilespmem:s22+$0x4080];
	[tilespmem:s13+$0xE010] =	vst v0;
	v0 =	vadd.f32 v5, v4  }
0x46c: {  	v31 =	vld [tilespmem:s22+$0x18080];
	[tilespmem:s13+$0xE090] =	vst v2;
	v2 =	vadd.f32 v7, v6  }
0x46d: {  	v33 =	vld [tilespmem:s22+$0x4100];
	[tilespmem:s13+$0xE110] =	vst v0;
	v0 =	vadd.f32 v9, v8  }
0x46e: {  	s14 =	sadd.s32 $0x0, s4;
	v3 =	vld [tilespmem:s13+$0x4000];
	[tilespmem:s13+$0xE190] =	vst v2;
	v1 =	vadd.f32 v1, v10  }
0x46f: {  	s4 =	sadd.s32 $0x10, s14;
	v7 =	vld [tilespmem:s13+$0x18100];
	[tilespmem:s13+$0xE210] =	vst v0  }
0x470: {  	s23 =	sor.u32 $0x300, s4;
	v0 =	vld [tilespmem:s13+$0x4100];
	[tilespmem:s13+$0xE290] =	vst v1  }
0x471: {  	v14 =	vadd.f32 v15, v14;
	v1 =	vld [tilespmem:s23+$0x4000]  }
0x472: {  	v16 =	vadd.f32 v17, v16;
	v6 =	vld [tilespmem:s23+$0x18000]  }
0x473: {  	v28 =	vadd.f32 v19, v18;
	v4 =	vld [tilespmem:s13+$0x18000];
	[tilespmem:s22+$0xE010] =	vst v14  }
0x474: {  	v30 =	vadd.f32 v21, v20;
	v5 =	vld [tilespmem:s13+$0x4080];
	[tilespmem:s22+$0xE090] =	vst v16  }
0x475: {  	v32 =	vadd.f32 v23, v22;
	[tilespmem:s22+$0xE110] =	vst v28;
	v2 =	vld [tilespmem:s13+$0x18080]  }
0x476: {  	s26 =	simm.s32 $0x1;
	v34 =	vld [tilespmem:s22+$0x18100];
	[tilespmem:s22+$0xE190] =	vst v30;
	v0 =	vadd.f32 v7, v0  }
0x477: {  	s18 =	sor.u32 $0x380, s4;
	s4 =	sand.u32 $0x3, s26;
	v35 =	vld [tilespmem:s22+$0x4200];
	[tilespmem:s22+$0xE210] =	vst v32;
	v1 =	vadd.f32 v6, v1  }
0x478: {  	s4 =	sshll.u32 s4, $0x5;
	v15 =	vadd.f32 v62, v24;
	v3 =	vadd.f32 v4, v3;
	v4 =	vld [tilespmem:s22+$0x4180];
	[tilespmem:s13+$0xE100] =	vst v0  }
0x479: {  	v6 =	vld [tilespmem:s13+$0x4280];
	v0 =	vadd.f32 v11, v61;
	[tilespmem:s23+$0xE000] =	vst v1;
	s23 =	sadd.s32 $0x100, s4  }
0x47a: {  	[tilespmem:s22+$0xE290] =	vst v15;
	v2 =	vadd.f32 v2, v5;
	v7 =	vld [tilespmem:s22+$0x18180];
	s4 =	sadd.s32 $0x10, s23  }
0x47b: {  	[tilespmem:s13+$0xE200] =	vst v0;
	v0 =	vld [tilespmem:s22+$0x4280];
	s28 =	sor.u32 $0x300, s4  }
0x47c: {  	[tilespmem:s13+$0xE080] =	vst v2;
	v2 =	vadd.f32 v60, v59;
	v5 =	vld [tilespmem:s28+$0x4000]  }
0x47d: {  	[tilespmem:s13+$0xE000] =	vst v3;
	v3 =	vld [tilespmem:s28+$0x18000]  }
0x47e: {  	[tilespmem:s13+$0xE180] =	vst v2;
	v1 =	vld [tilespmem:s18+$0x4000];
	v2 =	vadd.f32 v12, v6  }
0x47f: {  	v13 =	vld [tilespmem:s18+$0x18000]  }
0x480: {  	s24 =	sor.u32 $0x300, s14;
	s14 =	simm.s32 $0x200;
	v6 =	vld [tilespmem:s22+$0x18200];
	[tilespmem:s13+$0xE280] =	vst v2;
	s13 =	simm.s32 $0x40  }
0x481: {  	s26 =	sand.u32 $0x1C00, s14;
	v2 =	vld [tilespmem:s22+$0x18280];
	s15 =	sand.u32 $0x60, s13  }
0x482: {  	s15 =	sor.u32 s15, s26;
	v3 =	vadd.f32 v3, v5;
	v5 =	vld [tilespmem:s24+$0x4000]  }
0x483: {  	v37 =	vld [tilespmem:s15+$0x4010]  }
0x484: {  	v38 =	vld [tilespmem:s15+$0x18010]  }
0x485: {  	v39 =	vld [tilespmem:s15+$0x4090]  }
0x486: {  	v40 =	vld [tilespmem:s15+$0x18090]  }
0x487: {  	v41 =	vld [tilespmem:s15+$0x4110]  }
0x488: {  	v42 =	vld [tilespmem:s15+$0x18110]  }
0x489: {  	v43 =	vld [tilespmem:s15+$0x4190]  }
0x48a: {  	v44 =	vld [tilespmem:s15+$0x18190]  }
0x48b: {  	v45 =	vld [tilespmem:s15+$0x4210]  }
0x48c: {  	v17 =	vadd.f32 v63, v25;
	v46 =	vld [tilespmem:s15+$0x18210]  }
0x48d: {  	v59 =	vadd.f32 v34, v33;
	v47 =	vld [tilespmem:s15+$0x4290]  }
0x48e: {  	[tilespmem:s22+$0xE000] =	vst v17;
	v1 =	vadd.f32 v13, v1;
	v48 =	vld [tilespmem:s15+$0x18290]  }
0x48f: {  	[tilespmem:s22+$0xE100] =	vst v59;
	v49 =	vld [tilespmem:s15+$0x4000]  }
0x490: {  	[tilespmem:s18+$0xE000] =	vst v1;
	v1 =	vadd.f32 v31, v29;
	v50 =	vld [tilespmem:s15+$0x18000]  }
0x491: {  	v52 =	vld [tilespmem:s15+$0x4080];
	[tilespmem:s28+$0xE000] =	vst v3;
	v10 =	vadd.f32 v38, v37  }
0x492: {  	v53 =	vld [tilespmem:s15+$0x18080];
	[tilespmem:s22+$0xE080] =	vst v1;
	v1 =	vadd.f32 v40, v39  }
0x493: {  	s18 =	simm.s32 $0x2;
	v56 =	vld [tilespmem:s15+$0x4100];
	v51 =	vadd.f32 v42, v41;
	[tilespmem:s15+$0xE010] =	vst v10  }
0x494: {  	v58 =	vld [tilespmem:s15+$0x18100];
	s28 =	sand.u32 $0x3, s18;
	[tilespmem:s15+$0xE090] =	vst v1;
	v1 =	vadd.f32 v44, v43  }
0x495: {  	s25 =	sor.u32 $0x380, s4;
	v60 =	vld [tilespmem:s15+$0x4180];
	s4 =	sshll.u32 s28, $0x5;
	v54 =	vadd.f32 v46, v45;
	[tilespmem:s15+$0xE110] =	vst v51  }
0x496: {  	v3 =	vld [tilespmem:s24+$0x18000];
	s4 =	sadd.s32 $0x200, s4;
	[tilespmem:s15+$0xE190] =	vst v1;
	v1 =	vadd.f32 v48, v47  }
0x497: {  	v4 =	vadd.f32 v7, v4;
	v36 =	vld [tilespmem:s25+$0x4000];
	s26 =	sadd.s32 $0x10, s4;
	[tilespmem:s15+$0xE210] =	vst v54  }
0x498: {  	v6 =	vadd.f32 v6, v35;
	v55 =	vld [tilespmem:s25+$0x18000];
	s28 =	sor.u32 $0x300, s26;
	[tilespmem:s15+$0xE290] =	vst v1  }
0x499: {  	[tilespmem:s22+$0xE180] =	vst v4;
	v0 =	vadd.f32 v2, v0;
	v61 =	vld [tilespmem:s28+$0x4000]  }
0x49a: {  	[tilespmem:s22+$0xE200] =	vst v6;
	v57 =	vadd.f32 v50, v49;
	v62 =	vld [tilespmem:s28+$0x18000]  }
0x49b: {  	v7 =	vld [tilespmem:s15+$0x18180];
	[tilespmem:s22+$0xE280] =	vst v0;
	v1 =	vadd.f32 v53, v52  }
0x49c: {  	v63 =	vld [tilespmem:s15+$0x4200];
	[tilespmem:s15+$0xE000] =	vst v57;
	v3 =	vadd.f32 v3, v5  }
0x49d: {  	v2 =	vld [tilespmem:s15+$0x18200];
	[tilespmem:s15+$0xE080] =	vst v1;
	v1 =	vadd.f32 v58, v56  }
0x49e: {  	v0 =	vadd.f32 v55, v36;
	[tilespmem:s24+$0xE000] =	vst v3;
	v3 =	vld [tilespmem:s15+$0x18280]  }
0x49f: {  	s16 =	sor.u32 s16, s17;
	s22 =	sor.u32 $0x300, s23;
	[tilespmem:s15+$0xE100] =	vst v1;
	v1 =	vld [tilespmem:s15+$0x4280];
	v4 =	vadd.f32 v62, v61  }
0x4a0: {  	s16 =	sor.u32 $0x380, s16;
	v5 =	vadd.f32 v7, v60;
	[tilespmem:s25+$0xE000] =	vst v0;
	v0 =	vld [tilespmem:s22+$0x4000]  }
0x4a1: {  	s23 =	sor.u32 $0x380, s26;
	s24 =	sor.u32 s21, s20;
	s25 =	sor.u32 s14, s13;
	[tilespmem:s28+$0xE000] =	vst v4;
	v4 =	vld [tilespmem:s22+$0x18000]  }
0x4a2: {  	s21 =	sor.u32 $0x300, s4;
	[tilespmem:s15+$0xE180] =	vst v5;
	v5 =	vadd.f32 v2, v63;
	s17 =	sor.u32 $0x380, s24;
	s20 =	sor.u32 $0x380, s25;
	v2 =	vld [tilespmem:s23+$0x4000]  }
.LBB2_16:
0x4a3: {  	s13 =	sadd.s32 $0x20, s13;
	v6 =	vld [tilespmem:s23+$0x18000];
	s14 =	sadd.s32 $0x100, s14  }
0x4a4: {  	s4 =	sand.u32 $0x60, s13;
	s24 =	sand.u32 $0x1C00, s14;
	s25 =	sor.u32 s14, s13;
	[tilespmem:s15+$0xE200] =	vst v5;
	v1 =	vadd.f32 v3, v1;
	v3 =	vld [tilespmem:s16+$0x4000]  }
0x4a5: {  	p0 =	slt.u32 s13, $0x3E0;
	s4 =	sor.u32 s4, s24;
	s24 =	sor.u32 $0x380, s25;
	v5 =	vld [tilespmem:s16+$0x18000]  }
0x4a6: {  	v7 =	vld [tilespmem:s4+$0x4010];
	[tilespmem:s15+$0xE280] =	vst v1;
	v0 =	vadd.f32 v4, v0;
	s15 =	smov.u32 s4  }
0x4a7: {  	v1 =	vld [tilespmem:s15+$0x18010]  }
0x4a8: {  	v4 =	vld [tilespmem:s15+$0x4090];
	v2 =	vadd.f32 v6, v2;
	[tilespmem:s22+$0xE000] =	vst v0;
	s22 =	smov.u32 s21  }
0x4a9: {  	v0 =	vld [tilespmem:s15+$0x18090]  }
0x4aa: {  	v6 =	vld [tilespmem:s15+$0x4110];
	[tilespmem:s23+$0xE000] =	vst v2;
	v2 =	vadd.f32 v5, v3  }
0x4ab: {  	v3 =	vld [tilespmem:s15+$0x18110]  }
0x4ac: {  	v5 =	vld [tilespmem:s15+$0x4190];
	[tilespmem:s16+$0xE000] =	vst v2;
	s16 =	smov.u32 s17;
	s17 =	smov.u32 s20;
	s20 =	smov.u32 s24  }
0x4ad: {  	v2 =	vld [tilespmem:s15+$0x18190]  }
0x4ae: {  	v8 =	vld [tilespmem:s15+$0x4210]  }
0x4af: {  	v9 =	vld [tilespmem:s15+$0x18210]  }
0x4b0: {  	v10 =	vld [tilespmem:s15+$0x4290]  }
0x4b1: {  	v1 =	vadd.f32 v1, v7;
	v7 =	vld [tilespmem:s15+$0x18290]  }
0x4b2: {  	v0 =	vadd.f32 v0, v4;
	v11 =	vld [tilespmem:s15+$0x4000]  }
0x4b3: {  	s18 =	sadd.s32 $0x1, s18;
	v4 =	vld [tilespmem:s15+$0x18000];
	[tilespmem:s15+$0xE010] =	vst v1;
	v1 =	vadd.f32 v3, v6  }
0x4b4: {  	s4 =	sand.u32 $0x3, s18;
	v3 =	vld [tilespmem:s15+$0x4080];
	[tilespmem:s15+$0xE090] =	vst v0;
	v0 =	vadd.f32 v2, v5  }
0x4b5: {  	s4 =	sshll.u32 s4, $0x5;
	v2 =	vld [tilespmem:s15+$0x18080];
	[tilespmem:s15+$0xE110] =	vst v1;
	v1 =	vadd.f32 v9, v8  }
0x4b6: {  	s4 =	sadd.s32 s4, s14;
	v5 =	vld [tilespmem:s15+$0x4100];
	[tilespmem:s15+$0xE190] =	vst v0;
	v0 =	vadd.f32 v7, v10  }
0x4b7: {  	s21 =	sor.u32 $0x300, s4;
	s4 =	sadd.s32 $0x10, s4;
	v6 =	vld [tilespmem:s15+$0x18100];
	[tilespmem:s15+$0xE210] =	vst v1  }
0x4b8: {  	s23 =	sor.u32 $0x300, s4;
	v1 =	vadd.f32 v4, v11;
	v4 =	vld [tilespmem:s15+$0x4180];
	[tilespmem:s15+$0xE290] =	vst v0  }
0x4b9: {  	v0 =	vld [tilespmem:s23+$0x4000]  }
0x4ba: {  	[tilespmem:s15+$0xE000] =	vst v1;
	v1 =	vadd.f32 v2, v3;
	v2 =	vld [tilespmem:s23+$0x18000]  }
0x4bb: {  	v7 =	vld [tilespmem:s15+$0x18180]  }
0x4bc: {  	[tilespmem:s15+$0xE080] =	vst v1;
	v1 =	vadd.f32 v6, v5;
	v5 =	vld [tilespmem:s15+$0x4200]  }
0x4bd: {  	v6 =	vld [tilespmem:s15+$0x18200]  }
.Ltmp7:
0x4be: {  	[tilespmem:s15+$0xE100] =	vst v1;
	v1 =	vld [tilespmem:s15+$0x4280];
	(pc) =	sbr.rel @p0 .LBB2_16-.Ltmp7, $4  }
0x4bf: {  	v3 =	vld [tilespmem:s15+$0x18280];
	v2 =	vadd.f32 v2, v0  }
0x4c0: {  	v7 =	vadd.f32 v7, v4;
	v0 =	vld [tilespmem:s22+$0x4000]  }
0x4c1: {  	[tilespmem:s23+$0xE000] =	vst v2;
	s23 =	sor.u32 $0x380, s4;
	v4 =	vld [tilespmem:s22+$0x18000]  }
0x4c2: {  	[tilespmem:s15+$0xE180] =	vst v7;
	v5 =	vadd.f32 v6, v5;
	v2 =	vld [tilespmem:s23+$0x4000]  }
0x4c3: {  	_ = 	snop  }
0x4c4: {  	v1 =	vadd.f32 v3, v1  }
0x4c5: {  	[tilespmem:s15+$0xE200] =	vst v5  }
0x4c6: {  	[tilespmem:s15+$0xE280] =	vst v1  }
0x4c7: {  	v1 =	vld [tilespmem:s21+$0x4000]  }
0x4c8: {  	v58 =	vld [tilespmem:s21+$0x18000];
	_ =	sdelay $0x2  }
0x4c9: {  	v59 =	vld [tilespmem:s23+$0x18000];
	v0 =	vadd.f32 v4, v0  }
0x4ca: {  	v60 =	vld [tilespmem:s16+$0x4000]  }
0x4cb: {  	v6 =	vld [tilespmem:s16+$0x18000];
	[tilespmem:s22+$0xE000] =	vst v0;
	v61 =	vadd.f32 v58, v1  }
0x4cc: {  	v62 =	vld [tilespmem:s17+$0x4000]  }
0x4cd: {  	v63 =	vld [tilespmem:s17+$0x18000];
	[tilespmem:s21+$0xE000] =	vst v61  }
0x4ce: {  	v0 =	vld [tilespmem:s20+$0x4000]  }
0x4cf: {  	v7 =	vld [tilespmem:s20+$0x18000];
	_ =	sdelay $0x1  }
0x4d0: {  	v2 =	vadd.f32 v59, v2  }
0x4d1: {  	v4 =	vadd.f32 v6, v60  }
0x4d2: {  	[tilespmem:s23+$0xE000] =	vst v2;
	v1 =	vadd.f32 v63, v62  }
0x4d3: {  	[tilespmem:s16+$0xE000] =	vst v4;
	v0 =	vadd.f32 v7, v0  }
0x4d4: {  	[tilespmem:s17+$0xE000] =	vst v1  }
0x4d5: {  	[tilespmem:s20+$0xE000] =	vst v0  }
0x4d6: {  	s13 =	simm.s32 $0xE000;
	s4 =	rddreg [dreg:$0x1b]  }
0x4d7: {  	[hbm4b:s4+s1] =	stream.linear.scatter [tilespmem:s13], [sflag:$0x8], $0x2000, $0x38;
	[tilespmem:$0x1E000] =	vst v63  }
0x4d8: {  	_ =	swait.ge [sflag:s10], $0x2000  }
0x4d9: {  	[sflag:s10] =	ssyncset.done $0x0  }
0x4da: {  	[sflag:s10] =	ssyncadd.s32 $0xFFFFE000  }
0x4db: {  	_ =	swait.ge [sflag:s11], $0x2000  }
0x4dc: {  	[sflag:s11] =	ssyncset.done $0x0  }
0x4dd: {  	[sflag:s11] =	ssyncadd.s32 $0xFFFFE000  }
0x4de: {  	_ =	swait.ge [sflag:s7], $0x2000  }
0x4df: {  	[sflag:s7] =	ssyncset.done $0x0  }
0x4e0: {  	[sflag:s7] =	ssyncadd.s32 $0xFFFFE000  }
0x4e1: {  	_ =	swait.ge [sflag:s8], $0x2000  }
0x4e2: {  	[sflag:s8] =	ssyncset.done $0x0  }
0x4e3: {  	[sflag:s8] =	ssyncadd.s32 $0xFFFFE000  }
0x4e4: {  	_ =	swait.ge [sflag:s9], $0x2000  }
0x4e5: {  	s12 =	sadd.s32 $0x1, s12;
	s28 =	rddreg [dreg:$0x1c]  }
0x4e6: {  	p0 =	sne.s32 s12, s28  }
.Ltmp8:
0x4e7: {  	_ = 	snop;
	(pc) =	sbr.rel @p0 .LBB2_1-.Ltmp8, $3  }
0x4e8: {  	_ =	sdelay $0x1  }
0x4e9: {  	[sflag:s9] =	ssyncset.done $0x0  }
0x4ea: {  	[sflag:s9] =	ssyncadd.s32 $0xFFFFE000  }
0x4eb: {  	_ =	sfence.sel $0x180000  }
0x4ec: {  	[bflag:$0x0] =	sbarrier.arrive $0xFFFF  }
0x4ed: {  	_ =	strace $0x90000047  }
0x4ee: {  	s0 =	stileid.u32;
	[bflag:$0x2] =	sbarrier.arrive $0xFFFF  }
0x4ef: {  	p0 =	sne.s32 s0, $0x0;
	s0 =	rddreg [dreg:$0x3]  }
0x4f0: {  	s0 =	sadd.s32 @!p0 $0x100000, s0  }
0x4f1: {  	[sflag:s0] =	ssyncadd.tile.s32 @!p0 $0x1;
	_ =	shalt  }
.Lfunc_end2:
_tile_overlayer_lowered:
.L_overlay_start_2:
0x4f2: {  	(tag) =	ssettag $0x2  }
0x4f3: {  	s0 =	rddreg [dreg:$0x0];
	s2 =	stileid.u32  }
0x4f4: {  	s1 =	rddreg [dreg:$0x1];
	p0 =	sne.s32 s2, $0x0  }
0x4f5: {  	s3 =	rddreg [dreg:$0x2];
	[bflag:$0x3] =	sbarrier.arrive $0xFFFF;
	s2 =	simm.s32 @!p0 $0x1C10  }
0x4f6: {  	[timem:s3], [sflag:s2] =	dma.local @!p0 [hbm:s0], s1  }
0x4f7: {  	s0 =	simm.s32 @!p0 $0x10  }
0x4f8: {  	_ =	swait.ge @!p0 [sflag:s0], s1  }
0x4f9: {  	s1 =	ssub.s32 @!p0 $0x0, s1;
	[sflag:s0] =	ssyncset.done @!p0 $0x0  }
0x4fa: {  	[sflag:s0] =	ssyncadd.s32 @!p0 s1  }
0x4fb: {  	[bflag:$0x3] =	sbarrier.arrive $0xFFFF  }
0x4fc: {  	_ =	shalt  }

</sc_bundles>
